<compile_context>
chip_gen: v7x
topology: tpu7x:2x2x1
jax: 0.10.2.dev20260603
libtpu: 0.0.44.dev20260713+nightly
codegen_flags: <defaults>
</compile_context>

<pallas_src>
import functools

import jax
import jax.numpy as jnp
from jax import lax
from jax.experimental import pallas as pl
from jax.experimental.pallas import tpu as pltpu
from jax.experimental.pallas import tpu_sc as plsc

N = 4096
E = 131072
E2 = E + N
NGRAPH = 128
NW = 32
NB = N // NW


def _ln(x, g, b):
    m = x.mean(-1, keepdims=True)
    v = ((x - m) ** 2).mean(-1, keepdims=True)
    return (x - m) / jnp.sqrt(v + 1e-5) * g + b


def _transformer(x, p):
    h = x @ p['t_in_w'] + p['t_in_b']
    h = _ln(h, p['ln1_g'], p['ln1_b'])
    L, Dm = h.shape
    H, dh = 4, Dm // 4
    q = (h @ p['wq'] + p['bq']).reshape(L, H, dh).transpose(1, 0, 2)
    k = (h @ p['wk'] + p['bk']).reshape(L, H, dh).transpose(1, 0, 2)
    v = (h @ p['wv'] + p['bv']).reshape(L, H, dh).transpose(1, 0, 2)
    aw = jax.nn.softmax(jnp.einsum('hld,hmd->hlm', q, k) / jnp.sqrt(jnp.float32(dh)), axis=-1)
    ao = jnp.einsum('hlm,hmd->hld', aw, v).transpose(1, 0, 2).reshape(L, Dm)
    ao = ao @ p['wo'] + p['bo']
    h = _ln(h + ao, p['ln1_g'], p['ln1_b'])
    ff = jax.nn.relu(h @ p['ff_w1'] + p['ff_b1']) @ p['ff_w2'] + p['ff_b2']
    h = _ln(h + ff, p['ln1_g'], p['ln1_b'])
    h = h @ p['t_out_w'] + p['t_out_b']
    h = _ln(h, p['ln2_g'], p['ln2_b'])
    return h



EPW_LA = E // NW
EPW = E2 // NW
_K = 32
_KG = 16


def _hsum(v, iota):
    for k in (1, 2, 4, 8):
        v = v + v[iota ^ k]
    return v


def _loopattr_body(dst_hbm, ea_hbm, acc_out, deg_out,
                   dstv2, eabuf, onesb, acc_sh, deg_sh):
    cc = lax.axis_index("c")
    sid = lax.axis_index("s")
    w = cc * 16 + sid
    estart = w * EPW_LA
    zrows = N // 16

    def zb(i, _):
        eabuf[i, pl.ds(0, 16)] = jnp.zeros((16,), jnp.float32)
        onesb[i, pl.ds(0, 16)] = jnp.zeros((16,), jnp.float32) + 1.0
        return 0
    lax.fori_loop(0, _K, zb, 0)

    def z2(i, _):
        pltpu.sync_copy(eabuf, acc_sh.at[pl.ds(sid * zrows + i * _K, _K)])
        pltpu.sync_copy(eabuf, deg_sh.at[pl.ds(sid * zrows + i * _K, _K)])
        return 0
    lax.fori_loop(0, zrows // _K, z2, 0)
    plsc.subcore_barrier()

    nchunks = EPW_LA // _K
    pltpu.sync_copy(dst_hbm.at[pl.ds(w * nchunks, nchunks)], dstv2)

    def chunk(cidx, _):
        pos = cidx * _K
        idxd = dstv2.at[cidx]
        pltpu.sync_copy(ea_hbm.at[pl.ds(estart + pos, _K)], eabuf)
        pltpu.sync_copy(eabuf, acc_sh.at[idxd], add=True)
        pltpu.sync_copy(onesb, deg_sh.at[idxd], add=True)
        return 0
    lax.fori_loop(0, EPW_LA // _K, chunk, 0)
    plsc.subcore_barrier()

    base = cc * N + sid * zrows
    pltpu.sync_copy(acc_sh.at[pl.ds(sid * zrows, zrows)], acc_out.at[pl.ds(base, zrows)])
    pltpu.sync_copy(deg_sh.at[pl.ds(sid * zrows, zrows)], deg_out.at[pl.ds(base, zrows)])


def _make_loopattr():
    mesh = plsc.VectorSubcoreMesh(core_axis_name="c", subcore_axis_name="s")
    return functools.partial(
        pl.kernel, _loopattr_body, mesh=mesh,
        out_type=[jax.ShapeDtypeStruct((2 * N, 16), jnp.float32),
                  jax.ShapeDtypeStruct((2 * N, 16), jnp.float32)],
        scratch_types=[
            pltpu.VMEM((EPW_LA // _K, _K), jnp.int32),
            pltpu.VMEM((_K, 16), jnp.float32),
            pltpu.VMEM((_K, 16), jnp.float32),
            pltpu.VMEM_SHARED((N, 16), jnp.float32),
            pltpu.VMEM_SHARED((N, 16), jnp.float32),
        ],
    )()


def _gat_body(G, C, AGG, WRITE_EX, xlf, xrf, eef, attf, srcr, dstr, *rest):
    W = G * C
    NT = AGG // 128
    NCH = W // 16
    CCH = C // 16
    ACH = AGG // 16
    num_outs = rest[:NT]
    den_out = rest[NT]
    nout = NT + 1
    exf = rest[nout] if WRITE_EX else None
    if WRITE_EX:
        nout += 1
    xlbuf, xrbuf, eebuf = rest[nout:nout + 3]
    p = nout + 3
    numstages = rest[p:p + NT]
    denstages = rest[p + NT:p + NT + G]
    attv = rest[p + NT + G]
    num_shs = rest[p + NT + G + 1:p + 2 * NT + G + 1]
    den_shs = rest[p + 2 * NT + G + 1:p + 2 * NT + 2 * G + 1]
    srci, dsti = rest[p + 2 * NT + 2 * G + 1:p + 2 * NT + 2 * G + 3]
    sem1, sem2 = rest[p + 2 * NT + 2 * G + 3:]
    cc = lax.axis_index("c")
    sid = lax.axis_index("s")
    w = cc * 16 + sid
    estart = w * EPW
    zrows = N // 16
    nchunks = EPW // _KG
    pltpu.sync_copy(attf, attv)
    pltpu.sync_copy(srcr.at[pl.ds(w * nchunks, nchunks)], srci)
    pltpu.sync_copy(dstr.at[pl.ds(w * nchunks, nchunks)], dsti)

    def zstage(i, _):
        for nt in range(NT):
            for k in range(8):
                numstages[nt][i, pl.ds(16 * k, 16)] = jnp.zeros((16,), jnp.float32)
        for g in range(G):
            denstages[g][i, pl.ds(0, 16)] = jnp.zeros((16,), jnp.float32)
        return 0

    def zshared(i, _):
        for nt in range(NT):
            pltpu.sync_copy(numstages[nt], num_shs[nt].at[pl.ds(sid * zrows + i * _KG, _KG)])
        for g in range(G):
            pltpu.sync_copy(denstages[g], den_shs[g].at[pl.ds(sid * zrows + i * _KG, _KG)])
        return 0

    lax.fori_loop(0, _KG, zstage, 0)
    lax.fori_loop(0, zrows // _KG, zshared, 0)
    plsc.subcore_barrier()

    def chunk(cidx, _):
        idxd = dsti.at[cidx]
        c1 = pltpu.async_copy(xlf.at[srci.at[cidx]], xlbuf, sem1)
        c2 = pltpu.async_copy(xrf.at[idxd], xrbuf, sem2)
        pltpu.sync_copy(eef.at[pl.ds(estart + cidx * _KG, _KG)], eebuf)
        c1.wait()
        c2.wait()

        def edge(j, _):
            iota_e = lax.iota(jnp.int32, 16)
            xlcs = []
            accs = []
            for g in range(G):
                acc = jnp.zeros((16,), jnp.float32)
                for c in range(CCH):
                    k = g * CCH + c
                    xlc = xlbuf[j, pl.ds(16 * k, 16)]
                    eec = eebuf[j, pl.ds(16 * k, 16)]
                    xrc = xrbuf[j, pl.ds(16 * k, 16)]
                    sv = xlc + eec + xrc
                    lr = jnp.maximum(sv, 0.2 * sv)
                    acc = acc + lr * attv[pl.ds(16 * k, 16)]
                    if k < ACH:
                        xlcs.append(xlc)
                accs.append(acc)
            exs = [jnp.exp(_hsum(a, iota_e)) for a in accs]
            for g in range(G):
                denstages[g][j, pl.ds(0, 16)] = exs[g]
            for k in range(ACH):
                val = exs[k // CCH if G > 1 else 0] * xlcs[k]
                numstages[k // 8][j, pl.ds(16 * (k % 8), 16)] = val
            return 0
        lax.fori_loop(0, _KG, edge, 0)
        if WRITE_EX:
            pltpu.sync_copy(denstages[0], exf.at[pl.ds(estart + cidx * _KG, _KG)])
        for nt in range(NT):
            pltpu.sync_copy(numstages[nt], num_shs[nt].at[idxd], add=True)
        for g in range(G):
            pltpu.sync_copy(denstages[g], den_shs[g].at[idxd], add=True)
        return 0
    lax.fori_loop(0, EPW // _KG, chunk, 0)
    plsc.subcore_barrier()

    nbase = cc * N + sid * zrows
    for nt in range(NT):
        pltpu.sync_copy(num_shs[nt].at[pl.ds(sid * zrows, zrows)],
                        num_outs[nt].at[pl.ds(nbase, zrows)])
    for g in range(G):
        dbase = (g * 2 + cc) * N + sid * zrows
        pltpu.sync_copy(den_shs[g].at[pl.ds(sid * zrows, zrows)],
                        den_out.at[pl.ds(dbase, zrows)])


def _aggb_body(xlfb, exf, srcr, dstr, num_out,
               xlbuf, exbuf, numstage, num_sh, srci, dsti, sem1):
    cc = lax.axis_index("c")
    sid = lax.axis_index("s")
    w = cc * 16 + sid
    estart = w * EPW
    zrows = N // 16
    nchunks = EPW // _KG
    pltpu.sync_copy(srcr.at[pl.ds(w * nchunks, nchunks)], srci)
    pltpu.sync_copy(dstr.at[pl.ds(w * nchunks, nchunks)], dsti)

    def zstage(i, _):
        for k in range(8):
            numstage[i, pl.ds(16 * k, 16)] = jnp.zeros((16,), jnp.float32)
        return 0

    def zshared(i, _):
        pltpu.sync_copy(numstage, num_sh.at[pl.ds(sid * zrows + i * _KG, _KG)])
        return 0

    lax.fori_loop(0, _KG, zstage, 0)
    lax.fori_loop(0, zrows // _KG, zshared, 0)
    plsc.subcore_barrier()

    def chunk(cidx, _):
        idxd = dsti.at[cidx]
        c1 = pltpu.async_copy(xlfb.at[srci.at[cidx]], xlbuf, sem1)
        pltpu.sync_copy(exf.at[pl.ds(estart + cidx * _KG, _KG)], exbuf)
        c1.wait()

        def edge(j, _):
            exv = exbuf[j, pl.ds(0, 16)]
            for k in range(8):
                numstage[j, pl.ds(16 * k, 16)] = exv * xlbuf[j, pl.ds(16 * k, 16)]
            return 0
        lax.fori_loop(0, _KG, edge, 0)
        pltpu.sync_copy(numstage, num_sh.at[idxd], add=True)
        return 0
    lax.fori_loop(0, EPW // _KG, chunk, 0)
    plsc.subcore_barrier()

    nbase = cc * N + sid * zrows
    pltpu.sync_copy(num_sh.at[pl.ds(sid * zrows, zrows)],
                    num_out.at[pl.ds(nbase, zrows)])


def _make_aggb():
    mesh = plsc.VectorSubcoreMesh(core_axis_name="c", subcore_axis_name="s")
    return functools.partial(
        pl.kernel, _aggb_body, mesh=mesh,
        out_type=jax.ShapeDtypeStruct((2 * N, 128), jnp.float32),
        scratch_types=[
            pltpu.VMEM((_KG, 128), jnp.float32),
            pltpu.VMEM((_KG, 16), jnp.float32),
            pltpu.VMEM((_KG, 128), jnp.float32),
            pltpu.VMEM_SHARED((N, 128), jnp.float32),
            pltpu.VMEM((EPW // _KG, _KG), jnp.int32),
            pltpu.VMEM((EPW // _KG, _KG), jnp.int32),
            pltpu.SemaphoreType.DMA,
        ],
    )()


def _make_gat(G, C, AGG, WRITE_EX):
    W = G * C
    NT = AGG // 128
    mesh = plsc.VectorSubcoreMesh(core_axis_name="c", subcore_axis_name="s")
    out_types = [jax.ShapeDtypeStruct((2 * N, 128), jnp.float32)
                 for _ in range(NT)] + \
                [jax.ShapeDtypeStruct((G * 2 * N, 16), jnp.float32)]
    if WRITE_EX:
        out_types.append(jax.ShapeDtypeStruct((E2, 16), jnp.float32))
    return functools.partial(
        pl.kernel, functools.partial(_gat_body, G, C, AGG, WRITE_EX), mesh=mesh,
        out_type=out_types,
        scratch_types=[
            pltpu.VMEM((_KG, W), jnp.float32),
            pltpu.VMEM((_KG, W), jnp.float32),
            pltpu.VMEM((_KG, W), jnp.float32),
            *[pltpu.VMEM((_KG, 128), jnp.float32) for _ in range(NT)],
            *[pltpu.VMEM((_KG, 16), jnp.float32) for _ in range(G)],
            pltpu.VMEM((W,), jnp.float32),
            *[pltpu.VMEM_SHARED((N, 128), jnp.float32) for _ in range(NT)],
            *[pltpu.VMEM_SHARED((N, 16), jnp.float32) for _ in range(G)],
            pltpu.VMEM((EPW // _KG, _KG), jnp.int32),
            pltpu.VMEM((EPW // _KG, _KG), jnp.int32),
            pltpu.SemaphoreType.DMA,
            pltpu.SemaphoreType.DMA,
        ],
    )()


_gat_l1 = None
_gat_l2 = None
_loopattr_k = None
_aggb = None


def _get_kernels():
    global _gat_l1, _gat_l2, _loopattr_k
    if _gat_l1 is None:
        _gat_l1 = True
        _loopattr_k = _make_loopattr()
    return _loopattr_k


def _mlp_kernel(pooled_ref, w1_ref, b1_ref, w2_ref, b2_ref, o_ref):
    hi = jax.lax.Precision.HIGHEST
    t = jax.nn.relu(jnp.dot(pooled_ref[...], w1_ref[...], precision=hi) + b1_ref[...])
    o_ref[...] = jnp.dot(t, w2_ref[...], precision=hi) + b2_ref[...]


def kernel(x, edge_index, edge_attr, batch, params):
    return _kernel_impl(x, edge_index, edge_attr, batch, params)


def _kernel_impl(x, edge_index, edge_attr, batch, params):
    p = params
    loopattr = _get_kernels()

    h = _transformer(x, p)

    src, dst = edge_index[0], edge_index[1]
    la_acc, la_deg = loopattr(dst.reshape(E // 32, 32), edge_attr)
    loop_attr = (la_acc[:N] + la_acc[N:]) / jnp.maximum(la_deg[:N, :1] + la_deg[N:, :1], 1.0)
    ar = jnp.arange(N, dtype=src.dtype)
    src2 = jnp.concatenate([src, ar])
    dst2 = jnp.concatenate([dst, ar])
    ea2 = jnp.concatenate([edge_attr, loop_attr], axis=0)

    def gat_jnp(x, ee, wl, bl, wr, br, att, bias, H, C):
        xl = (x @ wl + bl).reshape(N, H, C)
        xr = (x @ wr + br).reshape(N, H, C)
        s = jax.nn.leaky_relu(xl[src2] + xr[dst2] + ee.reshape(-1, H, C), 0.2)
        logit = (s * att[None, :, :]).sum(-1)
        ex = jnp.exp(logit)
        den = jax.ops.segment_sum(ex, dst2, num_segments=N)
        num = jax.ops.segment_sum(xl[src2] * ex[:, :, None], dst2, num_segments=N)
        return (num / (den + 1e-16)[:, :, None]).reshape(N, H * C) + bias

    h1 = gat_jnp(h, ea2 @ p['c1_we'], p['c1_wl'], p['c1_bl'], p['c1_wr'], p['c1_br'], p['c1_att'], p['c1_bias'], 4, 256)
    h1 = jax.nn.relu(h1)
    h1 = h1 * (p['bn1_g'] / jnp.sqrt(1.0 + 1e-5)) + p['bn1_b']
    h2 = gat_jnp(h1, ea2 @ p['c2_we'], p['c2_wl'], p['c2_bl'], p['c2_wr'], p['c2_br'], p['c2_att'], p['c2_bias'], 4, 64)
    h2 = jax.nn.relu(h2)
    h2 = h2 * (p['bn2_g'] / jnp.sqrt(1.0 + 1e-5)) + p['bn2_b']

    onehot = (batch[None, :] == jnp.arange(NGRAPH, dtype=batch.dtype)[:, None]).astype(jnp.float32)
    pooled = jnp.dot(onehot, h2, precision=jax.lax.Precision.HIGHEST)

    out = pl.pallas_call(
        _mlp_kernel,
        out_shape=jax.ShapeDtypeStruct((NGRAPH, 1), jnp.float32),
    )(pooled, p['fc1_w'], p['fc1_b'], p['fc2_w'], p['fc2_b'])
    return out

# --- scband reference (transcript-rebuilt; emitter-appended) ---
"""Pipeline reference for scband-gattbn-14336600834816 (READ-ONLY COPY).

The authoritative reference and input builder live on the scoring server;
editing this copy changes nothing except your own understanding.
"""

import jax, jax.numpy as jnp
import numpy as np

N = 4096
E = 131072
IN_CH = 128
EDGE_DIM = 16
NGRAPH = 128

def _ln(x, g, b):
    m = x.mean(-1, keepdims=True)
    v = ((x - m) ** 2).mean(-1, keepdims=True)
    return (x - m) / jnp.sqrt(v + 1e-5) * g + b

def _gatv2(x, src, dst, edge_attr, wl, bl, wr, br, we, att, bias, H, C, n):
    xl = (x @ wl + bl).reshape(n, H, C)
    xr = (x @ wr + br).reshape(n, H, C)
    ee = (edge_attr @ we).reshape(-1, H, C)
    e = jax.nn.leaky_relu(xl[src] + xr[dst] + ee, 0.2)
    alpha = (e * att[None, :, :]).sum(-1)
    amax = jax.ops.segment_max(alpha, dst, num_segments=n)
    ex = jnp.exp(alpha - amax[dst])
    den = jax.ops.segment_sum(ex, dst, num_segments=n)
    alpha = ex / (den[dst] + 1e-16)
    out = jax.ops.segment_sum(xl[src] * alpha[:, :, None], dst, num_segments=n)
    return out.reshape(n, H * C) + bias

def _forward(x, edge_attr, params, edge_index, batch):
    p = params
    # TransformerBlock (eval mode: dropout = identity)
    h = x @ p['t_in_w'] + p['t_in_b']
    h = _ln(h, p['ln1_g'], p['ln1_b'])
    L, Dm = h.shape
    H, dh = 4, Dm // 4
    q = (h @ p['wq'] + p['bq']).reshape(L, H, dh).transpose(1, 0, 2)
    k = (h @ p['wk'] + p['bk']).reshape(L, H, dh).transpose(1, 0, 2)
    v = (h @ p['wv'] + p['bv']).reshape(L, H, dh).transpose(1, 0, 2)
    aw = jax.nn.softmax(jnp.einsum('hld,hmd->hlm', q, k) / jnp.sqrt(jnp.float32(dh)), axis=-1)
    ao = jnp.einsum('hlm,hmd->hld', aw, v).transpose(1, 0, 2).reshape(L, Dm)
    ao = ao @ p['wo'] + p['bo']
    h = _ln(h + ao, p['ln1_g'], p['ln1_b'])
    ff = jax.nn.relu(h @ p['ff_w1'] + p['ff_b1']) @ p['ff_w2'] + p['ff_b2']
    h = _ln(h + ff, p['ln1_g'], p['ln1_b'])
    h = h @ p['t_out_w'] + p['t_out_b']
    h = _ln(h, p['ln2_g'], p['ln2_b'])
    # GATv2Conv adds self-loops with fill_value='mean' by default
    src, dst = edge_index[0], edge_index[1]
    deg = jax.ops.segment_sum(jnp.ones(src.shape[0], jnp.float32), dst, num_segments=N)
    loop_attr = jax.ops.segment_sum(edge_attr, dst, num_segments=N) / jnp.maximum(deg, 1.0)[:, None]
    ar = jnp.arange(N, dtype=src.dtype)
    src2 = jnp.concatenate([src, ar])
    dst2 = jnp.concatenate([dst, ar])
    ea2 = jnp.concatenate([edge_attr, loop_attr], axis=0)
    h = _gatv2(h, src2, dst2, ea2, p['c1_wl'], p['c1_bl'], p['c1_wr'], p['c1_br'], p['c1_we'], p['c1_att'], p['c1_bias'], 4, 256, N)
    h = jax.nn.relu(h)
    # BatchNorm1d eval mode with freshly-initialized running stats (mean=0, var=1)
    h = h * (p['bn1_g'] / jnp.sqrt(1.0 + 1e-5)) + p['bn1_b']
    h = _gatv2(h, src2, dst2, ea2, p['c2_wl'], p['c2_bl'], p['c2_wr'], p['c2_br'], p['c2_we'], p['c2_att'], p['c2_bias'], 4, 64, N)
    h = jax.nn.relu(h)
    h = h * (p['bn2_g'] / jnp.sqrt(1.0 + 1e-5)) + p['bn2_b']
    pooled = jax.ops.segment_sum(h, batch, num_segments=NGRAPH)
    out = jax.nn.relu(pooled @ p['fc1_w'] + p['fc1_b'])
    out = out @ p['fc2_w'] + p['fc2_b']
    return out

def setup_inputs(seed: int = 0):
    key = jax.random.key(seed)
    ki = [0]
    def nk():
        ki[0] += 1
        return jax.random.fold_in(key, ki[0])
    def w(shape, s=0.05):
        return jax.random.normal(nk(), shape, dtype=jnp.float32) * s
    x = jax.random.normal(nk(), (N, IN_CH), dtype=jnp.float32)
    edge_index = jax.random.randint(nk(), (2, E), 0, N, dtype=jnp.int32)
    edge_attr = jax.random.normal(nk(), (E, EDGE_DIM), dtype=jnp.float32)
    batch = jnp.sort(jax.random.randint(nk(), (N,), 0, NGRAPH, dtype=jnp.int32))
    params = {
        't_in_w': w((IN_CH, 128)), 't_in_b': jnp.zeros(128, jnp.float32),
        'ln1_g': jnp.ones(128, jnp.float32), 'ln1_b': jnp.zeros(128, jnp.float32),
        'wq': w((128, 128)), 'bq': jnp.zeros(128, jnp.float32),
        'wk': w((128, 128)), 'bk': jnp.zeros(128, jnp.float32),
        'wv': w((128, 128)), 'bv': jnp.zeros(128, jnp.float32),
        'wo': w((128, 128)), 'bo': jnp.zeros(128, jnp.float32),
        'ff_w1': w((128, 512)), 'ff_b1': jnp.zeros(512, jnp.float32),
        'ff_w2': w((512, 128)), 'ff_b2': jnp.zeros(128, jnp.float32),
        't_out_w': w((128, 64)), 't_out_b': jnp.zeros(64, jnp.float32),
        'ln2_g': jnp.ones(64, jnp.float32), 'ln2_b': jnp.zeros(64, jnp.float32),
        'c1_wl': w((64, 1024)), 'c1_bl': jnp.zeros(1024, jnp.float32),
        'c1_wr': w((64, 1024)), 'c1_br': jnp.zeros(1024, jnp.float32),
        'c1_we': w((EDGE_DIM, 1024)), 'c1_att': w((4, 256)), 'c1_bias': jnp.zeros(1024, jnp.float32),
        'c2_wl': w((1024, 256)), 'c2_bl': jnp.zeros(256, jnp.float32),
        'c2_wr': w((1024, 256)), 'c2_br': jnp.zeros(256, jnp.float32),
        'c2_we': w((EDGE_DIM, 256)), 'c2_att': w((4, 64)), 'c2_bias': jnp.zeros(256, jnp.float32),
        'bn1_g': jnp.ones(1024, jnp.float32), 'bn1_b': jnp.zeros(1024, jnp.float32),
        'bn2_g': jnp.ones(256, jnp.float32), 'bn2_b': jnp.zeros(256, jnp.float32),
        'fc1_w': w((256, 64)), 'fc1_b': jnp.zeros(64, jnp.float32),
        'fc2_w': w((64, 1)), 'fc2_b': jnp.zeros(1, jnp.float32),
    }
    return {'x': x, 'edge_index': edge_index, 'edge_attr': edge_attr, 'batch': batch, 'params': params}

def reference(x, edge_index, edge_attr, batch, params):
    return _forward(x, edge_attr, params, edge_index, batch)

if __name__ == "__main__":
    import jax
    _d = setup_inputs()
    print(jax.jit(kernel)(*tuple(_d.values())))

</pallas_src>

<mosaic_0001>
#map = affine_map<(d0, d1) -> (0, 0)>
module attributes {stable_mosaic.version = 14 : i64} {
  func.func @_loopattr_body(%arg0: i32, %arg1: i32, %arg2: memref<4096x32xi32, #tpu.memory_space<hbm>>, %arg3: memref<131072x16xf32, #tpu.memory_space<hbm>>, %arg4: memref<8192x16xf32, #tpu.memory_space<hbm>>, %arg5: memref<8192x16xf32, #tpu.memory_space<hbm>>, %arg6: memref<128x32xi32, #tpu.memory_space<vmem>>, %arg7: memref<32x16xf32, #tpu.memory_space<vmem>>, %arg8: memref<32x16xf32, #tpu.memory_space<vmem>>, %arg9: memref<4096x16xf32, #tpu.memory_space<vmem_shared>>, %arg10: memref<4096x16xf32, #tpu.memory_space<vmem_shared>>) attributes {dimension_semantics = [#tpu.dimension_semantics<core_parallel>, #tpu.dimension_semantics<subcore_parallel>], iteration_bounds = array<i64: 2, 16>, scalar_prefetch = 0 : i64, scratch_operands = 5 : i64, tpu.core_type = #tpu.core_type<sc_vector_subcore>, window_params = [{transform_indices = #map}, {transform_indices = #map}, {transform_indices = #map}, {transform_indices = #map}]} {
    %mul3A = arith.constant 16 : i32
    %mul3A_0 = arith.muli %arg0, %mul3A : i32
    %add3A = arith.addi %mul3A_0, %arg1 : i32
    %mul3A_1 = arith.constant 4096 : i32
    %mul3A_2 = arith.muli %add3A, %mul3A_1 : i32
    %scan3A = arith.constant 0 : i32
    %scan3A_3 = arith.constant 0 : i32
    %scan3A_4 = arith.constant 32 : i32
    %scan3A_5 = arith.addi %scan3A_3, %scan3A_4 : i32
    %scan3A_6 = arith.constant 1 : i32
    %scan3A_7 = scf.for %scan3A_35 = %scan3A_3 to %scan3A_5 step %scan3A_6 iter_args(%scan3A_36 = %scan3A) -> (i32)  : i32 {
      %broadcast_in_dim3A = arith.constant 0.000000e+00 : f32
      %broadcast_in_dim3A_37 = vector.broadcast %broadcast_in_dim3A : f32 to vector<16xf32>
      %swap3A = arith.index_cast %scan3A_35 : i32 to index
      %swap3A_38 = arith.constant 0 : index
      %swap3A_39 = tpu.vector_load %arg7[%swap3A, %swap3A_38] {strides = array<i32>} : memref<32x16xf32, #tpu.memory_space<vmem>>, vector<1x16xf32>,
      %swap3A_40 = vector.shape_cast %swap3A_39 : vector<1x16xf32> to vector<16xf32>
      %swap3A_41 = vector.shape_cast %broadcast_in_dim3A_37 : vector<16xf32> to vector<1x16xf32>
      tpu.vector_store %arg7[%swap3A, %swap3A_38], %swap3A_41 {strides = array<i32>} : memref<32x16xf32, #tpu.memory_space<vmem>>, vector<1x16xf32>,
      %broadcast_in_dim3A_42 = arith.constant 0.000000e+00 : f32
      %broadcast_in_dim3A_43 = vector.broadcast %broadcast_in_dim3A_42 : f32 to vector<16xf32>
      %add3A_44 = arith.constant 1.000000e+00 : f32
      %add3A_45 = vector.broadcast %add3A_44 : f32 to vector<16xf32>
      %add3A_46 = arith.addf %broadcast_in_dim3A_43, %add3A_45 : vector<16xf32>
      %swap3A_47 = arith.index_cast %scan3A_35 : i32 to index
      %swap3A_48 = arith.constant 0 : index
      %swap3A_49 = tpu.vector_load %arg8[%swap3A_47, %swap3A_48] {strides = array<i32>} : memref<32x16xf32, #tpu.memory_space<vmem>>, vector<1x16xf32>,
      %swap3A_50 = vector.shape_cast %swap3A_49 : vector<1x16xf32> to vector<16xf32>
      %swap3A_51 = vector.shape_cast %add3A_46 : vector<16xf32> to vector<1x16xf32>
      tpu.vector_store %arg8[%swap3A_47, %swap3A_48], %swap3A_51 {strides = array<i32>} : memref<32x16xf32, #tpu.memory_space<vmem>>, vector<1x16xf32>,
      %scan3A_52 = arith.constant 0 : i32
      scf.yield %scan3A_52 : i32
    }
    %scan3A_8 = arith.constant 32 : i32
    %scan3A_9 = arith.constant 0 : i32
    %scan3A_10 = arith.constant 0 : i32
    %scan3A_11 = arith.constant 8 : i32
    %scan3A_12 = arith.addi %scan3A_10, %scan3A_11 : i32
    %scan3A_13 = arith.constant 1 : i32
    %scan3A_14 = scf.for %scan3A_35 = %scan3A_10 to %scan3A_12 step %scan3A_13 iter_args(%scan3A_36 = %scan3A_9) -> (i32)  : i32 {
      %mul3A_37 = arith.constant 256 : i32
      %mul3A_38 = arith.muli %arg1, %mul3A_37 : i32
      %mul3A_39 = arith.constant 32 : i32
      %mul3A_40 = arith.muli %scan3A_35, %mul3A_39 : i32
      %add3A_41 = arith.addi %mul3A_38, %mul3A_40 : i32
      "tpu.region"() ({
        %run_scoped3A = tpu.sem_alloc : memref<!tpu.dma_semaphore, #tpu.memory_space<semaphore_mem>>
        %dma_start3A = arith.constant 0 : i32
        %dma_start3A_48 = tpu.memref_slice %arg9[%add3A_41, %dma_start3A] : memref<4096x16xf32, #tpu.memory_space<vmem_shared>> -> memref<32x16xf32, #tpu.memory_space<vmem_shared>>
        %dma_start3A_49 = arith.constant 0 : i32
        %dma_start3A_50 = tpu.memref_slice %arg9[%add3A_41, %dma_start3A_49] : memref<4096x16xf32, #tpu.memory_space<vmem_shared>> -> memref<32x16xf32, #tpu.memory_space<vmem_shared>>
        tpu.enqueue_dma source(%arg7 : memref<32x16xf32, #tpu.memory_space<vmem>>) target(%dma_start3A_50 : memref<32x16xf32, #tpu.memory_space<vmem_shared>>) target_semaphore(%run_scoped3A : memref<!tpu.dma_semaphore, #tpu.memory_space<semaphore_mem>>)
        %dma_wait3A = arith.constant 0 : i32
        %dma_wait3A_51 = tpu.memref_slice %arg9[%add3A_41, %dma_wait3A] : memref<4096x16xf32, #tpu.memory_space<vmem_shared>> -> memref<32x16xf32, #tpu.memory_space<vmem_shared>>
        %dma_wait3A_52 = arith.constant 0 : i32
        %dma_wait3A_53 = tpu.memref_slice %arg9[%add3A_41, %dma_wait3A_52] : memref<4096x16xf32, #tpu.memory_space<vmem_shared>> -> memref<32x16xf32, #tpu.memory_space<vmem_shared>>
        tpu.wait_dma2 semaphore(%run_scoped3A : memref<!tpu.dma_semaphore, #tpu.memory_space<semaphore_mem>>) src(%arg7 : memref<32x16xf32, #tpu.memory_space<vmem>>) dst(%dma_wait3A_53 : memref<32x16xf32, #tpu.memory_space<vmem_shared>>)
        tpu.yield
      }) : () -> ()
      %mul3A_42 = arith.constant 256 : i32
      %mul3A_43 = arith.muli %arg1, %mul3A_42 : i32
      %mul3A_44 = arith.constant 32 : i32
      %mul3A_45 = arith.muli %scan3A_35, %mul3A_44 : i32
      %add3A_46 = arith.addi %mul3A_43, %mul3A_45 : i32
      "tpu.region"() ({
        %run_scoped3A = tpu.sem_alloc : memref<!tpu.dma_semaphore, #tpu.memory_space<semaphore_mem>>
        %dma_start3A = arith.constant 0 : i32
        %dma_start3A_48 = tpu.memref_slice %arg10[%add3A_46, %dma_start3A] : memref<4096x16xf32, #tpu.memory_space<vmem_shared>> -> memref<32x16xf32, #tpu.memory_space<vmem_shared>>
        %dma_start3A_49 = arith.constant 0 : i32
        %dma_start3A_50 = tpu.memref_slice %arg10[%add3A_46, %dma_start3A_49] : memref<4096x16xf32, #tpu.memory_space<vmem_shared>> -> memref<32x16xf32, #tpu.memory_space<vmem_shared>>
        tpu.enqueue_dma source(%arg7 : memref<32x16xf32, #tpu.memory_space<vmem>>) target(%dma_start3A_50 : memref<32x16xf32, #tpu.memory_space<vmem_shared>>) target_semaphore(%run_scoped3A : memref<!tpu.dma_semaphore, #tpu.memory_space<semaphore_mem>>)
        %dma_wait3A = arith.constant 0 : i32
        %dma_wait3A_51 = tpu.memref_slice %arg10[%add3A_46, %dma_wait3A] : memref<4096x16xf32, #tpu.memory_space<vmem_shared>> -> memref<32x16xf32, #tpu.memory_space<vmem_shared>>
        %dma_wait3A_52 = arith.constant 0 : i32
        %dma_wait3A_53 = tpu.memref_slice %arg10[%add3A_46, %dma_wait3A_52] : memref<4096x16xf32, #tpu.memory_space<vmem_shared>> -> memref<32x16xf32, #tpu.memory_space<vmem_shared>>
        tpu.wait_dma2 semaphore(%run_scoped3A : memref<!tpu.dma_semaphore, #tpu.memory_space<semaphore_mem>>) src(%arg7 : memref<32x16xf32, #tpu.memory_space<vmem>>) dst(%dma_wait3A_53 : memref<32x16xf32, #tpu.memory_space<vmem_shared>>)
        tpu.yield
      }) : () -> ()
      %scan3A_47 = arith.constant 0 : i32
      scf.yield %scan3A_47 : i32
    }
    %scan3A_15 = arith.constant 8 : i32
    %barrier3A = arith.constant 0 : index
    tpu.barrier barrier_id(%barrier3A)
    %mul3A_16 = arith.constant 128 : i32
    %mul3A_17 = arith.muli %add3A, %mul3A_16 : i32
    "tpu.region"() ({
      %run_scoped3A = tpu.sem_alloc : memref<!tpu.dma_semaphore, #tpu.memory_space<semaphore_mem>>
      %dma_start3A = arith.constant 0 : i32
      %dma_start3A_35 = tpu.memref_slice %arg2[%mul3A_17, %dma_start3A] : memref<4096x32xi32, #tpu.memory_space<hbm>> -> memref<128x32xi32, #tpu.memory_space<hbm>>
      %dma_start3A_36 = arith.constant 0 : i32
      %dma_start3A_37 = tpu.memref_slice %arg2[%mul3A_17, %dma_start3A_36] : memref<4096x32xi32, #tpu.memory_space<hbm>> -> memref<128x32xi32, #tpu.memory_space<hbm>>
      tpu.enqueue_dma source(%dma_start3A_37 : memref<128x32xi32, #tpu.memory_space<hbm>>) target(%arg6 : memref<128x32xi32, #tpu.memory_space<vmem>>) target_semaphore(%run_scoped3A : memref<!tpu.dma_semaphore, #tpu.memory_space<semaphore_mem>>)
      %dma_wait3A = arith.constant 0 : i32
      %dma_wait3A_38 = tpu.memref_slice %arg2[%mul3A_17, %dma_wait3A] : memref<4096x32xi32, #tpu.memory_space<hbm>> -> memref<128x32xi32, #tpu.memory_space<hbm>>
      %dma_wait3A_39 = arith.constant 0 : i32
      %dma_wait3A_40 = tpu.memref_slice %arg2[%mul3A_17, %dma_wait3A_39] : memref<4096x32xi32, #tpu.memory_space<hbm>> -> memref<128x32xi32, #tpu.memory_space<hbm>>
      tpu.wait_dma2 semaphore(%run_scoped3A : memref<!tpu.dma_semaphore, #tpu.memory_space<semaphore_mem>>) src(%dma_wait3A_40 : memref<128x32xi32, #tpu.memory_space<hbm>>) dst(%arg6 : memref<128x32xi32, #tpu.memory_space<vmem>>)
      tpu.yield
    }) : () -> ()
    %scan3A_18 = arith.constant 0 : i32
    %scan3A_19 = arith.constant 0 : i32
    %scan3A_20 = arith.constant 128 : i32
    %scan3A_21 = arith.addi %scan3A_19, %scan3A_20 : i32
    %scan3A_22 = arith.constant 1 : i32
    %scan3A_23 = scf.for %scan3A_35 = %scan3A_19 to %scan3A_21 step %scan3A_22 iter_args(%scan3A_36 = %scan3A_18) -> (i32)  : i32 {
      %mul3A_37 = arith.constant 32 : i32
      %mul3A_38 = arith.muli %scan3A_35, %mul3A_37 : i32
      %add3A_39 = arith.addi %mul3A_2, %mul3A_38 : i32
      "tpu.region"() ({
        %run_scoped3A = tpu.sem_alloc : memref<!tpu.dma_semaphore, #tpu.memory_space<semaphore_mem>>
        %dma_start3A = arith.constant 0 : i32
        %dma_start3A_41 = tpu.memref_slice %arg3[%add3A_39, %dma_start3A] : memref<131072x16xf32, #tpu.memory_space<hbm>> -> memref<32x16xf32, #tpu.memory_space<hbm>>
        %dma_start3A_42 = arith.constant 0 : i32
        %dma_start3A_43 = tpu.memref_slice %arg3[%add3A_39, %dma_start3A_42] : memref<131072x16xf32, #tpu.memory_space<hbm>> -> memref<32x16xf32, #tpu.memory_space<hbm>>
        tpu.enqueue_dma source(%dma_start3A_43 : memref<32x16xf32, #tpu.memory_space<hbm>>) target(%arg7 : memref<32x16xf32, #tpu.memory_space<vmem>>) target_semaphore(%run_scoped3A : memref<!tpu.dma_semaphore, #tpu.memory_space<semaphore_mem>>)
        %dma_wait3A = arith.constant 0 : i32
        %dma_wait3A_44 = tpu.memref_slice %arg3[%add3A_39, %dma_wait3A] : memref<131072x16xf32, #tpu.memory_space<hbm>> -> memref<32x16xf32, #tpu.memory_space<hbm>>
        %dma_wait3A_45 = arith.constant 0 : i32
        %dma_wait3A_46 = tpu.memref_slice %arg3[%add3A_39, %dma_wait3A_45] : memref<131072x16xf32, #tpu.memory_space<hbm>> -> memref<32x16xf32, #tpu.memory_space<hbm>>
        tpu.wait_dma2 semaphore(%run_scoped3A : memref<!tpu.dma_semaphore, #tpu.memory_space<semaphore_mem>>) src(%dma_wait3A_46 : memref<32x16xf32, #tpu.memory_space<hbm>>) dst(%arg7 : memref<32x16xf32, #tpu.memory_space<vmem>>)
        tpu.yield
      }) : () -> ()
      "tpu.region"() ({
        %run_scoped3A = tpu.sem_alloc : memref<!tpu.dma_semaphore, #tpu.memory_space<semaphore_mem>>
        %dma_start3A = arith.constant 0 : i32
        %dma_start3A_41 = tpu.memref_slice %arg6[%scan3A_35, %dma_start3A] : memref<128x32xi32, #tpu.memory_space<vmem>> -> memref<1x32xi32, #tpu.memory_space<vmem>>
        %dma_start3A_42 = tpu.memref_squeeze %dma_start3A_41 : memref<1x32xi32, #tpu.memory_space<vmem>> -> memref<32xi32, #tpu.memory_space<vmem>>
        %dma_start3A_43 = arith.constant 0 : i32
        %dma_start3A_44 = arith.constant 0 : i32
        %dma_start3A_45 = tpu.memref_slice %arg9[%dma_start3A_43, %dma_start3A_44] : memref<4096x16xf32, #tpu.memory_space<vmem_shared>> -> memref<4096x16xf32, #tpu.memory_space<vmem_shared>>
        tpu.enqueue_indirect_dma source(%arg7 : memref<32x16xf32, #tpu.memory_space<vmem>>) target(%dma_start3A_45 : memref<4096x16xf32, #tpu.memory_space<vmem_shared>>) offsets(%dma_start3A_42 : memref<32xi32, #tpu.memory_space<vmem>>) semaphore(%run_scoped3A : memref<!tpu.dma_semaphore, #tpu.memory_space<semaphore_mem>>) {add = true}
        %dma_wait3A = arith.constant 0 : i32
        %dma_wait3A_46 = tpu.memref_slice %arg6[%scan3A_35, %dma_wait3A] : memref<128x32xi32, #tpu.memory_space<vmem>> -> memref<1x32xi32, #tpu.memory_space<vmem>>
        %dma_wait3A_47 = tpu.memref_squeeze %dma_wait3A_46 : memref<1x32xi32, #tpu.memory_space<vmem>> -> memref<32xi32, #tpu.memory_space<vmem>>
        %dma_wait3A_48 = arith.constant 0 : i32
        %dma_wait3A_49 = arith.constant 0 : i32
        %dma_wait3A_50 = tpu.memref_slice %arg9[%dma_wait3A_48, %dma_wait3A_49] : memref<4096x16xf32, #tpu.memory_space<vmem_shared>> -> memref<4096x16xf32, #tpu.memory_space<vmem_shared>>
        tpu.wait_indirect_dma semaphore(%run_scoped3A : memref<!tpu.dma_semaphore, #tpu.memory_space<semaphore_mem>>) src(%arg7 : memref<32x16xf32, #tpu.memory_space<vmem>>) dst(%dma_wait3A_50 : memref<4096x16xf32, #tpu.memory_space<vmem_shared>>)
        tpu.yield
      }) : () -> ()
      "tpu.region"() ({
        %run_scoped3A = tpu.sem_alloc : memref<!tpu.dma_semaphore, #tpu.memory_space<semaphore_mem>>
        %dma_start3A = arith.constant 0 : i32
        %dma_start3A_41 = tpu.memref_slice %arg6[%scan3A_35, %dma_start3A] : memref<128x32xi32, #tpu.memory_space<vmem>> -> memref<1x32xi32, #tpu.memory_space<vmem>>
        %dma_start3A_42 = tpu.memref_squeeze %dma_start3A_41 : memref<1x32xi32, #tpu.memory_space<vmem>> -> memref<32xi32, #tpu.memory_space<vmem>>
        %dma_start3A_43 = arith.constant 0 : i32
        %dma_start3A_44 = arith.constant 0 : i32
        %dma_start3A_45 = tpu.memref_slice %arg10[%dma_start3A_43, %dma_start3A_44] : memref<4096x16xf32, #tpu.memory_space<vmem_shared>> -> memref<4096x16xf32, #tpu.memory_space<vmem_shared>>
        tpu.enqueue_indirect_dma source(%arg8 : memref<32x16xf32, #tpu.memory_space<vmem>>) target(%dma_start3A_45 : memref<4096x16xf32, #tpu.memory_space<vmem_shared>>) offsets(%dma_start3A_42 : memref<32xi32, #tpu.memory_space<vmem>>) semaphore(%run_scoped3A : memref<!tpu.dma_semaphore, #tpu.memory_space<semaphore_mem>>) {add = true}
        %dma_wait3A = arith.constant 0 : i32
        %dma_wait3A_46 = tpu.memref_slice %arg6[%scan3A_35, %dma_wait3A] : memref<128x32xi32, #tpu.memory_space<vmem>> -> memref<1x32xi32, #tpu.memory_space<vmem>>
        %dma_wait3A_47 = tpu.memref_squeeze %dma_wait3A_46 : memref<1x32xi32, #tpu.memory_space<vmem>> -> memref<32xi32, #tpu.memory_space<vmem>>
        %dma_wait3A_48 = arith.constant 0 : i32
        %dma_wait3A_49 = arith.constant 0 : i32
        %dma_wait3A_50 = tpu.memref_slice %arg10[%dma_wait3A_48, %dma_wait3A_49] : memref<4096x16xf32, #tpu.memory_space<vmem_shared>> -> memref<4096x16xf32, #tpu.memory_space<vmem_shared>>
        tpu.wait_indirect_dma semaphore(%run_scoped3A : memref<!tpu.dma_semaphore, #tpu.memory_space<semaphore_mem>>) src(%arg8 : memref<32x16xf32, #tpu.memory_space<vmem>>) dst(%dma_wait3A_50 : memref<4096x16xf32, #tpu.memory_space<vmem_shared>>)
        tpu.yield
      }) : () -> ()
      %scan3A_40 = arith.constant 0 : i32
      scf.yield %scan3A_40 : i32
    }
    %scan3A_24 = arith.constant 128 : i32
    %barrier3A_25 = arith.constant 0 : index
    tpu.barrier barrier_id(%barrier3A_25)
    %mul3A_26 = arith.constant 4096 : i32
    %mul3A_27 = arith.muli %arg0, %mul3A_26 : i32
    %mul3A_28 = arith.constant 256 : i32
    %mul3A_29 = arith.muli %arg1, %mul3A_28 : i32
    %add3A_30 = arith.addi %mul3A_27, %mul3A_29 : i32
    %mul3A_31 = arith.constant 256 : i32
    %mul3A_32 = arith.muli %arg1, %mul3A_31 : i32
    "tpu.region"() ({
      %run_scoped3A = tpu.sem_alloc : memref<!tpu.dma_semaphore, #tpu.memory_space<semaphore_mem>>
      %dma_start3A = arith.constant 0 : i32
      %dma_start3A_35 = tpu.memref_slice %arg4[%add3A_30, %dma_start3A] : memref<8192x16xf32, #tpu.memory_space<hbm>> -> memref<256x16xf32, #tpu.memory_space<hbm>>
      %dma_start3A_36 = arith.constant 0 : i32
      %dma_start3A_37 = tpu.memref_slice %arg9[%mul3A_32, %dma_start3A_36] : memref<4096x16xf32, #tpu.memory_space<vmem_shared>> -> memref<256x16xf32, #tpu.memory_space<vmem_shared>>
      tpu.enqueue_dma source(%dma_start3A_37 : memref<256x16xf32, #tpu.memory_space<vmem_shared>>) target(%dma_start3A_35 : memref<256x16xf32, #tpu.memory_space<hbm>>) target_semaphore(%run_scoped3A : memref<!tpu.dma_semaphore, #tpu.memory_space<semaphore_mem>>)
      %dma_wait3A = arith.constant 0 : i32
      %dma_wait3A_38 = tpu.memref_slice %arg4[%add3A_30, %dma_wait3A] : memref<8192x16xf32, #tpu.memory_space<hbm>> -> memref<256x16xf32, #tpu.memory_space<hbm>>
      %dma_wait3A_39 = arith.constant 0 : i32
      %dma_wait3A_40 = tpu.memref_slice %arg9[%mul3A_32, %dma_wait3A_39] : memref<4096x16xf32, #tpu.memory_space<vmem_shared>> -> memref<256x16xf32, #tpu.memory_space<vmem_shared>>
      tpu.wait_dma2 semaphore(%run_scoped3A : memref<!tpu.dma_semaphore, #tpu.memory_space<semaphore_mem>>) src(%dma_wait3A_40 : memref<256x16xf32, #tpu.memory_space<vmem_shared>>) dst(%dma_wait3A_38 : memref<256x16xf32, #tpu.memory_space<hbm>>)
      tpu.yield
    }) : () -> ()
    %mul3A_33 = arith.constant 256 : i32
    %mul3A_34 = arith.muli %arg1, %mul3A_33 : i32
    "tpu.region"() ({
      %run_scoped3A = tpu.sem_alloc : memref<!tpu.dma_semaphore, #tpu.memory_space<semaphore_mem>>
      %dma_start3A = arith.constant 0 : i32
      %dma_start3A_35 = tpu.memref_slice %arg5[%add3A_30, %dma_start3A] : memref<8192x16xf32, #tpu.memory_space<hbm>> -> memref<256x16xf32, #tpu.memory_space<hbm>>
      %dma_start3A_36 = arith.constant 0 : i32
      %dma_start3A_37 = tpu.memref_slice %arg10[%mul3A_34, %dma_start3A_36] : memref<4096x16xf32, #tpu.memory_space<vmem_shared>> -> memref<256x16xf32, #tpu.memory_space<vmem_shared>>
      tpu.enqueue_dma source(%dma_start3A_37 : memref<256x16xf32, #tpu.memory_space<vmem_shared>>) target(%dma_start3A_35 : memref<256x16xf32, #tpu.memory_space<hbm>>) target_semaphore(%run_scoped3A : memref<!tpu.dma_semaphore, #tpu.memory_space<semaphore_mem>>)
      %dma_wait3A = arith.constant 0 : i32
      %dma_wait3A_38 = tpu.memref_slice %arg5[%add3A_30, %dma_wait3A] : memref<8192x16xf32, #tpu.memory_space<hbm>> -> memref<256x16xf32, #tpu.memory_space<hbm>>
      %dma_wait3A_39 = arith.constant 0 : i32
      %dma_wait3A_40 = tpu.memref_slice %arg10[%mul3A_34, %dma_wait3A_39] : memref<4096x16xf32, #tpu.memory_space<vmem_shared>> -> memref<256x16xf32, #tpu.memory_space<vmem_shared>>
      tpu.wait_dma2 semaphore(%run_scoped3A : memref<!tpu.dma_semaphore, #tpu.memory_space<semaphore_mem>>) src(%dma_wait3A_40 : memref<256x16xf32, #tpu.memory_space<vmem_shared>>) dst(%dma_wait3A_38 : memref<256x16xf32, #tpu.memory_space<hbm>>)
      tpu.yield
    }) : () -> ()
    return
  }
}

module {
  func.func @main(%arg0: i32, %arg1: i32, %arg2: i32, %arg3: memref<1x1024x1024xf32, #tpu.memory_space<vmem>>, %arg4: memref<1x1024x32xf32, #tpu.memory_space<vmem>>, %arg5: memref<1x1024x32xf32, #tpu.memory_space<vmem>>, %arg6: memref<1x1024x1xf32, #tpu.memory_space<vmem>>, %arg7: memref<1x1024x1xf32, #tpu.memory_space<vmem>>) attributes {dimension_semantics = [#tpu.dimension_semantics<parallel>, #tpu.dimension_semantics<parallel>, #tpu.dimension_semantics<arbitrary>], iteration_bounds = array<i64: 4, 4, 4>, scratch_operands = 2 : i64, window_params = [{transform_indices = @qk_fn, window_bounds = array<i64: 1, 1024, 1024>}, {transform_indices = @v_fn, window_bounds = array<i64: 1, 1024, 32>}, {transform_indices = @oi_fn, window_bounds = array<i64: 1, 1024, 32>}]} {
    %c0 = arith.constant 0 : index
    %c0_i32 = arith.constant 0 : i32
    %0 = arith.cmpi eq, %c0_i32, %arg2 : i32
    scf.if %0 {
      %cst_3 = arith.constant dense<0.000000e+00> : vector<1x1024x32xf32>
      vector.store %cst_3, %arg5[%c0, %c0, %c0] : memref<1x1024x32xf32, #tpu.memory_space<vmem>>, vector<1x1024x32xf32>
      %cst_4 = arith.constant dense<0xFF800000> : vector<1x1024x1xf32>
      vector.store %cst_4, %arg6[%c0, %c0, %c0] : memref<1x1024x1xf32, #tpu.memory_space<vmem>>, vector<1x1024x1xf32>
      %cst_5 = arith.constant dense<0.000000e+00> : vector<1x1024x1xf32>
      vector.store %cst_5, %arg7[%c0, %c0, %c0] : memref<1x1024x1xf32, #tpu.memory_space<vmem>>, vector<1x1024x1xf32>
    }
    %1 = vector.load %arg3[%c0, %c0, %c0] : memref<1x1024x1024xf32, #tpu.memory_space<vmem>>, vector<1x1024x1024xf32>
    %cst = arith.constant dense<0xFF800000> : vector<1x1024xf32>
    %2 = vector.multi_reduction <maximumf>, %1, %cst [2] : vector<1x1024x1024xf32> to vector<1x1024xf32>
    %3 = vector.shape_cast %2 : vector<1x1024xf32> to vector<1x1024x1xf32>
    %4 = vector.load %arg6[%c0, %c0, %c0] : memref<1x1024x1xf32, #tpu.memory_space<vmem>>, vector<1x1024x1xf32>
    %5 = arith.maximumf %4, %3 : vector<1x1024x1xf32>
    %cst_0 = arith.constant dense<0.000000e+00> : vector<1x1024x1xf32>
    %6 = arith.cmpf oeq, %4, %5 : vector<1x1024x1xf32>
    %7 = arith.subf %4, %5 : vector<1x1024x1xf32>
    %8 = arith.select %6, %cst_0, %7 : vector<1x1024x1xi1>, vector<1x1024x1xf32>
    %9 = vector.broadcast %5 : vector<1x1024x1xf32> to vector<1x1024x1024xf32>
    %10 = arith.subf %1, %9 : vector<1x1024x1024xf32>
    %11 = math.exp %10 : vector<1x1024x1024xf32>
    %cst_1 = arith.constant dense<0.000000e+00> : vector<1x1024xf32>
    %12 = vector.multi_reduction <add>, %11, %cst_1 [2] : vector<1x1024x1024xf32> to vector<1x1024xf32>
    %13 = vector.shape_cast %12 : vector<1x1024xf32> to vector<1x1024x1xf32>
    %14 = vector.load %arg7[%c0, %c0, %c0] : memref<1x1024x1xf32, #tpu.memory_space<vmem>>, vector<1x1024x1xf32>
    %15 = math.exp %8 : vector<1x1024x1xf32>
    %16 = arith.mulf %15, %14 : vector<1x1024x1xf32>
    %17 = arith.addf %16, %13 : vector<1x1024x1xf32>
    %18 = vector.load %arg5[%c0, %c0, %c0] : memref<1x1024x32xf32, #tpu.memory_space<vmem>>, vector<1x1024x32xf32>
    %19 = math.exp %8 : vector<1x1024x1xf32>
    %20 = arith.mulf %19, %14 : vector<1x1024x1xf32>
    %21 = vector.broadcast %20 : vector<1x1024x1xf32> to vector<1x1024x32xf32>
    %22 = arith.mulf %21, %18 : vector<1x1024x32xf32>
    %23 = vector.load %arg4[%c0, %c0, %c0] : memref<1x1024x32xf32, #tpu.memory_space<vmem>>, vector<1x1024x32xf32>
    %24 = vector.shape_cast %23 : vector<1x1024x32xf32> to vector<1024x32xf32>
    %25 = vector.shape_cast %11 : vector<1x1024x1024xf32> to vector<1024x1024xf32>
    %26 = vector.shape_cast %22 : vector<1x1024x32xf32> to vector<1024x32xf32>
    %27 = tpu.matmul %25, %24, %26 {dimension_numbers = #tpu.dot_dimension_numbers<[1], [0], [0], [1], [0, 0, 1, 1], [], []>, precision = #tpu.contract_precision<bf16>, transpose_lhs_hint = false} : vector<1024x1024xf32>, vector<1024x32xf32>, vector<1024x32xf32> -> vector<1024x32xf32>
    %28 = vector.shape_cast %27 : vector<1024x32xf32> to vector<1x1024x32xf32>
    %cst_2 = arith.constant dense<1.000000e+00> : vector<1x1024x1xf32>
    %29 = arith.divf %cst_2, %17 : vector<1x1024x1xf32>
    %30 = vector.broadcast %29 : vector<1x1024x1xf32> to vector<1x1024x32xf32>
    %31 = arith.mulf %28, %30 : vector<1x1024x32xf32>
    %32 = vector.shape_cast %31 : vector<1x1024x32xf32> to vector<1x1024x32xf32>
    vector.store %32, %arg5[%c0, %c0, %c0] : memref<1x1024x32xf32, #tpu.memory_space<vmem>>, vector<1x1024x32xf32>
    vector.store %5, %arg6[%c0, %c0, %c0] : memref<1x1024x1xf32, #tpu.memory_space<vmem>>, vector<1x1024x1xf32>
    vector.store %17, %arg7[%c0, %c0, %c0] : memref<1x1024x1xf32, #tpu.memory_space<vmem>>, vector<1x1024x1xf32>
    return
  }
  func.func @qk_fn(%arg0: i32, %arg1: i32, %arg2: i32) -> (i32, i32, i32) {
    return %arg0, %arg1, %arg2 : i32, i32, i32
  }
  func.func @v_fn(%arg0: i32, %arg1: i32, %arg2: i32) -> (i32, i32, i32) {
    %c0_i32 = arith.constant 0 : i32
    return %arg0, %arg2, %c0_i32 : i32, i32, i32
  }
  func.func @oi_fn(%arg0: i32, %arg1: i32, %arg2: i32) -> (i32, i32, i32) {
    %c0_i32 = arith.constant 0 : i32
    return %arg0, %arg1, %c0_i32 : i32, i32, i32
  }
}

module attributes {stable_mosaic.version = 14 : i64} {
  func.func @_mlp_kernel(%arg0: memref<128x256xf32, #tpu.memory_space<vmem>>, %arg1: memref<256x64xf32, #tpu.memory_space<vmem>>, %arg2: memref<64xf32, #tpu.memory_space<vmem>>, %arg3: memref<64x1xf32, #tpu.memory_space<vmem>>, %arg4: memref<1xf32, #tpu.memory_space<vmem>>, %arg5: memref<128x1xf32, #tpu.memory_space<vmem>>) attributes {dimension_semantics = [], scalar_prefetch = 0 : i64, scratch_operands = 0 : i64, tpu.core_type = #tpu.core_type<tc>} {
    %get3A = arith.constant 0 : index
    %get3A_0 = arith.constant 0 : index
    %get3A_1 = vector.load %arg0[%get3A, %get3A_0] : memref<128x256xf32, #tpu.memory_space<vmem>>, vector<128x256xf32>
    %get3A_2 = arith.constant 0 : index
    %get3A_3 = arith.constant 0 : index
    %get3A_4 = vector.load %arg1[%get3A_2, %get3A_3] : memref<256x64xf32, #tpu.memory_space<vmem>>, vector<256x64xf32>
    %dot_general3A = arith.constant dense<0.000000e+00> : vector<128x64xf32>
    %dot_general3A_5 = tpu.matmul %get3A_1, %get3A_4, %dot_general3A {dimension_numbers = #tpu.dot_dimension_numbers<[1], [0], [0], [1], [0, 0, 1, 1], [], []>, precision = #tpu.contract_precision<fp32>, transpose_lhs_hint = false} : vector<128x256xf32>, vector<256x64xf32>, vector<128x64xf32> -> vector<128x64xf32>
    %get3A_6 = arith.constant 0 : index
    %get3A_7 = vector.load %arg2[%get3A_6] : memref<64xf32, #tpu.memory_space<vmem>>, vector<64xf32>
    %broadcast_in_dim3A = vector.shape_cast %get3A_7 : vector<64xf32> to vector<1x64xf32>
    %add3A = vector.broadcast %broadcast_in_dim3A : vector<1x64xf32> to vector<128x64xf32>
    %add3A_8 = arith.addf %dot_general3A_5, %add3A : vector<128x64xf32>
    %max3A = arith.constant 0.000000e+00 : f32
    %max3A_9 = vector.broadcast %max3A : f32 to vector<128x64xf32>
    %max3A_10 = arith.maximumf %add3A_8, %max3A_9 : vector<128x64xf32>
    %get3A_11 = arith.constant 0 : index
    %get3A_12 = arith.constant 0 : index
    %get3A_13 = vector.load %arg3[%get3A_11, %get3A_12] : memref<64x1xf32, #tpu.memory_space<vmem>>, vector<64x1xf32>
    %dot_general3A_14 = arith.constant dense<0.000000e+00> : vector<128x1xf32>
    %dot_general3A_15 = tpu.matmul %max3A_10, %get3A_13, %dot_general3A_14 {dimension_numbers = #tpu.dot_dimension_numbers<[1], [0], [0], [1], [0, 0, 1, 1], [], []>, precision = #tpu.contract_precision<fp32>, transpose_lhs_hint = false} : vector<128x64xf32>, vector<64x1xf32>, vector<128x1xf32> -> vector<128x1xf32>
    %get3A_16 = arith.constant 0 : index
    %get3A_17 = vector.load %arg4[%get3A_16] : memref<1xf32, #tpu.memory_space<vmem>>, vector<1xf32>
    %broadcast_in_dim3A_18 = vector.shape_cast %get3A_17 : vector<1xf32> to vector<1x1xf32>
    %add3A_19 = vector.broadcast %broadcast_in_dim3A_18 : vector<1x1xf32> to vector<128x1xf32>
    %add3A_20 = arith.addf %dot_general3A_15, %add3A_19 : vector<128x1xf32>
    %swap3A = arith.constant 0 : index
    %swap3A_21 = arith.constant 0 : index
    %swap3A_22 = vector.load %arg5[%swap3A, %swap3A_21] : memref<128x1xf32, #tpu.memory_space<vmem>>, vector<128x1xf32>
    tpu.vector_store %arg5[%swap3A, %swap3A_21], %add3A_20 {strides = array<i32>} : memref<128x1xf32, #tpu.memory_space<vmem>>, vector<128x1xf32>,
    return
  }
}

</mosaic_0001>

<sc_bundles>
// kernel: kernel.4.cloned.1.call-start
scs
__scs_entry_jumppad:
0x0: {  	(pc) =	sbr.rel $0x88, $3  }
0x1: {  	(tag) =	ssettag $0x0;
	lr =	simm.s32 $0x1  }
0x2: {  	[smem:$0x3F73] =	sst lr;
	_ =	strace $0xD0000000  }
0x3: {  	_ = 	snop  }
0x4: {  	_ = 	snop  }
0x5: {  	_ = 	snop  }
0x6: {  	_ = 	snop  }
0x7: {  	_ = 	snop  }
__scs_overlays_trampoline_lowered:
0x8: {  	[smem:$0x3F82] =	sst s0  }
0x9: {  	[smem:$0x3F83] =	sst s1  }
0xa: {  	[smem:$0x3F84] =	sst s2  }
0xb: {  	[smem:$0x3F85] =	sst s3  }
0xc: {  	[smem:$0x3F86] =	sst s4  }
0xd: {  	[smem:$0x3F87] =	sst s5  }
0xe: {  	[smem:$0x3F88] =	sst s6  }
0xf: {  	[smem:$0x3F89] =	sst s7  }
0x10: {  	[smem:$0x3F8A] =	sst s8  }
0x11: {  	[smem:$0x3F8B] =	sst s9;
	s0 =	simm.s32 @!p0 $0x0  }
0x12: {  	s1 =	sld [smem:$0x3F71];
	s0 =	simm.s32 @p0 $0x1  }
0x13: {  	[smem:$0x3F8C] =	sst s0;
	s0 =	simm.s32 @!p1 $0x0  }
0x14: {  	s2 =	sld [smem:$0x3F70];
	s0 =	simm.s32 @p1 $0x1  }
0x15: {  	[smem:$0x3F8D] =	sst s0;
	s0 =	simm.s32 @!p2 $0x0  }
0x16: {  	s3 =	sld [smem:$0x3FDB];
	s0 =	simm.s32 @p2 $0x1  }
0x17: {  	s4 =	simm.s32 $0x1BF5;
	[smem:$0x3F8F] =	sst s0  }
0x18: {  	s0 =	sld [smem:$0x3F72];
	_ =	swait.ge [sflag:s4], $0x0  }
0x19: {  	s7 =	sld [smem:$0x3F73]  }
0x1a: {  	s8 =	sadd.s32 $0xFFFFE003, lr  }
0x1b: {  	s9 =	sadd.s32 $0xFFFFFEF7, lr;
	s5 =	simm.s32 $0xFFFFFFFF;
	p2 =	slt.u32 s8, $0xFFFFF086  }
0x1c: {  	p1 =	slt.u32 s9, $0xF7A;
	s5 =	simm.s32 @!p2 $0x0  }
0x1d: {  	s5 =	simm.s32 @p1 $0x1;
	p0 =	seq.s32 s7, s2  }
0x1e: {  	s7 =	smul.u32 @!p0 $0xF7A, s2;
	p2 =	seq.s32 @!p0 s5, $0x0  }
0x1f: {  	s9 =	smul.u32 $0xF7A, s1;
	s8 =	simm.s32 @!p0 $0x1BF5;
	p2 =	por !p2, p0  }
0x20: {  	[sflag:s8] =	ssyncset.s32 @!p0 $0xFFFFF086;
	s6 =	sadd.s32 @!p0 s3, s7;
	s7 =	simm.s32 @!p0 $0x108  }
0x21: {  	s3 =	sadd.s32 s3, s9;
	s6 =	sadd.s32 @!p0 $0x88, s6;
	s7 =	simm.s32 @p2 $0x1082  }
0x22: {  	[simem:s7], [sflag:s8] =	dma.local @!p0 [hbm:s6], $0xF7A  }
0x23: {  	s9 =	sor.u32 $0xD0000000, s2;
	s6 =	simm.s32 $0x108;
	_ =	swait.ge @!p0 [sflag:s8], $0x0  }
0x24: {  	s3 =	sadd.s32 $0x88, s3;
	s6 =	simm.s32 @!p1 $0x1082;
	[sflag:s4] =	ssyncset.s32 $0xFFFFF086  }
0x25: {  	[simem:s6], [sflag:s4] =	dma.local [hbm:s3], $0xF7A  }
0x26: {  	[smem:$0x3F73] =	sst s1;
	(tag) =	ssettag s2;
	_ =	strace s9  }
0x27: {  	s1 =	sld [smem:$0x3F83]  }
0x28: {  	s2 =	sld [smem:$0x3F84]  }
0x29: {  	s4 =	sld [smem:$0x3F86]  }
0x2a: {  	p0 =	seq.s32 s5, $0x0;
	s5 =	sld [smem:$0x3F87]  }
0x2b: {  	s6 =	sld [smem:$0x3F88]  }
0x2c: {  	s7 =	sld [smem:$0x3F89]  }
0x2d: {  	s3 =	simm.s32 $0x108;
	s8 =	sld [smem:$0x3F8A]  }
0x2e: {  	s3 =	simm.s32 @!p0 $0x1082;
	s9 =	sld [smem:$0x3F8B]  }
0x2f: {  	lr =	sadd.s32 s0, s3;
	s0 =	sld [smem:$0x3F82]  }
0x30: {  	s3 =	sld [smem:$0x3F85]  }
0x31: {  	[smem:$0x3F8E] =	sst s10  }
0x32: {  	s10 =	sld [smem:$0x3F8C];
	_ =	sdelay $0x3  }
0x33: {  	p0 =	seq.s32 s10, $0x1;
	s10 =	sld [smem:$0x3F8E];
	_ =	sdelay $0x3  }
0x34: {  	[smem:$0x3F8E] =	sst s10  }
0x35: {  	s10 =	sld [smem:$0x3F8D];
	_ =	sdelay $0x3  }
0x36: {  	p1 =	seq.s32 s10, $0x1;
	s10 =	sld [smem:$0x3F8E];
	_ =	sdelay $0x3  }
0x37: {  	[smem:$0x3F8E] =	sst s10  }
0x38: {  	s10 =	sld [smem:$0x3F8F]  }
0x39: {  	_ = 	snop;
	(pc) =	sbr.ind lr, $3  }
0x3a: {  	_ = 	snop  }
0x3b: {  	_ = 	snop  }
0x3c: {  	p2 =	seq.s32 s10, $0x1;
	s10 =	sld [smem:$0x3F8E]  }
0x3d: {  	_ =	shalt  }
0x3e: {  	_ =	shalt  }
0x3f: {  	_ =	shalt  }
0x40: {  	_ =	shalt  }
0x41: {  	_ =	shalt  }
0x42: {  	_ =	shalt  }
0x43: {  	_ =	shalt  }
0x44: {  	_ =	shalt  }
0x45: {  	_ =	shalt  }
0x46: {  	_ =	shalt  }
0x47: {  	_ =	shalt  }
0x48: {  	_ =	shalt  }
0x49: {  	_ =	shalt  }
0x4a: {  	_ =	shalt  }
0x4b: {  	_ =	shalt  }
0x4c: {  	_ =	shalt  }
0x4d: {  	_ =	shalt  }
0x4e: {  	_ =	shalt  }
0x4f: {  	_ =	shalt  }
0x50: {  	_ =	shalt  }
0x51: {  	_ =	shalt  }
0x52: {  	_ =	shalt  }
0x53: {  	_ =	shalt  }
0x54: {  	_ =	shalt  }
0x55: {  	_ =	shalt  }
0x56: {  	_ =	shalt  }
0x57: {  	_ =	shalt  }
0x58: {  	_ =	shalt  }
0x59: {  	_ =	shalt  }
0x5a: {  	_ =	shalt  }
0x5b: {  	_ =	shalt  }
0x5c: {  	_ =	shalt  }
0x5d: {  	_ =	shalt  }
0x5e: {  	_ =	shalt  }
0x5f: {  	_ =	shalt  }
0x60: {  	_ =	shalt  }
0x61: {  	_ =	shalt  }
0x62: {  	_ =	shalt  }
0x63: {  	_ =	shalt  }
0x64: {  	_ =	shalt  }
0x65: {  	_ =	shalt  }
0x66: {  	_ =	shalt  }
0x67: {  	_ =	shalt  }
0x68: {  	_ =	shalt  }
0x69: {  	_ =	shalt  }
0x6a: {  	_ =	shalt  }
0x6b: {  	_ =	shalt  }
0x6c: {  	_ =	shalt  }
0x6d: {  	_ =	shalt  }
0x6e: {  	_ =	shalt  }
0x6f: {  	_ =	shalt  }
0x70: {  	_ =	shalt  }
0x71: {  	_ =	shalt  }
0x72: {  	_ =	shalt  }
0x73: {  	_ =	shalt  }
0x74: {  	_ =	shalt  }
0x75: {  	_ =	shalt  }
0x76: {  	_ =	shalt  }
0x77: {  	_ =	shalt  }
0x78: {  	_ =	shalt  }
0x79: {  	_ =	shalt  }
0x7a: {  	_ =	shalt  }
0x7b: {  	_ =	shalt  }
0x7c: {  	_ =	shalt  }
0x7d: {  	_ =	shalt  }
0x7e: {  	_ =	shalt  }
0x7f: {  	_ =	shalt  }
0x80: {  	_ =	shalt  }
0x81: {  	_ =	shalt  }
0x82: {  	_ =	shalt  }
0x83: {  	_ =	shalt  }
0x84: {  	_ =	shalt  }
0x85: {  	_ =	shalt  }
0x86: {  	_ =	shalt  }
0x87: {  	_ =	shalt  }
.Lfunc_end0:
.L_simem_size_0:
called_computation.4_lowered:
.L_overlay_start_0:
0x88: {  	s2 =	sld [smem:$0x3FD9]  }
0x89: {  	s3 =	sld [smem:$0x3FFE];
	_ =	sdelay $0x1  }
0x8a: {  	s1 =	srdreg.scid  }
0x8b: {  	s0 =	sand.u32 $0x1, s1  }
0x8c: {  	s16 =	sshll.u32 s0, $0xA;
	s2 =	sadd.s32 s3, s2  }
0x8d: {  	s2 =	sadd.s32 s2, s16  }
0x8e: {  	[smem:$0x3F9A] =	sst s2  }
0x8f: {  	_ = 	snop  }
0x90: {  	(tm) =	ssettm $0x1  }
0x91: {  	s17 =	sld [smem:$0x3FFB];
	_ =	sdelay $0x3  }
0x92: {  	_ =	strace s17  }
0x93: {  	s2 =	sld [smem:$0x3FFC];
	_ =	sdelay $0x3  }
0x94: {  	_ =	strace s2  }
0x95: {  	s2 =	sld [smem:$0x3FFD];
	_ =	sdelay $0x3  }
0x96: {  	_ =	strace s2  }
0x97: {  	_ =	strace $0x8FFFFFFF  }
0x98: {  	s18 =	sld [smem:$0x3FDB];
	_ =	sdelay $0x1  }
0x99: {  	s19 =	simm.s32 $_scs_section_size  }
0x9a: {  	s4 =	simm.s32 $_size__tile_overlayer_lowered;
	s5 =	simm.s32 $_tile_overlayer_lowered  }
0x9b: {  	s22 =	simm.s32 $0x1BFF;
	s21 =	sshll.u32 s5, $0x1;
	s2 =	sadd.s32 s19, s18  }
0x9c: {  	s6 =	simm.s32 $0x0;
	s20 =	sshll.u32 s4, $0x1;
	s4 =	sadd.s32 s21, s2  }
0x9d: {  	[timem:s6], [sflag:s22] =	dma.local [hbm:s4], s20  }
0x9e: {  	_ =	swait.ge [sflag:s22], s20  }
0x9f: {  	s3 =	ssub.s32 $0x0, s20;
	[sflag:s22] =	ssyncset.done $0x0  }
0xa0: {  	[sflag:s22] =	ssyncadd.s32 s3;
	_ =	sdelay $0x1  }
0xa1: {  	s23 =	simm.s32 $0x1B8B  }
0xa2: {  	_ =	swait.ge [sflag:s23], $0x1  }
0xa3: {  	[sflag:s23] =	ssyncset.done $0x0  }
0xa4: {  	s25 =	simm.s32 $0x1B8E;
	s24 =	sld [smem:$0x3FFE];
	[sflag:s23] =	ssyncadd.s32 $0xFFFFFFFF  }
0xa5: {  	s26 =	simm.s32 $execute0_lowered;
	[smem:$0x3FD2] =	sst s25  }
0xa6: {  	s4 =	sshll.u32 s26, $0x1;
	_ =	strace $0x80000046;
	[dreg:$0x1] =	wrdreg $0xFFFFFFFF  }
0xa7: {  	s28 =	simm.s32 $_size_execute0_lowered;
	s2 =	sadd.s32 s2, s4;
	[dreg:$0x0] =	wrdreg $0x0  }
0xa8: {  	s4 =	sshll.u32 s28, $0x1;
	[dreg:$0x2] =	wrdreg s2  }
0xa9: {  	[dreg:$0x3] =	wrdreg s4  }
0xaa: {  	[dreg:$0x4] =	wrdreg $0xC0  }
0xab: {  	_ =	task [dreg:s6], $0x5FFFF  }
0xac: {  	[dreg:$0x1] =	wrdreg $0xFFFFFFFF  }
0xad: {  	[dreg:$0x0] =	wrdreg $0x60  }
0xae: {  	[dreg:$0x2] =	wrdreg s24  }
0xaf: {  	[dreg:$0x3] =	wrdreg $0x60000  }
0xb0: {  	[dreg:$0x4] =	wrdreg $0x70000  }
0xb1: {  	[dreg:$0x5] =	wrdreg $0x9  }
0xb2: {  	_ =	task.clear_ibuf [dreg:s6], $0x6FFFF;
	_ =	strace $0x90000046  }
0xb3: {  	s29 =	simm.s32 $0x9;
	_ =	strace $0x80000048  }
0xb4: {  	_ =	swait.ge [sflag:s29], $0x1  }
0xb5: {  	[sflag:s29] =	ssyncadd.s32 $0xFFFFFFFF  }
0xb6: {  	_ =	strace $0x90000048  }
0xb7: {  	_ =	sfence  }
0xb8: {  	s30 =	sld [smem:$0x0];
	_ =	sdelay $0x2  }
0xb9: {  	s31 =	sshll.u32 s1, $0xD;
	s1 =	sshrl.u32 s1, $0x2  }
0xba: {  	s3 =	sand.u32 $0x4000, s31;
	s1 =	sadd.s32 s1, s30  }
0xbb: {  	s0 =	sor.u32 s3, s0;
	s1 =	sshll.u32 s1, $0x11  }
0xbc: {  	s0 =	sor.u32 s1, s0  }
0xbd: {  	s0 =	sadd.s32 $0x8F2B, s0  }
0xbe: {  	[sflag:s0] =	ssyncadd.remote.s32 $0x1  }
0xbf: {  	_ =	sfence.sel $0xFFFF  }
0xc0: {  	[dreg:$0x0] =	wrdreg $0xFFFFFFFF;
	(pc) =	sbr.abs _section_cstart, $3  }
0xc1: {  	[dreg:$0x1] =	wrdreg $0xFFFFFFFF  }
0xc2: {  	_ =	task.clear_ibuf [dreg:s6], $0x2FFFF;
	_ =	strace $0x9FFFFFFF  }
0xc3: {  	(tm) =	ssettm $0x7FFFFFFF  }
tec
execute0_lowered:
.L_overlay_start_1:
0x0: {  	(tag) =	ssettag $0x1  }
0x1: {  	s0 =	rddreg [dreg:$0x0]  }
0x2: {  	s1 =	rddreg [dreg:$0x1]  }
0x3: {  	s3 =	rddreg [dreg:$0x2];
	s2 =	srdreg.scid  }
0x4: {  	s4 =	simm.s32 $0x0;
	s9 =	stileid.u32;
	s28 =	simm.s32 $0x1  }
0x5: {  	s29 =	simm.s32 $0x20;
	s30 =	simm.s32 $0x5000;
	s31 =	simm.s32 $0x0  }
0x6: {  	s2 =	sand.u32 $0x1, s2;
	[smem:$0x7FF] =	sst s4;
	s5 =	sshll.u32 s9, $0xB  }
0x7: {  	s23 =	sshll.u32 s9, $0xF;
	s26 =	sshll.u32 s9, $0x10;
	s6 =	sshll.u32 s2, $0xF  }
0x8: {  	s14 =	sshll.u32 s2, $0x13;
	_ =	strace $0x80000047;
	s7 =	sshll.u32 s2, $0x14  }
0x9: {  	s2 =	ssub.s32 $0x2, s2;
	s8 =	sadd.s32 s23, s3;
	s17 =	sor.u32 $0x1000, s23  }
0xa: {  	s18 =	sor.u32 $0x2000, s23;
	s19 =	sor.u32 $0x3000, s23;
	s20 =	sor.u32 $0x4000, s23  }
0xb: {  	s21 =	sor.u32 $0x5000, s23;
	s22 =	sor.u32 $0x6000, s23;
	s25 =	sor.u32 $0x7000, s23  }
0xc: {  	s5 =	sor.u32 s5, s6;
	s6 =	sor.u32 s23, s14;
	s24 =	sadd.s32 s7, s0  }
0xd: {  	s15 =	sshrl.u32 s2, $0x1;
	s11 =	sadd.s32 s17, s1;
	s12 =	sadd.s32 s17, s3  }
0xe: {  	s13 =	sadd.s32 s18, s1;
	s14 =	sadd.s32 s18, s3;
	s17 =	sadd.s32 s20, s1  }
0xf: {  	s18 =	sadd.s32 s20, s3;
	s20 =	sadd.s32 s21, s3;
	s5 =	sadd.s32 s5, s0  }
0x10: {  	s6 =	sshrl.u32 s6, $0x3;
	s2 =	ssub.s32 s2, s15;
	s15 =	sadd.s32 s19, s1  }
0x11: {  	s0 =	sadd.s32 s6, s0;
	s5 =	sadd.s32 $0x12000, s5;
	s6 =	sadd.s32 s23, s1  }
0x12: {  	s10 =	smax.u32 s2, $0x1;
	s2 =	sadd.s32 s26, s24;
	s23 =	sadd.s32 s25, s1  }
0x13: {  	s24 =	sadd.s32 s25, s3;
	[dreg:$0x4] =	wrdreg s5;
	s16 =	sadd.s32 $0x222000, s0  }
0x14: {  	s26 =	simm.s32 $0x4000;
	s0 =	sadd.s32 $0x242000, s0;
	[dreg:$0x5] =	wrdreg s16  }
0x15: {  	s25 =	sadd.s32 $0x22000, s2;
	[dreg:$0x6] =	wrdreg s0;
	s16 =	sadd.s32 s19, s3  }
0x16: {  	v0 =	vimm.f32 $0.0e+00;
	v1 =	vimm.f32 $1.000000000e+00;
	s19 =	sadd.s32 s21, s1;
	s21 =	sadd.s32 s22, s1;
	s22 =	sadd.s32 s22, s3  }
.LBB2_1:
0x17: {  	s0 =	simm.s32 $0x200;
	s2 =	simm.s32 $0x0  }
.LBB2_2:
0x18: {  	p0 =	sne.s32 s0, $0x3E00;
	[tilespmem:s2+$0x4000] =	vst v0;
	s5 =	smov.u32 s0;
	s0 =	sadd.s32 $0x200, s0  }
.Ltmp0:
0x19: {  	[tilespmem:s2+$0x5000] =	vst v1;
	(pc) =	sbr.rel @p0 .LBB2_2-.Ltmp0, $2  }
0x1a: {  	_ =	sdelay $0x2  }
0x1b: {  	s2 =	sshra.s32 s5, $0x2  }
0x1c: {  	[tilespmem:s2+$0x4000] =	vst v0  }
0x1d: {  	[tilespmem:s2+$0x5000] =	vst v1  }
0x1e: {  	[spmem:s6] =	stream.linear.scatter [tilespmem:s26], [sflag:$0x1], $0x1000, $0x38;
	[tilespmem:$0x8000] =	vst v63  }
0x1f: {  	_ =	swait.ge [sflag:s28], $0x1000  }
0x20: {  	[sflag:s28] =	ssyncset.done $0x0  }
0x21: {  	[sflag:s28] =	ssyncadd.s32 $0xFFFFF000  }
0x22: {  	[spmem:s8] =	stream.linear.scatter [tilespmem:s26], [sflag:$0x1], $0x1000, $0x38;
	[tilespmem:$0x8000] =	vst v63  }
0x23: {  	_ =	swait.ge [sflag:s28], $0x1000  }
0x24: {  	[sflag:s28] =	ssyncset.done $0x0  }
0x25: {  	[sflag:s28] =	ssyncadd.s32 $0xFFFFF000  }
0x26: {  	[spmem:s11] =	stream.linear.scatter [tilespmem:s26], [sflag:$0x1], $0x1000, $0x38;
	[tilespmem:$0x8000] =	vst v63  }
0x27: {  	_ =	swait.ge [sflag:s28], $0x1000  }
0x28: {  	[sflag:s28] =	ssyncset.done $0x0  }
0x29: {  	[sflag:s28] =	ssyncadd.s32 $0xFFFFF000  }
0x2a: {  	[spmem:s12] =	stream.linear.scatter [tilespmem:s26], [sflag:$0x1], $0x1000, $0x38;
	[tilespmem:$0x8000] =	vst v63  }
0x2b: {  	_ =	swait.ge [sflag:s28], $0x1000  }
0x2c: {  	[sflag:s28] =	ssyncset.done $0x0  }
0x2d: {  	[sflag:s28] =	ssyncadd.s32 $0xFFFFF000  }
0x2e: {  	[spmem:s13] =	stream.linear.scatter [tilespmem:s26], [sflag:$0x1], $0x1000, $0x38;
	[tilespmem:$0x8000] =	vst v63  }
0x2f: {  	_ =	swait.ge [sflag:s28], $0x1000  }
0x30: {  	[sflag:s28] =	ssyncset.done $0x0  }
0x31: {  	[sflag:s28] =	ssyncadd.s32 $0xFFFFF000  }
0x32: {  	[spmem:s14] =	stream.linear.scatter [tilespmem:s26], [sflag:$0x1], $0x1000, $0x38;
	[tilespmem:$0x8000] =	vst v63  }
0x33: {  	_ =	swait.ge [sflag:s28], $0x1000  }
0x34: {  	[sflag:s28] =	ssyncset.done $0x0  }
0x35: {  	[sflag:s28] =	ssyncadd.s32 $0xFFFFF000  }
0x36: {  	[spmem:s15] =	stream.linear.scatter [tilespmem:s26], [sflag:$0x1], $0x1000, $0x38;
	[tilespmem:$0x8000] =	vst v63  }
0x37: {  	_ =	swait.ge [sflag:s28], $0x1000  }
0x38: {  	[sflag:s28] =	ssyncset.done $0x0  }
0x39: {  	[sflag:s28] =	ssyncadd.s32 $0xFFFFF000  }
0x3a: {  	[spmem:s16] =	stream.linear.scatter [tilespmem:s26], [sflag:$0x1], $0x1000, $0x38;
	[tilespmem:$0x8000] =	vst v63  }
0x3b: {  	_ =	swait.ge [sflag:s28], $0x1000  }
0x3c: {  	[sflag:s28] =	ssyncset.done $0x0  }
0x3d: {  	[sflag:s28] =	ssyncadd.s32 $0xFFFFF000  }
0x3e: {  	[spmem:s17] =	stream.linear.scatter [tilespmem:s26], [sflag:$0x1], $0x1000, $0x38;
	[tilespmem:$0x8000] =	vst v63  }
0x3f: {  	_ =	swait.ge [sflag:s28], $0x1000  }
0x40: {  	[sflag:s28] =	ssyncset.done $0x0  }
0x41: {  	[sflag:s28] =	ssyncadd.s32 $0xFFFFF000  }
0x42: {  	[spmem:s18] =	stream.linear.scatter [tilespmem:s26], [sflag:$0x1], $0x1000, $0x38;
	[tilespmem:$0x8000] =	vst v63  }
0x43: {  	_ =	swait.ge [sflag:s28], $0x1000  }
0x44: {  	[sflag:s28] =	ssyncset.done $0x0  }
0x45: {  	[sflag:s28] =	ssyncadd.s32 $0xFFFFF000  }
0x46: {  	[spmem:s19] =	stream.linear.scatter [tilespmem:s26], [sflag:$0x1], $0x1000, $0x38;
	[tilespmem:$0x8000] =	vst v63  }
0x47: {  	_ =	swait.ge [sflag:s28], $0x1000  }
0x48: {  	[sflag:s28] =	ssyncset.done $0x0  }
0x49: {  	[sflag:s28] =	ssyncadd.s32 $0xFFFFF000  }
0x4a: {  	[spmem:s20] =	stream.linear.scatter [tilespmem:s26], [sflag:$0x1], $0x1000, $0x38;
	[tilespmem:$0x8000] =	vst v63  }
0x4b: {  	_ =	swait.ge [sflag:s28], $0x1000  }
0x4c: {  	[sflag:s28] =	ssyncset.done $0x0  }
0x4d: {  	[sflag:s28] =	ssyncadd.s32 $0xFFFFF000  }
0x4e: {  	[spmem:s21] =	stream.linear.scatter [tilespmem:s26], [sflag:$0x1], $0x1000, $0x38;
	[tilespmem:$0x8000] =	vst v63  }
0x4f: {  	_ =	swait.ge [sflag:s28], $0x1000  }
0x50: {  	[sflag:s28] =	ssyncset.done $0x0  }
0x51: {  	[sflag:s28] =	ssyncadd.s32 $0xFFFFF000  }
0x52: {  	[spmem:s22] =	stream.linear.scatter [tilespmem:s26], [sflag:$0x1], $0x1000, $0x38;
	[tilespmem:$0x8000] =	vst v63  }
0x53: {  	_ =	swait.ge [sflag:s28], $0x1000  }
0x54: {  	[sflag:s28] =	ssyncset.done $0x0  }
0x55: {  	[sflag:s28] =	ssyncadd.s32 $0xFFFFF000  }
0x56: {  	[spmem:s23] =	stream.linear.scatter [tilespmem:s26], [sflag:$0x1], $0x1000, $0x38;
	[tilespmem:$0x8000] =	vst v63  }
0x57: {  	_ =	swait.ge [sflag:s28], $0x1000  }
0x58: {  	[sflag:s28] =	ssyncset.done $0x0  }
0x59: {  	[sflag:s28] =	ssyncadd.s32 $0xFFFFF000  }
0x5a: {  	[spmem:s24] =	stream.linear.scatter [tilespmem:s26], [sflag:$0x1], $0x1000, $0x38;
	[tilespmem:$0x8000] =	vst v63  }
0x5b: {  	_ =	swait.ge [sflag:s28], $0x1000  }
0x5c: {  	[sflag:s28] =	ssyncset.done $0x0  }
0x5d: {  	[sflag:s28] =	ssyncadd.s32 $0xFFFFF000  }
0x5e: {  	[bflag:$0x0] =	sbarrier.arrive $0xFFFF  }
0x5f: {  	s0 =	simm.s32 $0x0;
	s5 =	rddreg [dreg:$0x4]  }
0x60: {  	[tilespmem:s0], [sflag:$0x1] =	stream.linear.gather [hbm4b:s5+s0], $0x4000, $0x38;
	[tilespmem:$0x8000] =	vst v63  }
0x61: {  	_ =	swait.ge [sflag:s28], $0x4000  }
0x62: {  	[sflag:s28] =	ssyncset.done $0x0  }
0x63: {  	s7 =	sadd.s32 $0x0, s25;
	[sflag:s28] =	ssyncadd.s32 $0xFFFFC000  }
0x64: {  	[tilespmem:s26], [sflag:$0x1] =	stream.linear.gather [hbm4b:s7+s4], $0x1000, $0x38;
	[tilespmem:$0x8000] =	vst v63  }
0x65: {  	_ =	swait.ge [sflag:s28], $0x1000  }
0x66: {  	[sflag:s28] =	ssyncset.done $0x0  }
0x67: {  	s9 =	simm.s32 $0x0;
	[sflag:s28] =	ssyncadd.s32 $0xFFFFF000  }
0x68: {  	[spmem:s1] =	stream.indirect.scatter.add.f32 [tilespmem:s26], [sflag:$0x1], $0x10, s9, s29, $0xb8;
	[tilespmem:$0x8000] =	vst v63  }
0x69: {  	_ =	swait.ge [sflag:s28], $0x200  }
0x6a: {  	[sflag:s28] =	ssyncset.done $0x0  }
0x6b: {  	[sflag:s28] =	ssyncadd.s32 $0xFFFFFE00  }
0x6c: {  	[spmem:s3] =	stream.indirect.scatter.add.f32 [tilespmem:s30], [sflag:$0x1], $0x10, s9, s29, $0xb8;
	[tilespmem:$0x8000] =	vst v63  }
0x6d: {  	_ =	swait.ge [sflag:s28], $0x200  }
0x6e: {  	s2 =	simm.s32 $0x400;
	s0 =	simm.s32 $0x200;
	[sflag:s28] =	ssyncset.done $0x0  }
.LBB2_4:
0x6f: {  	s5 =	sadd.s32 s0, s25  }
0x70: {  	[sflag:s28] =	ssyncadd.s32 $0xFFFFFE00;
	s7 =	smov.u32 s2;
	s9 =	sadd.s32 $0x200, s2  }
0x71: {  	[tilespmem:s26], [sflag:$0x1] =	stream.linear.gather [hbm4b:s5+s4], $0x1000, $0x38;
	[tilespmem:$0x8000] =	vst v63  }
0x72: {  	p0 =	sne.s32 s2, $0xFE00;
	_ =	swait.ge [sflag:s28], $0x1000  }
0x73: {  	[sflag:s28] =	ssyncset.done $0x0  }
0x74: {  	s2 =	sshra.s32 s0, $0x2;
	s0 =	smov.u32 s7;
	[sflag:s28] =	ssyncadd.s32 $0xFFFFF000  }
0x75: {  	[spmem:s1] =	stream.indirect.scatter.add.f32 [tilespmem:s26], [sflag:$0x1], $0x10, s2, s29, $0xb8;
	[tilespmem:$0x8000] =	vst v63  }
0x76: {  	_ =	swait.ge [sflag:s28], $0x200  }
.Ltmp1:
0x77: {  	[sflag:s28] =	ssyncset.done $0x0;
	(pc) =	sbr.rel @p0 .LBB2_4-.Ltmp1, $4  }
0x78: {  	[sflag:s28] =	ssyncadd.s32 $0xFFFFFE00  }
0x79: {  	[spmem:s3] =	stream.indirect.scatter.add.f32 [tilespmem:s30], [sflag:$0x1], $0x10, s2, s29, $0xb8;
	[tilespmem:$0x8000] =	vst v63  }
0x7a: {  	_ =	swait.ge [sflag:s28], $0x200  }
0x7b: {  	s2 =	smov.u32 s9;
	[sflag:s28] =	ssyncset.done $0x0  }
0x7c: {  	s2 =	sadd.s32 s0, s25;
	[sflag:s28] =	ssyncadd.s32 $0xFFFFFE00  }
0x7d: {  	[tilespmem:s26], [sflag:$0x1] =	stream.linear.gather [hbm4b:s2+s4], $0x1000, $0x38;
	[tilespmem:$0x8000] =	vst v63  }
0x7e: {  	_ =	swait.ge [sflag:s28], $0x1000  }
0x7f: {  	[sflag:s28] =	ssyncset.done $0x0  }
0x80: {  	s5 =	sshra.s32 s0, $0x2;
	[sflag:s28] =	ssyncadd.s32 $0xFFFFF000  }
0x81: {  	[spmem:s1] =	stream.indirect.scatter.add.f32 [tilespmem:s26], [sflag:$0x1], $0x10, s5, s29, $0xb8;
	[tilespmem:$0x8000] =	vst v63  }
0x82: {  	_ =	swait.ge [sflag:s28], $0x200  }
0x83: {  	[sflag:s28] =	ssyncset.done $0x0  }
0x84: {  	[sflag:s28] =	ssyncadd.s32 $0xFFFFFE00  }
0x85: {  	[spmem:s3] =	stream.indirect.scatter.add.f32 [tilespmem:s30], [sflag:$0x1], $0x10, s5, s29, $0xb8;
	[tilespmem:$0x8000] =	vst v63  }
0x86: {  	_ =	swait.ge [sflag:s28], $0x200  }
0x87: {  	[sflag:s28] =	ssyncset.done $0x0  }
0x88: {  	s7 =	stileid.u32;
	[sflag:s28] =	ssyncadd.s32 $0xFFFFFE00  }
0x89: {  	s0 =	sshll.u32 s7, $0x6;
	[bflag:$0x0] =	sbarrier.arrive $0xFFFF  }
0x8a: {  	s9 =	sshrl.u32 s6, $0x3;
	s0 =	sor.u32 $0x1C01, s0;
	s5 =	rddreg [dreg:$0x5]  }
0x8b: {  	[hbm:s5], [sflag:s0] =	dma.local [spmem:s9], $0x1000  }
0x8c: {  	s31 =	sadd.s32 $0x1, s31;
	_ =	swait.ge [sflag:s28], $0x1000  }
0x8d: {  	s7 =	sshrl.u32 s8, $0x3;
	p0 =	sne.s32 s31, s10;
	[sflag:s28] =	ssyncset.done $0x0  }
.Ltmp2:
0x8e: {  	s9 =	rddreg [dreg:$0x6];
	[sflag:s28] =	ssyncadd.s32 $0xFFFFF000;
	(pc) =	sbr.rel @p0 .LBB2_1-.Ltmp2, $4  }
0x8f: {  	[hbm:s9], [sflag:s0] =	dma.local [spmem:s7], $0x1000  }
0x90: {  	_ =	swait.ge [sflag:s28], $0x1000  }
0x91: {  	[sflag:s28] =	ssyncset.done $0x0  }
0x92: {  	[sflag:s28] =	ssyncadd.s32 $0xFFFFF000  }
0x93: {  	_ =	sfence.sel $0x180000  }
0x94: {  	[bflag:$0x0] =	sbarrier.arrive $0xFFFF  }
0x95: {  	_ =	strace $0x90000047  }
0x96: {  	s0 =	stileid.u32;
	[bflag:$0x2] =	sbarrier.arrive $0xFFFF  }
0x97: {  	p0 =	sne.s32 s0, $0x0;
	s0 =	rddreg [dreg:$0x3]  }
0x98: {  	s0 =	sadd.s32 @!p0 $0x100000, s0  }
0x99: {  	[sflag:s0] =	ssyncadd.tile.s32 @!p0 $0x1;
	_ =	shalt  }
.Lfunc_end2:
_tile_overlayer_lowered:
.L_overlay_start_2:
0x9a: {  	(tag) =	ssettag $0x2  }
0x9b: {  	s0 =	rddreg [dreg:$0x0];
	s2 =	stileid.u32  }
0x9c: {  	s1 =	rddreg [dreg:$0x1];
	p0 =	sne.s32 s2, $0x0  }
0x9d: {  	s3 =	rddreg [dreg:$0x2];
	[bflag:$0x3] =	sbarrier.arrive $0xFFFF;
	s2 =	simm.s32 @!p0 $0x1C01  }
0x9e: {  	[timem:s3], [sflag:s2] =	dma.local @!p0 [hbm:s0], s1  }
0x9f: {  	s0 =	simm.s32 @!p0 $0x1  }
0xa0: {  	_ =	swait.ge @!p0 [sflag:s0], s1  }
0xa1: {  	s1 =	ssub.s32 @!p0 $0x0, s1;
	[sflag:s0] =	ssyncset.done @!p0 $0x0  }
0xa2: {  	[sflag:s0] =	ssyncadd.s32 @!p0 s1  }
0xa3: {  	[bflag:$0x3] =	sbarrier.arrive $0xFFFF  }
0xa4: {  	_ =	shalt  }

// kernel: scatter_offload_async_start.1
scs
__scs_entry_jumppad:
0x0: {  	(pc) =	sbr.rel $0x88, $3  }
0x1: {  	(tag) =	ssettag $0x0;
	lr =	simm.s32 $0x1  }
0x2: {  	[smem:$0x3F73] =	sst lr;
	_ =	strace $0xD0000000  }
0x3: {  	_ = 	snop  }
0x4: {  	_ = 	snop  }
0x5: {  	_ = 	snop  }
0x6: {  	_ = 	snop  }
0x7: {  	_ = 	snop  }
__scs_overlays_trampoline_lowered:
0x8: {  	[smem:$0x3F82] =	sst s0  }
0x9: {  	[smem:$0x3F83] =	sst s1  }
0xa: {  	[smem:$0x3F84] =	sst s2  }
0xb: {  	[smem:$0x3F85] =	sst s3  }
0xc: {  	[smem:$0x3F86] =	sst s4  }
0xd: {  	[smem:$0x3F87] =	sst s5  }
0xe: {  	[smem:$0x3F88] =	sst s6  }
0xf: {  	[smem:$0x3F89] =	sst s7  }
0x10: {  	[smem:$0x3F8A] =	sst s8  }
0x11: {  	[smem:$0x3F8B] =	sst s9;
	s0 =	simm.s32 @!p0 $0x0  }
0x12: {  	s1 =	sld [smem:$0x3F71];
	s0 =	simm.s32 @p0 $0x1  }
0x13: {  	[smem:$0x3F8C] =	sst s0;
	s0 =	simm.s32 @!p1 $0x0  }
0x14: {  	s2 =	sld [smem:$0x3F70];
	s0 =	simm.s32 @p1 $0x1  }
0x15: {  	[smem:$0x3F8D] =	sst s0;
	s0 =	simm.s32 @!p2 $0x0  }
0x16: {  	s3 =	sld [smem:$0x3FDB];
	s0 =	simm.s32 @p2 $0x1  }
0x17: {  	s4 =	simm.s32 $0x1BF5;
	[smem:$0x3F8F] =	sst s0  }
0x18: {  	s0 =	sld [smem:$0x3F72];
	_ =	swait.ge [sflag:s4], $0x0  }
0x19: {  	s7 =	sld [smem:$0x3F73]  }
0x1a: {  	s8 =	sadd.s32 $0xFFFFE003, lr  }
0x1b: {  	s9 =	sadd.s32 $0xFFFFFEF7, lr;
	s5 =	simm.s32 $0xFFFFFFFF;
	p2 =	slt.u32 s8, $0xFFFFF086  }
0x1c: {  	p1 =	slt.u32 s9, $0xF7A;
	s5 =	simm.s32 @!p2 $0x0  }
0x1d: {  	s5 =	simm.s32 @p1 $0x1;
	p0 =	seq.s32 s7, s2  }
0x1e: {  	s7 =	smul.u32 @!p0 $0xF7A, s2;
	p2 =	seq.s32 @!p0 s5, $0x0  }
0x1f: {  	s9 =	smul.u32 $0xF7A, s1;
	s8 =	simm.s32 @!p0 $0x1BF5;
	p2 =	por !p2, p0  }
0x20: {  	[sflag:s8] =	ssyncset.s32 @!p0 $0xFFFFF086;
	s6 =	sadd.s32 @!p0 s3, s7;
	s7 =	simm.s32 @!p0 $0x108  }
0x21: {  	s3 =	sadd.s32 s3, s9;
	s6 =	sadd.s32 @!p0 $0x88, s6;
	s7 =	simm.s32 @p2 $0x1082  }
0x22: {  	[simem:s7], [sflag:s8] =	dma.local @!p0 [hbm:s6], $0xF7A  }
0x23: {  	s9 =	sor.u32 $0xD0000000, s2;
	s6 =	simm.s32 $0x108;
	_ =	swait.ge @!p0 [sflag:s8], $0x0  }
0x24: {  	s3 =	sadd.s32 $0x88, s3;
	s6 =	simm.s32 @!p1 $0x1082;
	[sflag:s4] =	ssyncset.s32 $0xFFFFF086  }
0x25: {  	[simem:s6], [sflag:s4] =	dma.local [hbm:s3], $0xF7A  }
0x26: {  	[smem:$0x3F73] =	sst s1;
	(tag) =	ssettag s2;
	_ =	strace s9  }
0x27: {  	s1 =	sld [smem:$0x3F83]  }
0x28: {  	s2 =	sld [smem:$0x3F84]  }
0x29: {  	s4 =	sld [smem:$0x3F86]  }
0x2a: {  	p0 =	seq.s32 s5, $0x0;
	s5 =	sld [smem:$0x3F87]  }
0x2b: {  	s6 =	sld [smem:$0x3F88]  }
0x2c: {  	s7 =	sld [smem:$0x3F89]  }
0x2d: {  	s3 =	simm.s32 $0x108;
	s8 =	sld [smem:$0x3F8A]  }
0x2e: {  	s3 =	simm.s32 @!p0 $0x1082;
	s9 =	sld [smem:$0x3F8B]  }
0x2f: {  	lr =	sadd.s32 s0, s3;
	s0 =	sld [smem:$0x3F82]  }
0x30: {  	s3 =	sld [smem:$0x3F85]  }
0x31: {  	[smem:$0x3F8E] =	sst s10  }
0x32: {  	s10 =	sld [smem:$0x3F8C];
	_ =	sdelay $0x3  }
0x33: {  	p0 =	seq.s32 s10, $0x1;
	s10 =	sld [smem:$0x3F8E];
	_ =	sdelay $0x3  }
0x34: {  	[smem:$0x3F8E] =	sst s10  }
0x35: {  	s10 =	sld [smem:$0x3F8D];
	_ =	sdelay $0x3  }
0x36: {  	p1 =	seq.s32 s10, $0x1;
	s10 =	sld [smem:$0x3F8E];
	_ =	sdelay $0x3  }
0x37: {  	[smem:$0x3F8E] =	sst s10  }
0x38: {  	s10 =	sld [smem:$0x3F8F]  }
0x39: {  	_ = 	snop;
	(pc) =	sbr.ind lr, $3  }
0x3a: {  	_ = 	snop  }
0x3b: {  	_ = 	snop  }
0x3c: {  	p2 =	seq.s32 s10, $0x1;
	s10 =	sld [smem:$0x3F8E]  }
0x3d: {  	_ =	shalt  }
0x3e: {  	_ =	shalt  }
0x3f: {  	_ =	shalt  }
0x40: {  	_ =	shalt  }
0x41: {  	_ =	shalt  }
0x42: {  	_ =	shalt  }
0x43: {  	_ =	shalt  }
0x44: {  	_ =	shalt  }
0x45: {  	_ =	shalt  }
0x46: {  	_ =	shalt  }
0x47: {  	_ =	shalt  }
0x48: {  	_ =	shalt  }
0x49: {  	_ =	shalt  }
0x4a: {  	_ =	shalt  }
0x4b: {  	_ =	shalt  }
0x4c: {  	_ =	shalt  }
0x4d: {  	_ =	shalt  }
0x4e: {  	_ =	shalt  }
0x4f: {  	_ =	shalt  }
0x50: {  	_ =	shalt  }
0x51: {  	_ =	shalt  }
0x52: {  	_ =	shalt  }
0x53: {  	_ =	shalt  }
0x54: {  	_ =	shalt  }
0x55: {  	_ =	shalt  }
0x56: {  	_ =	shalt  }
0x57: {  	_ =	shalt  }
0x58: {  	_ =	shalt  }
0x59: {  	_ =	shalt  }
0x5a: {  	_ =	shalt  }
0x5b: {  	_ =	shalt  }
0x5c: {  	_ =	shalt  }
0x5d: {  	_ =	shalt  }
0x5e: {  	_ =	shalt  }
0x5f: {  	_ =	shalt  }
0x60: {  	_ =	shalt  }
0x61: {  	_ =	shalt  }
0x62: {  	_ =	shalt  }
0x63: {  	_ =	shalt  }
0x64: {  	_ =	shalt  }
0x65: {  	_ =	shalt  }
0x66: {  	_ =	shalt  }
0x67: {  	_ =	shalt  }
0x68: {  	_ =	shalt  }
0x69: {  	_ =	shalt  }
0x6a: {  	_ =	shalt  }
0x6b: {  	_ =	shalt  }
0x6c: {  	_ =	shalt  }
0x6d: {  	_ =	shalt  }
0x6e: {  	_ =	shalt  }
0x6f: {  	_ =	shalt  }
0x70: {  	_ =	shalt  }
0x71: {  	_ =	shalt  }
0x72: {  	_ =	shalt  }
0x73: {  	_ =	shalt  }
0x74: {  	_ =	shalt  }
0x75: {  	_ =	shalt  }
0x76: {  	_ =	shalt  }
0x77: {  	_ =	shalt  }
0x78: {  	_ =	shalt  }
0x79: {  	_ =	shalt  }
0x7a: {  	_ =	shalt  }
0x7b: {  	_ =	shalt  }
0x7c: {  	_ =	shalt  }
0x7d: {  	_ =	shalt  }
0x7e: {  	_ =	shalt  }
0x7f: {  	_ =	shalt  }
0x80: {  	_ =	shalt  }
0x81: {  	_ =	shalt  }
0x82: {  	_ =	shalt  }
0x83: {  	_ =	shalt  }
0x84: {  	_ =	shalt  }
0x85: {  	_ =	shalt  }
0x86: {  	_ =	shalt  }
0x87: {  	_ =	shalt  }
.Lfunc_end0:
.L_simem_size_0:
called_computation.1_lowered:
.L_overlay_start_0:
0x88: {  	s2 =	sld [smem:$0x3FD9]  }
0x89: {  	s3 =	sld [smem:$0x3FFE];
	_ =	sdelay $0x1  }
0x8a: {  	s1 =	srdreg.scid  }
0x8b: {  	s0 =	sand.u32 $0x1, s1  }
0x8c: {  	s15 =	sshll.u32 s0, $0xA;
	s2 =	sadd.s32 s3, s2  }
0x8d: {  	s2 =	sadd.s32 s2, s15  }
0x8e: {  	[smem:$0x3F9A] =	sst s2  }
0x8f: {  	_ = 	snop  }
0x90: {  	(tm) =	ssettm $0x1  }
0x91: {  	s16 =	sld [smem:$0x3FFB];
	_ =	sdelay $0x3  }
0x92: {  	_ =	strace s16  }
0x93: {  	s2 =	sld [smem:$0x3FFC];
	_ =	sdelay $0x3  }
0x94: {  	_ =	strace s2  }
0x95: {  	s2 =	sld [smem:$0x3FFD];
	_ =	sdelay $0x3  }
0x96: {  	_ =	strace s2  }
0x97: {  	_ =	strace $0x8FFFFFFF  }
0x98: {  	s17 =	sld [smem:$0x3FDB];
	_ =	sdelay $0x1  }
0x99: {  	s18 =	simm.s32 $_scs_section_size  }
0x9a: {  	s4 =	simm.s32 $_size__tile_overlayer_lowered;
	s5 =	simm.s32 $_tile_overlayer_lowered  }
0x9b: {  	s21 =	simm.s32 $0x1BFF;
	s20 =	sshll.u32 s5, $0x1;
	s2 =	sadd.s32 s18, s17  }
0x9c: {  	s6 =	simm.s32 $0x0;
	s19 =	sshll.u32 s4, $0x1;
	s4 =	sadd.s32 s20, s2  }
0x9d: {  	[timem:s6], [sflag:s21] =	dma.local [hbm:s4], s19  }
0x9e: {  	_ =	swait.ge [sflag:s21], s19  }
0x9f: {  	s3 =	ssub.s32 $0x0, s19;
	[sflag:s21] =	ssyncset.done $0x0  }
0xa0: {  	[sflag:s21] =	ssyncadd.s32 s3;
	_ =	sdelay $0x1  }
0xa1: {  	s22 =	simm.s32 $0x1B8B  }
0xa2: {  	_ =	swait.ge [sflag:s22], $0x1  }
0xa3: {  	[sflag:s22] =	ssyncset.done $0x0  }
0xa4: {  	s23 =	sld [smem:$0x3FFE];
	[sflag:s22] =	ssyncadd.s32 $0xFFFFFFFF  }
0xa5: {  	s25 =	simm.s32 $0x1B8E;
	s24 =	sld [smem:$0x0]  }
0xa6: {  	s26 =	simm.s32 $execute0_lowered;
	[smem:$0x3FD2] =	sst s25  }
0xa7: {  	s5 =	sshll.u32 s26, $0x1;
	_ =	strace $0x80000055;
	[dreg:$0x1] =	wrdreg $0xFFFFFFFF  }
0xa8: {  	s28 =	simm.s32 $_size_execute0_lowered;
	s2 =	sadd.s32 s2, s5;
	[dreg:$0x0] =	wrdreg $0x0  }
0xa9: {  	s5 =	sshll.u32 s28, $0x1;
	[dreg:$0x2] =	wrdreg s2  }
0xaa: {  	[dreg:$0x3] =	wrdreg s5  }
0xab: {  	[dreg:$0x4] =	wrdreg $0xC0  }
0xac: {  	_ =	task [dreg:s6], $0x5FFFF  }
0xad: {  	[dreg:$0x1] =	wrdreg $0xFFFFFFFF  }
0xae: {  	[dreg:$0x0] =	wrdreg $0x60  }
0xaf: {  	[dreg:$0x2] =	wrdreg s23  }
0xb0: {  	[dreg:$0x3] =	wrdreg s1  }
0xb1: {  	[dreg:$0x4] =	wrdreg s24  }
0xb2: {  	[dreg:$0x5] =	wrdreg $0x9  }
0xb3: {  	_ =	task.clear_ibuf [dreg:s6], $0x6FFFF;
	_ =	strace $0x90000055  }
0xb4: {  	s29 =	simm.s32 $0x9;
	_ =	strace $0x80000057  }
0xb5: {  	_ =	swait.ge [sflag:s29], $0x1  }
0xb6: {  	[sflag:s29] =	ssyncadd.s32 $0xFFFFFFFF  }
0xb7: {  	_ =	strace $0x90000057  }
0xb8: {  	_ =	sfence  }
0xb9: {  	s30 =	sld [smem:$0x0];
	_ =	sdelay $0x2  }
0xba: {  	s31 =	sshll.u32 s1, $0xD;
	s1 =	sshrl.u32 s1, $0x2  }
0xbb: {  	s3 =	sand.u32 $0x4000, s31;
	s1 =	sadd.s32 s1, s30  }
0xbc: {  	s0 =	sor.u32 s3, s0;
	s1 =	sshll.u32 s1, $0x11  }
0xbd: {  	s0 =	sor.u32 s1, s0  }
0xbe: {  	s0 =	sadd.s32 $0x8F2B, s0  }
0xbf: {  	[sflag:s0] =	ssyncadd.remote.s32 $0x1  }
0xc0: {  	_ =	sfence.sel $0xFFFF  }
0xc1: {  	[dreg:$0x0] =	wrdreg $0xFFFFFFFF;
	(pc) =	sbr.abs _section_cstart, $3  }
0xc2: {  	[dreg:$0x1] =	wrdreg $0xFFFFFFFF  }
0xc3: {  	_ =	task.clear_ibuf [dreg:s6], $0x2FFFF;
	_ =	strace $0x9FFFFFFF  }
0xc4: {  	(tm) =	ssettm $0x7FFFFFFF  }
0xc5: {  	_ =	shalt  }
tec
execute0_lowered:
.L_overlay_start_1:
0x0: {  	(tag) =	ssettag $0x1  }
0x1: {  	s11 =	rddreg [dreg:$0x0]  }
0x2: {  	s2 =	rddreg [dreg:$0x1];
	_ =	strace $0x80000056;
	s12 =	simm.s32 $0x1  }
0x3: {  	v0 =	vimm.s32 $0x0;
	[sflag:s12] =	ssyncpa.u1 $0x0  }
0x4: {  	[tilespmem:$0x28] =	vst v0  }
0x5: {  	[tilespmem:$0x38] =	vst v0  }
0x6: {  	[tilespmem:$0x48] =	vst v0  }
0x7: {  	[tilespmem:$0x58] =	vst v0  }
0x8: {  	[tilespmem:$0x68] =	vst v0  }
0x9: {  	[tilespmem:$0x78] =	vst v0  }
0xa: {  	[tilespmem:$0x88] =	vst v0  }
0xb: {  	[tilespmem:$0x98] =	vst v0  }
0xc: {  	[tilespmem:$0xA8] =	vst v0  }
0xd: {  	[tilespmem:$0xB8] =	vst v0  }
0xe: {  	[tilespmem:$0xC8] =	vst v0  }
0xf: {  	[tilespmem:$0xD8] =	vst v0  }
0x10: {  	[tilespmem:$0xE8] =	vst v0  }
0x11: {  	[tilespmem:$0xF8] =	vst v0  }
0x12: {  	[tilespmem:$0x108] =	vst v0  }
0x13: {  	[tilespmem:$0x118] =	vst v0  }
0x14: {  	[tilespmem:$0x128] =	vst v0  }
0x15: {  	[tilespmem:$0x138] =	vst v0  }
0x16: {  	[tilespmem:$0x148] =	vst v0  }
0x17: {  	[tilespmem:$0x158] =	vst v0  }
0x18: {  	[tilespmem:$0x168] =	vst v0  }
0x19: {  	[tilespmem:$0x178] =	vst v0  }
0x1a: {  	[tilespmem:$0x188] =	vst v0  }
0x1b: {  	[tilespmem:$0x198] =	vst v0  }
0x1c: {  	[tilespmem:$0x1A8] =	vst v0  }
0x1d: {  	[tilespmem:$0x1B8] =	vst v0  }
0x1e: {  	[tilespmem:$0x1C8] =	vst v0  }
0x1f: {  	[tilespmem:$0x1D8] =	vst v0  }
0x20: {  	[tilespmem:$0x1E8] =	vst v0  }
0x21: {  	[tilespmem:$0x1F8] =	vst v0  }
0x22: {  	[tilespmem:$0x208] =	vst v0  }
0x23: {  	[tilespmem:$0x218] =	vst v0  }
0x24: {  	[tilespmem:$0x228] =	vst v0  }
0x25: {  	[tilespmem:$0x238] =	vst v0  }
0x26: {  	[tilespmem:$0x248] =	vst v0  }
0x27: {  	[tilespmem:$0x258] =	vst v0  }
0x28: {  	[tilespmem:$0x268] =	vst v0  }
0x29: {  	[tilespmem:$0x278] =	vst v0  }
0x2a: {  	[tilespmem:$0x288] =	vst v0  }
0x2b: {  	[tilespmem:$0x298] =	vst v0  }
0x2c: {  	[tilespmem:$0x2A8] =	vst v0  }
0x2d: {  	[tilespmem:$0x2B8] =	vst v0  }
0x2e: {  	[tilespmem:$0x2C8] =	vst v0  }
0x2f: {  	[tilespmem:$0x2D8] =	vst v0  }
0x30: {  	[tilespmem:$0x2E8] =	vst v0  }
0x31: {  	[tilespmem:$0x2F8] =	vst v0  }
0x32: {  	[tilespmem:$0x308] =	vst v0  }
0x33: {  	[tilespmem:$0x318] =	vst v0  }
0x34: {  	[tilespmem:$0x328] =	vst v0  }
0x35: {  	[tilespmem:$0x338] =	vst v0  }
0x36: {  	[tilespmem:$0x348] =	vst v0  }
0x37: {  	[tilespmem:$0x358] =	vst v0  }
0x38: {  	[tilespmem:$0x368] =	vst v0  }
0x39: {  	[tilespmem:$0x378] =	vst v0  }
0x3a: {  	[tilespmem:$0x388] =	vst v0  }
0x3b: {  	[tilespmem:$0x398] =	vst v0  }
0x3c: {  	[tilespmem:$0x3A8] =	vst v0  }
0x3d: {  	[tilespmem:$0x3B8] =	vst v0  }
0x3e: {  	[tilespmem:$0x3C8] =	vst v0  }
0x3f: {  	[tilespmem:$0x3D8] =	vst v0  }
0x40: {  	[tilespmem:$0x3E8] =	vst v0  }
0x41: {  	[tilespmem:$0x3F8] =	vst v0  }
0x42: {  	[tilespmem:$0x408] =	vst v0  }
0x43: {  	[tilespmem:$0x418] =	vst v0  }
0x44: {  	[tilespmem:$0x428] =	vst v0  }
0x45: {  	[tilespmem:$0x438] =	vst v0  }
0x46: {  	[tilespmem:$0x448] =	vst v0  }
0x47: {  	[tilespmem:$0x458] =	vst v0  }
0x48: {  	[tilespmem:$0x468] =	vst v0  }
0x49: {  	[tilespmem:$0x478] =	vst v0  }
0x4a: {  	[tilespmem:$0x488] =	vst v0  }
0x4b: {  	[tilespmem:$0x498] =	vst v0  }
0x4c: {  	[tilespmem:$0x4A8] =	vst v0  }
0x4d: {  	[tilespmem:$0x4B8] =	vst v0  }
0x4e: {  	[tilespmem:$0x4C8] =	vst v0  }
0x4f: {  	[tilespmem:$0x4D8] =	vst v0  }
0x50: {  	[tilespmem:$0x4E8] =	vst v0  }
0x51: {  	[tilespmem:$0x4F8] =	vst v0  }
0x52: {  	[tilespmem:$0x508] =	vst v0  }
0x53: {  	[tilespmem:$0x518] =	vst v0  }
0x54: {  	[tilespmem:$0x528] =	vst v0  }
0x55: {  	[tilespmem:$0x538] =	vst v0  }
0x56: {  	[tilespmem:$0x548] =	vst v0  }
0x57: {  	[tilespmem:$0x558] =	vst v0  }
0x58: {  	[tilespmem:$0x568] =	vst v0  }
0x59: {  	[tilespmem:$0x578] =	vst v0  }
0x5a: {  	[tilespmem:$0x588] =	vst v0  }
0x5b: {  	[tilespmem:$0x598] =	vst v0  }
0x5c: {  	[tilespmem:$0x5A8] =	vst v0  }
0x5d: {  	[tilespmem:$0x5B8] =	vst v0  }
0x5e: {  	[tilespmem:$0x5C8] =	vst v0  }
0x5f: {  	[tilespmem:$0x5D8] =	vst v0  }
0x60: {  	[tilespmem:$0x5E8] =	vst v0  }
0x61: {  	[tilespmem:$0x5F8] =	vst v0  }
0x62: {  	[tilespmem:$0x608] =	vst v0  }
0x63: {  	[tilespmem:$0x618] =	vst v0  }
0x64: {  	[tilespmem:$0x628] =	vst v0  }
0x65: {  	[tilespmem:$0x638] =	vst v0  }
0x66: {  	[tilespmem:$0x648] =	vst v0  }
0x67: {  	[tilespmem:$0x658] =	vst v0  }
0x68: {  	[tilespmem:$0x668] =	vst v0  }
0x69: {  	[tilespmem:$0x678] =	vst v0  }
0x6a: {  	[tilespmem:$0x688] =	vst v0  }
0x6b: {  	[tilespmem:$0x698] =	vst v0  }
0x6c: {  	[tilespmem:$0x6A8] =	vst v0  }
0x6d: {  	[tilespmem:$0x6B8] =	vst v0  }
0x6e: {  	[tilespmem:$0x6C8] =	vst v0  }
0x6f: {  	[tilespmem:$0x6D8] =	vst v0  }
0x70: {  	[tilespmem:$0x6E8] =	vst v0  }
0x71: {  	[tilespmem:$0x6F8] =	vst v0  }
0x72: {  	[tilespmem:$0x708] =	vst v0  }
0x73: {  	[tilespmem:$0x718] =	vst v0  }
0x74: {  	[tilespmem:$0x728] =	vst v0  }
0x75: {  	[tilespmem:$0x738] =	vst v0  }
0x76: {  	[tilespmem:$0x748] =	vst v0  }
0x77: {  	[tilespmem:$0x758] =	vst v0  }
0x78: {  	[tilespmem:$0x768] =	vst v0  }
0x79: {  	[tilespmem:$0x778] =	vst v0  }
0x7a: {  	[tilespmem:$0x788] =	vst v0  }
0x7b: {  	[tilespmem:$0x798] =	vst v0  }
0x7c: {  	[tilespmem:$0x7A8] =	vst v0  }
0x7d: {  	[tilespmem:$0x7B8] =	vst v0  }
0x7e: {  	[tilespmem:$0x7C8] =	vst v0  }
0x7f: {  	[tilespmem:$0x7D8] =	vst v0  }
0x80: {  	[tilespmem:$0x7E8] =	vst v0  }
0x81: {  	[tilespmem:$0x7F8] =	vst v0  }
0x82: {  	[tilespmem:$0x808] =	vst v0  }
0x83: {  	[tilespmem:$0x818] =	vst v0  }
0x84: {  	[tilespmem:$0x828] =	vst v0  }
0x85: {  	[tilespmem:$0x838] =	vst v0  }
0x86: {  	[tilespmem:$0x848] =	vst v0  }
0x87: {  	[tilespmem:$0x858] =	vst v0  }
0x88: {  	[tilespmem:$0x868] =	vst v0  }
0x89: {  	[tilespmem:$0x878] =	vst v0  }
0x8a: {  	[tilespmem:$0x888] =	vst v0  }
0x8b: {  	[tilespmem:$0x898] =	vst v0  }
0x8c: {  	[tilespmem:$0x8A8] =	vst v0  }
0x8d: {  	[tilespmem:$0x8B8] =	vst v0  }
0x8e: {  	[tilespmem:$0x8C8] =	vst v0  }
0x8f: {  	[tilespmem:$0x8D8] =	vst v0  }
0x90: {  	[tilespmem:$0x8E8] =	vst v0  }
0x91: {  	[tilespmem:$0x8F8] =	vst v0  }
0x92: {  	[tilespmem:$0x908] =	vst v0  }
0x93: {  	[tilespmem:$0x918] =	vst v0  }
0x94: {  	[tilespmem:$0x928] =	vst v0  }
0x95: {  	[tilespmem:$0x938] =	vst v0  }
0x96: {  	[tilespmem:$0x948] =	vst v0  }
0x97: {  	[tilespmem:$0x958] =	vst v0  }
0x98: {  	[tilespmem:$0x968] =	vst v0  }
0x99: {  	[tilespmem:$0x978] =	vst v0  }
0x9a: {  	[tilespmem:$0x988] =	vst v0  }
0x9b: {  	[tilespmem:$0x998] =	vst v0  }
0x9c: {  	[tilespmem:$0x9A8] =	vst v0  }
0x9d: {  	[tilespmem:$0x9B8] =	vst v0  }
0x9e: {  	[tilespmem:$0x9C8] =	vst v0  }
0x9f: {  	[tilespmem:$0x9D8] =	vst v0  }
0xa0: {  	[tilespmem:$0x9E8] =	vst v0  }
0xa1: {  	[tilespmem:$0x9F8] =	vst v0  }
0xa2: {  	[tilespmem:$0xA08] =	vst v0  }
0xa3: {  	[tilespmem:$0xA18] =	vst v0  }
0xa4: {  	[tilespmem:$0xA28] =	vst v0  }
0xa5: {  	[tilespmem:$0xA38] =	vst v0  }
0xa6: {  	[tilespmem:$0xA48] =	vst v0  }
0xa7: {  	[tilespmem:$0xA58] =	vst v0  }
0xa8: {  	[tilespmem:$0xA68] =	vst v0  }
0xa9: {  	[tilespmem:$0xA78] =	vst v0  }
0xaa: {  	[tilespmem:$0xA88] =	vst v0  }
0xab: {  	[tilespmem:$0xA98] =	vst v0  }
0xac: {  	[tilespmem:$0xAA8] =	vst v0  }
0xad: {  	[tilespmem:$0xAB8] =	vst v0  }
0xae: {  	[tilespmem:$0xAC8] =	vst v0  }
0xaf: {  	[tilespmem:$0xAD8] =	vst v0  }
0xb0: {  	[tilespmem:$0xAE8] =	vst v0  }
0xb1: {  	[tilespmem:$0xAF8] =	vst v0  }
0xb2: {  	[tilespmem:$0xB08] =	vst v0  }
0xb3: {  	[tilespmem:$0xB18] =	vst v0  }
0xb4: {  	[tilespmem:$0xB28] =	vst v0  }
0xb5: {  	[tilespmem:$0xB38] =	vst v0  }
0xb6: {  	[tilespmem:$0xB48] =	vst v0  }
0xb7: {  	[tilespmem:$0xB58] =	vst v0  }
0xb8: {  	[tilespmem:$0xB68] =	vst v0  }
0xb9: {  	[tilespmem:$0xB78] =	vst v0  }
0xba: {  	[tilespmem:$0xB88] =	vst v0  }
0xbb: {  	[tilespmem:$0xB98] =	vst v0  }
0xbc: {  	[tilespmem:$0xBA8] =	vst v0  }
0xbd: {  	[tilespmem:$0xBB8] =	vst v0  }
0xbe: {  	[tilespmem:$0xBC8] =	vst v0  }
0xbf: {  	[tilespmem:$0xBD8] =	vst v0  }
0xc0: {  	[tilespmem:$0xBE8] =	vst v0  }
0xc1: {  	[tilespmem:$0xBF8] =	vst v0  }
0xc2: {  	[tilespmem:$0xC08] =	vst v0  }
0xc3: {  	[tilespmem:$0xC18] =	vst v0  }
0xc4: {  	[tilespmem:$0xC28] =	vst v0  }
0xc5: {  	[tilespmem:$0xC38] =	vst v0  }
0xc6: {  	[tilespmem:$0xC48] =	vst v0  }
0xc7: {  	[tilespmem:$0xC58] =	vst v0  }
0xc8: {  	[tilespmem:$0xC68] =	vst v0  }
0xc9: {  	[tilespmem:$0xC78] =	vst v0  }
0xca: {  	[tilespmem:$0xC88] =	vst v0  }
0xcb: {  	[tilespmem:$0xC98] =	vst v0  }
0xcc: {  	[tilespmem:$0xCA8] =	vst v0  }
0xcd: {  	[tilespmem:$0xCB8] =	vst v0  }
0xce: {  	[tilespmem:$0xCC8] =	vst v0  }
0xcf: {  	[tilespmem:$0xCD8] =	vst v0  }
0xd0: {  	[tilespmem:$0xCE8] =	vst v0  }
0xd1: {  	[tilespmem:$0xCF8] =	vst v0  }
0xd2: {  	[tilespmem:$0xD08] =	vst v0  }
0xd3: {  	[tilespmem:$0xD18] =	vst v0  }
0xd4: {  	[tilespmem:$0xD28] =	vst v0  }
0xd5: {  	[tilespmem:$0xD38] =	vst v0  }
0xd6: {  	[tilespmem:$0xD48] =	vst v0  }
0xd7: {  	[tilespmem:$0xD58] =	vst v0  }
0xd8: {  	[tilespmem:$0xD68] =	vst v0  }
0xd9: {  	[tilespmem:$0xD78] =	vst v0  }
0xda: {  	[tilespmem:$0xD88] =	vst v0  }
0xdb: {  	[tilespmem:$0xD98] =	vst v0  }
0xdc: {  	[tilespmem:$0xDA8] =	vst v0  }
0xdd: {  	[tilespmem:$0xDB8] =	vst v0  }
0xde: {  	[tilespmem:$0xDC8] =	vst v0  }
0xdf: {  	[tilespmem:$0xDD8] =	vst v0  }
0xe0: {  	[tilespmem:$0xDE8] =	vst v0  }
0xe1: {  	[tilespmem:$0xDF8] =	vst v0  }
0xe2: {  	[tilespmem:$0xE08] =	vst v0  }
0xe3: {  	[tilespmem:$0xE18] =	vst v0  }
0xe4: {  	[tilespmem:$0xE28] =	vst v0  }
0xe5: {  	[tilespmem:$0xE38] =	vst v0  }
0xe6: {  	[tilespmem:$0xE48] =	vst v0  }
0xe7: {  	[tilespmem:$0xE58] =	vst v0  }
0xe8: {  	[tilespmem:$0xE68] =	vst v0  }
0xe9: {  	[tilespmem:$0xE78] =	vst v0  }
0xea: {  	[tilespmem:$0xE88] =	vst v0  }
0xeb: {  	[tilespmem:$0xE98] =	vst v0  }
0xec: {  	[tilespmem:$0xEA8] =	vst v0  }
0xed: {  	[tilespmem:$0xEB8] =	vst v0  }
0xee: {  	[tilespmem:$0xEC8] =	vst v0  }
0xef: {  	[tilespmem:$0xED8] =	vst v0  }
0xf0: {  	[tilespmem:$0xEE8] =	vst v0  }
0xf1: {  	[tilespmem:$0xEF8] =	vst v0  }
0xf2: {  	[tilespmem:$0xF08] =	vst v0  }
0xf3: {  	[tilespmem:$0xF18] =	vst v0  }
0xf4: {  	[tilespmem:$0xF28] =	vst v0  }
0xf5: {  	[tilespmem:$0xF38] =	vst v0  }
0xf6: {  	[tilespmem:$0xF48] =	vst v0  }
0xf7: {  	[tilespmem:$0xF58] =	vst v0  }
0xf8: {  	[tilespmem:$0xF68] =	vst v0  }
0xf9: {  	[tilespmem:$0xF78] =	vst v0  }
0xfa: {  	[tilespmem:$0xF88] =	vst v0  }
0xfb: {  	[tilespmem:$0xF98] =	vst v0  }
0xfc: {  	[tilespmem:$0xFA8] =	vst v0  }
0xfd: {  	[tilespmem:$0xFB8] =	vst v0  }
0xfe: {  	[tilespmem:$0xFC8] =	vst v0  }
0xff: {  	[tilespmem:$0xFD8] =	vst v0  }
0x100: {  	[tilespmem:$0xFE8] =	vst v0  }
0x101: {  	[tilespmem:$0xFF8] =	vst v0  }
0x102: {  	[tilespmem:$0x1028] =	vst v0  }
0x103: {  	[tilespmem:$0x10E8] =	vst v0  }
0x104: {  	[tilespmem:$0x1068] =	vst v0  }
0x105: {  	[tilespmem:$0x1B28] =	vst v0  }
0x106: {  	[tilespmem:$0x1B18] =	vst v0  }
0x107: {  	[tilespmem:$0x1B08] =	vst v0  }
0x108: {  	[tilespmem:$0x1AF8] =	vst v0  }
0x109: {  	[tilespmem:$0x1AE8] =	vst v0  }
0x10a: {  	[tilespmem:$0x1AD8] =	vst v0  }
0x10b: {  	[tilespmem:$0x1AC8] =	vst v0  }
0x10c: {  	[tilespmem:$0x1AB8] =	vst v0  }
0x10d: {  	[tilespmem:$0x1AA8] =	vst v0  }
0x10e: {  	[tilespmem:$0x1A98] =	vst v0  }
0x10f: {  	[tilespmem:$0x1A88] =	vst v0  }
0x110: {  	[tilespmem:$0x1A78] =	vst v0  }
0x111: {  	[tilespmem:$0x1A68] =	vst v0  }
0x112: {  	[tilespmem:$0x1A58] =	vst v0  }
0x113: {  	[tilespmem:$0x1A48] =	vst v0  }
0x114: {  	[tilespmem:$0x1A38] =	vst v0  }
0x115: {  	[tilespmem:$0x1A28] =	vst v0  }
0x116: {  	[tilespmem:$0x1A18] =	vst v0  }
0x117: {  	[tilespmem:$0x1A08] =	vst v0  }
0x118: {  	[tilespmem:$0x19F8] =	vst v0  }
0x119: {  	[tilespmem:$0x19E8] =	vst v0  }
0x11a: {  	[tilespmem:$0x19D8] =	vst v0  }
0x11b: {  	[tilespmem:$0x19C8] =	vst v0  }
0x11c: {  	[tilespmem:$0x19B8] =	vst v0  }
0x11d: {  	[tilespmem:$0x19A8] =	vst v0  }
0x11e: {  	[tilespmem:$0x1998] =	vst v0  }
0x11f: {  	[tilespmem:$0x1988] =	vst v0  }
0x120: {  	[tilespmem:$0x1978] =	vst v0  }
0x121: {  	[tilespmem:$0x1968] =	vst v0  }
0x122: {  	[tilespmem:$0x1958] =	vst v0  }
0x123: {  	[tilespmem:$0x1948] =	vst v0  }
0x124: {  	[tilespmem:$0x1938] =	vst v0  }
0x125: {  	[tilespmem:$0x1928] =	vst v0  }
0x126: {  	[tilespmem:$0x1918] =	vst v0  }
0x127: {  	[tilespmem:$0x1908] =	vst v0  }
0x128: {  	[tilespmem:$0x18F8] =	vst v0  }
0x129: {  	[tilespmem:$0x18E8] =	vst v0  }
0x12a: {  	[tilespmem:$0x18D8] =	vst v0  }
0x12b: {  	[tilespmem:$0x18C8] =	vst v0  }
0x12c: {  	[tilespmem:$0x18B8] =	vst v0  }
0x12d: {  	[tilespmem:$0x18A8] =	vst v0  }
0x12e: {  	[tilespmem:$0x1898] =	vst v0  }
0x12f: {  	[tilespmem:$0x1888] =	vst v0  }
0x130: {  	[tilespmem:$0x1878] =	vst v0  }
0x131: {  	[tilespmem:$0x1868] =	vst v0  }
0x132: {  	[tilespmem:$0x1858] =	vst v0  }
0x133: {  	[tilespmem:$0x1848] =	vst v0  }
0x134: {  	[tilespmem:$0x1838] =	vst v0  }
0x135: {  	[tilespmem:$0x1828] =	vst v0  }
0x136: {  	[tilespmem:$0x1818] =	vst v0  }
0x137: {  	[tilespmem:$0x1808] =	vst v0  }
0x138: {  	[tilespmem:$0x17F8] =	vst v0  }
0x139: {  	[tilespmem:$0x17E8] =	vst v0  }
0x13a: {  	[tilespmem:$0x17D8] =	vst v0  }
0x13b: {  	[tilespmem:$0x17C8] =	vst v0  }
0x13c: {  	[tilespmem:$0x17B8] =	vst v0  }
0x13d: {  	[tilespmem:$0x17A8] =	vst v0  }
0x13e: {  	[tilespmem:$0x1798] =	vst v0  }
0x13f: {  	[tilespmem:$0x1788] =	vst v0  }
0x140: {  	[tilespmem:$0x1778] =	vst v0  }
0x141: {  	[tilespmem:$0x1768] =	vst v0  }
0x142: {  	[tilespmem:$0x1758] =	vst v0  }
0x143: {  	[tilespmem:$0x1748] =	vst v0  }
0x144: {  	[tilespmem:$0x1738] =	vst v0  }
0x145: {  	[tilespmem:$0x1728] =	vst v0  }
0x146: {  	[tilespmem:$0x1718] =	vst v0  }
0x147: {  	[tilespmem:$0x1708] =	vst v0  }
0x148: {  	[tilespmem:$0x16F8] =	vst v0  }
0x149: {  	[tilespmem:$0x16E8] =	vst v0  }
0x14a: {  	[tilespmem:$0x16D8] =	vst v0  }
0x14b: {  	[tilespmem:$0x16C8] =	vst v0  }
0x14c: {  	[tilespmem:$0x16B8] =	vst v0  }
0x14d: {  	[tilespmem:$0x16A8] =	vst v0  }
0x14e: {  	[tilespmem:$0x1698] =	vst v0  }
0x14f: {  	[tilespmem:$0x1688] =	vst v0  }
0x150: {  	[tilespmem:$0x1678] =	vst v0  }
0x151: {  	[tilespmem:$0x1668] =	vst v0  }
0x152: {  	[tilespmem:$0x1658] =	vst v0  }
0x153: {  	[tilespmem:$0x1648] =	vst v0  }
0x154: {  	[tilespmem:$0x1638] =	vst v0  }
0x155: {  	[tilespmem:$0x1628] =	vst v0  }
0x156: {  	[tilespmem:$0x1618] =	vst v0  }
0x157: {  	[tilespmem:$0x1608] =	vst v0  }
0x158: {  	[tilespmem:$0x15F8] =	vst v0  }
0x159: {  	[tilespmem:$0x15E8] =	vst v0  }
0x15a: {  	[tilespmem:$0x15D8] =	vst v0  }
0x15b: {  	[tilespmem:$0x15C8] =	vst v0  }
0x15c: {  	[tilespmem:$0x15B8] =	vst v0  }
0x15d: {  	[tilespmem:$0x15A8] =	vst v0  }
0x15e: {  	[tilespmem:$0x1598] =	vst v0  }
0x15f: {  	[tilespmem:$0x1588] =	vst v0  }
0x160: {  	[tilespmem:$0x1578] =	vst v0  }
0x161: {  	[tilespmem:$0x1568] =	vst v0  }
0x162: {  	[tilespmem:$0x1558] =	vst v0  }
0x163: {  	[tilespmem:$0x1548] =	vst v0  }
0x164: {  	[tilespmem:$0x1538] =	vst v0  }
0x165: {  	[tilespmem:$0x1528] =	vst v0  }
0x166: {  	[tilespmem:$0x1518] =	vst v0  }
0x167: {  	[tilespmem:$0x1508] =	vst v0  }
0x168: {  	[tilespmem:$0x14F8] =	vst v0  }
0x169: {  	[tilespmem:$0x14E8] =	vst v0  }
0x16a: {  	[tilespmem:$0x14D8] =	vst v0  }
0x16b: {  	[tilespmem:$0x14C8] =	vst v0  }
0x16c: {  	[tilespmem:$0x14B8] =	vst v0  }
0x16d: {  	[tilespmem:$0x14A8] =	vst v0  }
0x16e: {  	[tilespmem:$0x1498] =	vst v0  }
0x16f: {  	[tilespmem:$0x1488] =	vst v0  }
0x170: {  	[tilespmem:$0x1478] =	vst v0  }
0x171: {  	[tilespmem:$0x1468] =	vst v0  }
0x172: {  	[tilespmem:$0x1458] =	vst v0  }
0x173: {  	[tilespmem:$0x1448] =	vst v0  }
0x174: {  	[tilespmem:$0x1438] =	vst v0  }
0x175: {  	[tilespmem:$0x1428] =	vst v0  }
0x176: {  	[tilespmem:$0x1418] =	vst v0  }
0x177: {  	[tilespmem:$0x1408] =	vst v0  }
0x178: {  	[tilespmem:$0x13F8] =	vst v0  }
0x179: {  	[tilespmem:$0x13E8] =	vst v0  }
0x17a: {  	[tilespmem:$0x13D8] =	vst v0  }
0x17b: {  	[tilespmem:$0x13C8] =	vst v0  }
0x17c: {  	[tilespmem:$0x13B8] =	vst v0  }
0x17d: {  	[tilespmem:$0x13A8] =	vst v0  }
0x17e: {  	[tilespmem:$0x1398] =	vst v0  }
0x17f: {  	[tilespmem:$0x1388] =	vst v0  }
0x180: {  	[tilespmem:$0x1378] =	vst v0  }
0x181: {  	[tilespmem:$0x1368] =	vst v0  }
0x182: {  	[tilespmem:$0x1358] =	vst v0  }
0x183: {  	[tilespmem:$0x1348] =	vst v0  }
0x184: {  	[tilespmem:$0x1338] =	vst v0  }
0x185: {  	[tilespmem:$0x1328] =	vst v0  }
0x186: {  	[tilespmem:$0x1318] =	vst v0  }
0x187: {  	[tilespmem:$0x1308] =	vst v0  }
0x188: {  	[tilespmem:$0x12F8] =	vst v0  }
0x189: {  	[tilespmem:$0x12E8] =	vst v0  }
0x18a: {  	[tilespmem:$0x12D8] =	vst v0  }
0x18b: {  	[tilespmem:$0x12C8] =	vst v0  }
0x18c: {  	[tilespmem:$0x12B8] =	vst v0  }
0x18d: {  	[tilespmem:$0x12A8] =	vst v0  }
0x18e: {  	[tilespmem:$0x1298] =	vst v0  }
0x18f: {  	[tilespmem:$0x1288] =	vst v0  }
0x190: {  	[tilespmem:$0x1278] =	vst v0  }
0x191: {  	[tilespmem:$0x1268] =	vst v0  }
0x192: {  	[tilespmem:$0x1258] =	vst v0  }
0x193: {  	[tilespmem:$0x1248] =	vst v0  }
0x194: {  	[tilespmem:$0x1238] =	vst v0  }
0x195: {  	[tilespmem:$0x1228] =	vst v0  }
0x196: {  	[tilespmem:$0x1218] =	vst v0  }
0x197: {  	[tilespmem:$0x1208] =	vst v0  }
0x198: {  	[tilespmem:$0x11F8] =	vst v0  }
0x199: {  	[tilespmem:$0x11E8] =	vst v0  }
0x19a: {  	[tilespmem:$0x11D8] =	vst v0  }
0x19b: {  	[tilespmem:$0x11C8] =	vst v0  }
0x19c: {  	[tilespmem:$0x11B8] =	vst v0  }
0x19d: {  	[tilespmem:$0x11A8] =	vst v0  }
0x19e: {  	[tilespmem:$0x1198] =	vst v0  }
0x19f: {  	[tilespmem:$0x1188] =	vst v0  }
0x1a0: {  	[tilespmem:$0x1178] =	vst v0  }
0x1a1: {  	[tilespmem:$0x1168] =	vst v0  }
0x1a2: {  	[tilespmem:$0x1158] =	vst v0  }
0x1a3: {  	[tilespmem:$0x1148] =	vst v0  }
0x1a4: {  	[tilespmem:$0x1138] =	vst v0  }
0x1a5: {  	[tilespmem:$0x1128] =	vst v0  }
0x1a6: {  	[tilespmem:$0x1118] =	vst v0  }
0x1a7: {  	s4 =	stileid.u32;
	[tilespmem:$0x1108] =	vst v0  }
0x1a8: {  	s0 =	smul.u32 $0x9, s4;
	[tilespmem:$0x10F8] =	vst v0  }
0x1a9: {  	s1 =	smin.u32 s4, $0xD;
	[tilespmem:$0x10C8] =	vst v0  }
0x1aa: {  	[tilespmem:$0x10D8] =	vst v0;
	s0 =	sadd.s32 s1, s0  }
0x1ab: {  	p0 =	slt.u32 s4, $0xD;
	[tilespmem:$0x10B8] =	vst v0;
	s1 =	simm.s32 $0x10E0;
	s6 =	smul.u32 $0x1B0, s0  }
0x1ac: {  	s1 =	simm.s32 @!p0 $0xF30;
	[tilespmem:$0x1038] =	vst v0  }
0x1ad: {  	[tilespmem:$0x10A8] =	vst v0;
	s0 =	sadd.s32 s1, s6  }
0x1ae: {  	s3 =	simm.s32 $0x2;
	s8 =	simm.s32 $0x9;
	[tilespmem:$0x1098] =	vst v0;
	s7 =	smin.u32 s0, $0x10800  }
0x1af: {  	s10 =	simm.s32 $0xA;
	s30 =	simm.s32 $0xB;
	[tilespmem:$0x1088] =	vst v0;
	s0 =	ssub.s32 s7, s6  }
0x1b0: {  	s16 =	simm.s32 $0x0;
	p4 =	por $0x0, $0x0;
	[tilespmem:$0x1078] =	vst v0;
	p0 =	sgt.s32 s0, $0x0  }
0x1b1: {  	s17 =	simm.s32 $0xC;
	s21 =	simm.s32 $0x0;
	[tilespmem:$0x1058] =	vst v0;
	s0 =	simm.s32 @!p0 $0x0  }
0x1b2: {  	s18 =	simm.s32 $0x0;
	s2 =	sand.u32 $0x1, s2;
	[tilespmem:$0x1048] =	vst v0;
	s29 =	smulhi.u32 $0x4BDA12F7, s0  }
0x1b3: {  	s20 =	simm.s32 $0x0;
	s31 =	sshll.u32 s4, $0x5;
	[tilespmem:$0x1018] =	vst v0;
	[dreg:$0x5] =	wrdreg s2  }
0x1b4: {  	s2 =	smul.u32 $0x2100, s2;
	[tilespmem:$0x1008] =	vst v0;
	[sflag:s3] =	ssyncpa.u1 $0x0;
	s1 =	sshrl.u32 s29, $0x7  }
0x1b5: {  	v0 =	vimm.s32 $0xFFFFFFFF;
	s3 =	sadd.s32 $0x22F600, s11;
	[dreg:$0x4] =	wrdreg s31;
	s5 =	smul.u32 $0x1B0, s1  }
.Ltmp0:
0x1b6: {  	[tilespmem:$0x3648] =	vst v0;
	[sflag:s8] =	ssyncpa.u1 $0x0;
	s2 =	sadd.s32 s2, s11;
	(pc) =	sbr.rel .LBB2_1-.Ltmp0, $4  }
0x1b7: {  	[sflag:s10] =	ssyncpa.u1 $0x0;
	s11 =	sadd.s32 $0x1F600, s11;
	p0 =	sne.s32 s0, s5  }
0x1b8: {  	[sflag:s30] =	ssyncpa.u1 $0x0;
	s14 =	sadd.s32 $0x1B400, s2;
	s12 =	simm.s32 @!p0 $0x0  }
0x1b9: {  	s15 =	sadd.s32 $0x17200, s2;
	s19 =	smov.u32 s6;
	s12 =	sadd.s32 s12, s1  }
0x1ba: {  	v0 =	vlaneseq.u32;
	[dreg:$0x6] =	wrdreg s6;
	p0 =	por $0x1, $0x1;
	s4 =	sadd.s32 $0x1, s12  }
.LBB2_18:
0x1bb: {  	s0 =	simm.s32 $0x2  }
0x1bc: {  	_ =	swait.ge [sflag:s0], $0x0  }
0x1bd: {  	[sflag:s0] =	ssyncset.done $0x0;
	s0 =	simm.s32 $0x0  }
.LBB2_19:
0x1be: {  	_ =	swait.ge [sflag:s17], s0  }
0x1bf: {  	s31 =	ssub.s32 $0x0, s0;
	v1 =	vmov s23;
	vm0 =	veq.s32 v0, $0x0;
	[sflag:s17] =	ssyncset.done $0x0  }
0x1c0: {  	vm15 =	veq.s32 v0, $0x2;
	v1 =	vsel vm0, s28, v1;
	[sflag:s17] =	ssyncadd.s32 s31  }
0x1c1: {  	v1 =	vsel vm15, s21, v1;
	[sflag:s17] =	ssyncpa.u1 $0x1  }
0x1c2: {  	[tilespmem:$0x3648] =	vst v1  }
.LBB2_20:
0x1c3: {  	s0 =	sadd.s32 $0x1B0, s19  }
0x1c4: {  	s1 =	smov.u32 s6;
	p1 =	slt.s32 s0, s7  }
0x1c5: {  	s1 =	smov.u32 @p1 s0;
	p1 =	sne.s32 s20, s4  }
.Ltmp1:
0x1c6: {  	_ = 	snop;
	(pc) =	sbr.rel @!p1 .LBB2_21-.Ltmp1, $4  }
0x1c7: {  	_ = 	snop  }
0x1c8: {  	s21 =	smov.u32 s18  }
0x1c9: {  	s31 =	sadd.s32 $0x1, s20;
	s18 =	smov.u32 s19;
	p0 =	por !p0, !p0  }
0x1ca: {  	p4 =	por !p4, !p4;
	s20 =	smov.u32 s31;
	s19 =	smov.u32 s1  }
.LBB2_1:
0x1cb: {  	p2 =	sge.u32 s20, s12  }
0x1cc: {  	s0 =	smulhi.u32 @!p2 $0xAAAAAAAB, s20  }
0x1cd: {  	s1 =	smov.u32 s19;
	p3 =	sgt.s32 @!p2 s19, $0x10650  }
0x1ce: {  	s2 =	sshra.s32 @!p2 s19, $0x1F;
	p3 =	por !p3, p2;
	s0 =	sshrl.u32 @!p2 s0, $0x1  }
0x1cf: {  	s2 =	sand.u32 @!p2 s2, s19;
	s1 =	simm.s32 @p3 $0x10650;
	s0 =	smul.u32 @!p2 $0x3, s0  }
0x1d0: {  	s1 =	ssub.s32 @!p2 s1, s2  }
0x1d1: {  	s23 =	sadd.s32 $0xFFFFFFFF, s20;
	s1 =	sadd.s32 @!p2 $0xFFFEF9B0, s1;
	s0 =	ssub.s32 @!p2 s20, s0  }
0x1d2: {  	s2 =	sshll.u32 @!p2 s1, $0x2;
	p3 =	sgt.s32 @!p2 s1, $0x1AF;
	s0 =	smul.u32 @!p2 $0x6C0, s0  }
0x1d3: {  	s5 =	sand.u32 @!p2 $0x7, s19;
	s1 =	ssub.s32 @!p2 $0x6C0, s2;
	p3 =	por !p3, p2  }
0x1d4: {  	s2 =	sshrl.u32 @!p2 s19, $0x3;
	s1 =	sshrl.u32 @!p2 s1, $0x2;
	s0 =	sshrl.u32 @!p2 s0, $0x2  }
0x1d5: {  	s2 =	sadd.s32 @!p2 s2, s14;
	s1 =	simm.s32 @!p3 $0x0;
	s0 =	sadd.s32 @!p2 $0x3888, s0  }
0x1d6: {  	[tilespmem:s0], [sflag:$0xA] =	stream.linear.gather @!p2 [hbm4b:s2+s5], s1, $0x38;
	[tilespmem:$0x1F0F8] =	vst v63  }
0x1d7: {  	p2 =	sge.u32 s23, s12  }
0x1d8: {  	p3 =	sgt.s32 @!p2 s18, $0x10650  }
0x1d9: {  	s0 =	smov.u32 s18;
	s1 =	sshra.s32 @!p2 s18, $0x1F;
	p3 =	por !p3, p2  }
0x1da: {  	s1 =	sand.u32 @!p2 s1, s18;
	s0 =	simm.s32 @p3 $0x10650  }
0x1db: {  	s0 =	ssub.s32 @!p2 s0, s1  }
0x1dc: {  	s0 =	sadd.s32 @!p2 $0xFFFEF9B0, s0  }
0x1dd: {  	s1 =	sshll.u32 @!p2 s0, $0x2  }
0x1de: {  	p3 =	sgt.s32 @!p2 s0, $0x1AF;
	s0 =	ssub.s32 @!p2 $0x6C0, s1  }
0x1df: {  	s22 =	ssub.s32 @!p2 $0x10800, s18;
	p3 =	por !p3, p2;
	s0 =	sshrl.u32 @!p2 s0, $0x2  }
0x1e0: {  	s1 =	sand.u32 @!p2 $0x1, s23;
	s0 =	simm.s32 @!p3 $0x0;
	p3 =	slt.s32 @!p2 s22, $0x1  }
0x1e1: {  	s2 =	simm.s32 @!p2 $0xA;
	s1 =	smul.u32 @!p2 $0x6C0, s1;
	p3 =	por p2, p3  }
.Ltmp2:
0x1e2: {  	_ =	swait.ge @!p2 [sflag:s2], s0;
	(pc) =	sbr.rel @p3 .LBB2_7-.Ltmp2, $4  }
0x1e3: {  	s5 =	ssub.s32 @!p2 $0x0, s0;
	[sflag:s2] =	ssyncset.done @!p2 $0x0  }
0x1e4: {  	s1 =	sshrl.u32 @!p2 s1, $0x2;
	[sflag:s2] =	ssyncadd.s32 @!p2 s5;
	s2 =	sshrl.u32 @!p2 s18, $0x3  }
0x1e5: {  	s1 =	sadd.s32 @!p2 $0x3D98, s1;
	s5 =	sand.u32 @!p2 $0x7, s18;
	s2 =	sadd.s32 @!p2 s2, s15  }
0x1e6: {  	[tilespmem:s1], [sflag:$0xB] =	stream.linear.gather @!p2 [hbm4b:s2+s5], s0, $0x38;
	[tilespmem:$0x1F0F8] =	vst v63  }
0x1e7: {  	s0 =	smulhi.u32 $0xAAAAAAAB, s23;
	_ =	sdelay $0x1  }
0x1e8: {  	s0 =	sshrl.u32 s0, $0x1  }
0x1e9: {  	s0 =	smul.u32 $0x3, s0;
	_ =	sdelay $0x1  }
0x1ea: {  	s0 =	ssub.s32 s23, s0  }
0x1eb: {  	s1 =	simm.s32 $0x1;
	s0 =	smul.u32 $0x6C0, s0  }
.Ltmp3:
0x1ec: {  	s1 =	simm.s32 @!p0 $0x0;
	(pc) =	sbr.rel .LBB2_4-.Ltmp3, $4  }
0x1ed: {  	s1 =	smul.u32 $0x36000, s1  }
0x1ee: {  	p3 =	slt.s32 @!p2 s22, $0x1B0;
	s0 =	sshrl.u32 s0, $0x2  }
0x1ef: {  	p2 =	por !p3, p2;
	s1 =	sshrl.u32 s1, $0x2;
	s0 =	sadd.s32 $0x3888, s0  }
0x1f0: {  	s24 =	simm.s32 $0x0;
	s22 =	simm.s32 @p2 $0x1B0;
	s23 =	sadd.s32 $0x40F8, s1;
	v1 =	vmov s0  }
.LBB2_3:
0x1f1: {  	p2 =	sge.s32 s24, s22  }
.Ltmp4:
0x1f2: {  	_ = 	snop;
	(pc) =	sbr.rel @p2 .LBB2_7-.Ltmp4, $2  }
0x1f3: {  	_ =	sdelay $0x2  }
0x1f4: {  	s23 =	sadd.s32 $0x800, s23  }
.LBB2_4:
0x1f5: {  	p2 =	sle.s32 s22, s24  }
.Ltmp5:
0x1f6: {  	_ = 	snop;
	(pc) =	sbr.rel @p2 .LBB2_3-.Ltmp5, $2  }
0x1f7: {  	_ =	sdelay $0x2  }
0x1f8: {  	s0 =	smov.u32 s24;
	s24 =	sadd.s32 $0x10, s24  }
0x1f9: {  	s1 =	ssub.s32 s22, s0  }
0x1fa: {  	p2 =	slt.s32 s1, $0x10  }
0x1fb: {  	s1 =	simm.s32 @!p2 $0x10  }
0x1fc: {  	v2 =	vmov s1  }
0x1fd: {  	vm0 =	vgt.s32 v2, v0;
	_ =	sdelay $0x5  }
0x1fe: {  	v2 =	vld.idx.msk [tilespmem:v1+s0+$0x0 ss:$0x1], vm0;
	_ =	sdelay $0x2  }
0x1ff: {  	p2 =	slt.s32 s24, s22;
	s1 =	smov.u32 s22  }
0x200: {  	s2 =	smov.u32 s23;
	s25 =	simm.s32 $0x0;
	s1 =	smov.u32 @p2 s24  }
.LBB2_6:
0x201: {  	(v2sf) =	vpush v2, s25;
	_ =	sdelay $0xc  }
0x202: {  	s25 =	sadd.s32 $0x1, s25  }
0x203: {  	s31 =	sadd.s32 s25, s0  }
0x204: {  	p2 =	slt.s32 s31, s1;
	s5 =	spop (v2sf)  }
.Ltmp6:
0x205: {  	s5 =	sshll.u32 s5, $0x4;
	(pc) =	sbr.rel @p2 .LBB2_6-.Ltmp6, $4  }
0x206: {  	s5 =	sand.u32 $0x1FFFFFF0, s5  }
0x207: {  	s5 =	sadd.s32 s11, s5  }
0x208: {  	[tilespmem:s2], [sflag:$0x9] =	stream.linear.gather [hbm4b:s5+s16], $0x4, $0x38;
	[tilespmem:$0x1F0F8] =	vst v63  }
0x209: {  	s2 =	sadd.s32 $0x80, s2  }
.Ltmp7:
0x20a: {  	_ = 	snop;
	(pc) =	sbr.rel .LBB2_3-.Ltmp7, $1  }
0x20b: {  	_ =	sdelay $0x3  }
.LBB2_7:
0x20c: {  	p2 =	slt.u32 s20, $0x2  }
.Ltmp8:
0x20d: {  	_ = 	snop;
	(pc) =	sbr.rel @p2 .LBB2_20-.Ltmp8, $1  }
0x20e: {  	_ =	sdelay $0x3  }
0x20f: {  	p2 =	sgt.s32 s21, $0x10650  }
0x210: {  	s0 =	smov.u32 s21;
	s1 =	sshra.s32 s21, $0x1F;
	s2 =	ssub.s32 $0x10800, s21  }
0x211: {  	s0 =	simm.s32 @!p2 $0x10650;
	s1 =	sand.u32 s1, s21;
	p2 =	slt.s32 s2, $0x1B0  }
0x212: {  	s0 =	ssub.s32 s0, s1;
	s2 =	simm.s32 @!p2 $0x1B0  }
0x213: {  	s0 =	sadd.s32 $0xFFFEF9B0, s0;
	s24 =	sshll.u32 s2, $0x2  }
0x214: {  	s28 =	simm.s32 $0x9;
	s25 =	sshll.u32 s0, $0x2;
	s1 =	sand.u32 $0x3FFFFFFC, s24  }
0x215: {  	p2 =	sgt.s32 s0, $0x1AF;
	s26 =	ssub.s32 $0x6C0, s25;
	_ =	swait.ge [sflag:s28], s1  }
0x216: {  	s1 =	ssub.s32 $0x0, s1;
	[sflag:s28] =	ssyncset.done $0x0;
	s0 =	sshrl.u32 s26, $0x2  }
0x217: {  	s30 =	simm.s32 $0xB;
	[sflag:s28] =	ssyncadd.s32 s1;
	s0 =	simm.s32 @p2 $0x0  }
0x218: {  	_ =	swait.ge [sflag:s30], s0  }
0x219: {  	s0 =	ssub.s32 $0x0, s0;
	[sflag:s30] =	ssyncset.done $0x0  }
0x21a: {  	[sflag:s30] =	ssyncadd.s32 s0  }
0x21b: {  	v1 =	vld [tilespmem:$0x3648];
	_ =	sdelay $0x4  }
0x21c: {  	(v2sf) =	vpush v1, $0x0  }
0x21d: {  	(v2sf) =	vpush v1, $0x1  }
0x21e: {  	(v2sf) =	vpush v1, $0x2;
	_ =	sdelay $0x3  }
0x21f: {  	s0 =	sadd.s32 $0x1B0, s21  }
0x220: {  	s1 =	ssub.s32 $0x21000, s21;
	p2 =	slt.s32 s7, s0  }
0x221: {  	s0 =	smov.u32 @p2 s7;
	p2 =	sgt.s32 s1, $0x0  }
0x222: {  	s25 =	ssub.s32 s0, s21;
	s1 =	simm.s32 @!p2 $0x0  }
0x223: {  	p2 =	slt.s32 s1, s25  }
0x224: {  	s25 =	smov.u32 @p2 s1  }
0x225: {  	s24 =	simm.s32 $0x1;
	p2 =	slt.s32 s25, $0x1  }
.Ltmp9:
0x226: {  	s24 =	simm.s32 @!p4 $0x0;
	(pc) =	sbr.rel @p2 .LBB2_12-.Ltmp9, $4  }
0x227: {  	s31 =	smul.u32 $0x6C0, s24  }
0x228: {  	s26 =	spop (v2sf)  }
0x229: {  	s0 =	sshrl.u32 s31, $0x2;
	s29 =	spop (v2sf)  }
0x22a: {  	s22 =	sadd.s32 $0x3D98, s0;
	s21 =	spop (v2sf)  }
0x22b: {  	s0 =	smin.u32 s25, $0x10  }
0x22c: {  	v1 =	vmov s0  }
0x22d: {  	p3 =	sgt.s32 s25, $0x10;
	vm1 =	vgt.u32 v1, v0  }
.Ltmp10:
0x22e: {  	_ = 	snop;
	(pc) =	sbr.rel @!p3 .LBB2_11-.Ltmp10, $2  }
0x22f: {  	_ =	sdelay $0x2  }
0x230: {  	s23 =	simm.s32 $0x10;
	s28 =	sadd.s32 $0xFFFFFFF0, s25;
	s0 =	smov.u32 s22;
	vm0 =	vmmov vm1  }
.LBB2_10:
0x231: {  	s1 =	smin.u32 s28, $0x10;
	s23 =	sadd.s32 $0x10, s23;
	v1 =	vld.msk [tilespmem:s0+$0x0 ss:$0x1], vm1  }
0x232: {  	v2 =	vmov s1;
	p3 =	slt.s32 s23, s25  }
0x233: {  	vm1 =	vgt.u32 v2, v0  }
.Ltmp11:
0x234: {  	(pc) =	sbr.rel @p3 .LBB2_10-.Ltmp11, $3  }
0x235: {  	_ =	sdelay $0x1  }
0x236: {  	v1 =	vshll.u32 v1, $0x4  }
0x237: {  	s28 =	sadd.s32 $0xFFFFFFF0, s28;
	[tilespmem:s0+$0x0] =	vst.msk vm0, v1;
	s0 =	sadd.s32 $0x10, s0;
	vm0 =	vmmov vm1  }
.LBB2_11:
0x238: {  	_ =	sdelay $0x4  }
0x239: {  	v1 =	vld.msk [tilespmem:s0+$0x0 ss:$0x1], vm1;
	_ =	sdelay $0x4  }
0x23a: {  	v1 =	vshll.u32 v1, $0x4  }
0x23b: {  	[tilespmem:s0+$0x0] =	vst.msk vm0, v1  }
.LBB2_12:
0x23c: {  	s0 =	sand.u32 $0x1, s20  }
0x23d: {  	s0 =	smul.u32 $0x1B0, s0  }
0x23e: {  	p3 =	sne.s32 s29, $0xFFFFFFFF  }
0x23f: {  	v1 =	vld.msk @!p3 [tilespmem:s0+$0x3D98], $0x1;
	_ =	sdelay $0x4  }
0x240: {  	(v2sf) =	vpush @!p3 v1, $0x0;
	_ =	sdelay $0xc  }
.Ltmp12:
0x241: {  	_ = 	snop;
	(pc) =	sbr.rel @p2 .LBB2_18-.Ltmp12, $4  }
0x242: {  	_ = 	snop  }
0x243: {  	s28 =	spop @!p3 (v2sf)  }
0x244: {  	s21 =	simm.s32 @!p3 $0x0;
	s23 =	smov.u32 s28  }
0x245: {  	[sflag:s17] =	ssyncpa.u1 $0x0;
	s28 =	smov.u32 @p3 s26;
	s23 =	smov.u32 @p3 s29  }
0x246: {  	v1 =	vld.msk [tilespmem:s22+$0x0], $0x1;
	_ =	sdelay $0x4  }
0x247: {  	(v2sf) =	vpush v1, $0x0;
	_ =	sdelay $0xe  }
0x248: {  	s0 =	simm.s32 @!p4 $0x0;
	s26 =	smul.u32 $0x36000, s24;
	s31 =	spop (v2sf)  }
0x249: {  	s29 =	ssub.s32 $0x0, s25;
	s0 =	simm.s32 @p4 $0x1;
	p2 =	seq.s32 s28, s31  }
0x24a: {  	s1 =	smov.u32 s28;
	[smem:$0x7FD] =	sst s0;
	p3 =	sgt.s32 @!p2 s28, $0x0  }
0x24b: {  	s0 =	sshrl.u32 s26, $0x2;
	s26 =	sadd.s32 $0x1, s29;
	p3 =	por !p3, p2  }
0x24c: {  	s1 =	simm.s32 @p3 $0x0;
	p3 =	seq.s32 s26, $0x0  }
.Ltmp13:
0x24d: {  	_ = 	snop;
	(pc) =	sbr.rel @p3 .LBB2_15-.Ltmp13, $4  }
0x24e: {  	s6 =	smov.u32 s4;
	s25 =	simm.s32 $0x0  }
0x24f: {  	s24 =	sadd.s32 $0x40F8, s0;
	s0 =	simm.s32 @!p2 $0x1;
	s2 =	smin.u32 @!p2 s1, $0xFFFF  }
0x250: {  	s30 =	sadd.s32 $0x1, s22;
	s0 =	smov.u32 @p2 s25;
	s5 =	sand.u32 @!p2 $0xFFF8, s2  }
0x251: {  	s1 =	simm.s32 @!p2 $0x1B38;
	s2 =	sand.u32 @!p2 $0x7, s2;
	s5 =	sadd.s32 @!p2 s3, s5  }
.LBB2_14:
0x252: {  	s4 =	smov.u32 s0  }
0x253: {  	[tilespmem:s1], [sflag:$0x2] =	stream.linear.gather @!p2 [hbm4b:s5+s2], $0x4, $0x38;
	[tilespmem:$0x1F0F8] =	vst v63  }
0x254: {  	s26 =	sadd.s32 $0x1, s26;
	s2 =	smov.u32 s31;
	v1 =	vld.msk [tilespmem:s30+$0x0], $0x1  }
0x255: {  	p3 =	seq.s32 s26, $0x0;
	_ =	sdelay $0x3  }
0x256: {  	(v2sf) =	vpush v1, $0x0;
	_ =	sdelay $0xe  }
0x257: {  	s31 =	spop (v2sf)  }
0x258: {  	p2 =	seq.s32 s2, s31  }
0x259: {  	p4 =	sgt.s32 @!p2 s2, $0x0;
	s1 =	sshll.u32 @!p2 s0, $0x6;
	s0 =	sadd.s32 @!p2 $0x1, s0  }
.Ltmp14:
0x25a: {  	p4 =	por !p4, p2;
	s1 =	sshra.s32 @!p2 s1, $0x2;
	(pc) =	sbr.rel @!p3 .LBB2_14-.Ltmp14, $4  }
0x25b: {  	s0 =	smov.u32 @p2 s4;
	s2 =	simm.s32 @p4 $0x0;
	s1 =	sadd.s32 @!p2 $0x1B38, s1  }
0x25c: {  	s2 =	smin.u32 @!p2 s2, $0xFFFF  }
0x25d: {  	s4 =	sand.u32 @!p2 $0xFFF8, s2;
	s2 =	sand.u32 @!p2 $0x7, s2  }
0x25e: {  	s30 =	sadd.s32 $0x1, s30;
	s5 =	sadd.s32 @!p2 s3, s4  }
.LBB2_15:
0x25f: {  	[tilespmem:s1], [sflag:$0x2] =	stream.linear.gather @!p2 [hbm4b:s5+s2], $0x4, $0x38;
	[tilespmem:$0x1F0F8] =	vst v63  }
0x260: {  	s0 =	sshll.u32 s0, $0x2  }
0x261: {  	s31 =	simm.s32 $0x2;
	s0 =	sand.u32 $0x3FFFFFFC, s0  }
0x262: {  	_ =	swait.ge [sflag:s31], s0  }
0x263: {  	s0 =	ssub.s32 $0x0, s0;
	[sflag:s31] =	ssyncset.done $0x0  }
0x264: {  	[sflag:s31] =	ssyncadd.s32 s0  }
0x265: {  	v1 =	vld.msk [tilespmem:s22+$0x0], $0x1;
	_ =	sdelay $0x4  }
0x266: {  	(v2sf) =	vpush v1, $0x0;
	_ =	sdelay $0xe  }
0x267: {  	s26 =	spop (v2sf)  }
0x268: {  	p2 =	sne.s32 s28, s26  }
0x269: {  	p4 =	sne.s32 @p2 s28, s23  }
0x26a: {  	p3 =	por !p4, !p2  }
0x26b: {  	s0 =	simm.s32 @!p3 $0x0  }
0x26c: {  	v1 =	vld.msk @!p3 [tilespmem:s0+$0x1B38], $0xf  }
0x26d: {  	p5 =	sgt.u32 @!p3 s28, $0xFFFF  }
0x26e: {  	s1 =	sshll.u32 @!p3 s21, $0x6;
	p6 =	por @p2 p5, !p4  }
0x26f: {  	s1 =	sshra.s32 @!p3 s1, $0x2;
	p1 =	por p6, !p2;
	p6 =	por p4, !p2  }
0x270: {  	s2 =	sadd.s32 @!p3 $0x28, s1;
	s4 =	sand.u32 @!p1 $0xFFF8, s28;
	s5 =	sshll.u32 @!p6 s21, $0x6  }
0x271: {  	s28 =	sand.u32 @!p1 $0x7, s28;
	[tilespmem:s1+$0x28] =	vst.add.f32.msk @!p3 $0xf, v1;
	s1 =	sadd.s32 @!p1 s3, s4;
	s4 =	sshra.s32 @!p6 s5, $0x2  }
0x272: {  	[hbm4b:s1+s28] =	stream.linear.scatter @!p1 [tilespmem:s2], [sflag:$0xC], $0x4, $0x38;
	[tilespmem:$0x1F0F8] =	vst v63  }
0x273: {  	s0 =	rddreg [dreg:$0x4];
	s1 =	sadd.s32 @!p6 $0x28, s4;
	s2 =	simm.s32 @!p6 $0x1  }
0x274: {  	[spmem:s0] =	stream.linear.scatter @!p6 [tilespmem:s1], [sflag:$0x1], $0x4, $0x38;
	[tilespmem:$0x1F0F8] =	vst v63  }
0x275: {  	s0 =	sadd.s32 @p2 $0x1, s21;
	_ =	swait.ge @!p6 [sflag:s2], $0x4  }
0x276: {  	s1 =	sshrl.u32 @p2 s0, $0x4;
	[sflag:s2] =	ssyncset.done @!p6 $0x0  }
0x277: {  	s1 =	smulhi.u32 @p2 $0x97B425F, s1;
	[sflag:s2] =	ssyncadd.s32 @!p6 $0xFFFFFFFC  }
0x278: {  	s28 =	sadd.s32 $0x1, s29;
	v1 =	vld.msk @p2 [tilespmem:s24+$0x0], $0xf  }
0x279: {  	p1 =	por @p2 !p5, !p4;
	p4 =	seq.s32 s28, $0x0;
	s1 =	smul.u32 @p2 $0x1B0, s1  }
.Ltmp15:
0x27a: {  	p1 =	por !p1, !p2;
	s2 =	simm.s32 @!p3 $0x0;
	(pc) =	sbr.rel @p4 .LBB2_17-.Ltmp15, $4  }
0x27b: {  	s4 =	sshll.u32 @!p2 s21, $0x6;
	s2 =	simm.s32 @!p1 $0x10;
	s0 =	ssub.s32 @p2 s0, s1  }
0x27c: {  	s29 =	simm.s32 $0x0;
	s2 =	sadd.s32 @!p3 $0x0, s2;
	s5 =	sshll.u32 @p2 s0, $0x4  }
0x27d: {  	s30 =	sshra.s32 @!p2 s4, $0x2;
	s1 =	simm.s32 @p2 $0x1;
	s2 =	smov.u32 @p3 s25;
	[tilespmem:s5+$0x28] =	vst.msk @p2 $0xf, v1  }
0x27e: {  	s21 =	smov.u32 @p2 s0;
	s29 =	smov.u32 @p2 s2;
	s25 =	smov.u32 @p2 s1;
	v1 =	vld.msk @!p2 [tilespmem:s24+$0x0], $0xf  }
.LBB2_16:
0x27f: {  	_ =	sdelay $0x3  }
0x280: {  	s22 =	sadd.s32 $0x1, s22;
	[tilespmem:s30+$0x28] =	vst.add.f32.msk @!p2 $0xf, v1  }
0x281: {  	v1 =	vld.msk [tilespmem:s22+$0x0], $0x1;
	_ =	sdelay $0x4  }
0x282: {  	(v2sf) =	vpush v1, $0x0;
	_ =	sdelay $0xe  }
0x283: {  	s0 =	smov.u32 s26;
	s26 =	spop (v2sf)  }
0x284: {  	p2 =	sne.s32 s0, s26  }
0x285: {  	p5 =	sne.s32 @p2 s0, s23  }
0x286: {  	s4 =	sshll.u32 @!p2 s21, $0x6;
	p4 =	por !p5, !p2  }
0x287: {  	s30 =	sshra.s32 @!p2 s4, $0x2;
	s4 =	sshll.u32 @!p4 s25, $0x6  }
0x288: {  	s4 =	sshra.s32 @!p4 s4, $0x2  }
0x289: {  	p1 =	sgt.u32 @!p4 s0, $0xFFFF;
	v1 =	vld.msk @!p4 [tilespmem:s4+$0x1B38], $0xf  }
0x28a: {  	s31 =	sshll.u32 @!p4 s21, $0x6;
	p6 =	por @p2 p1, !p5;
	p1 =	por @p2 !p1, !p5  }
0x28b: {  	s8 =	simm.s32 @!p4 $0x0;
	s31 =	sshra.s32 @!p4 s31, $0x2;
	p1 =	por !p1, !p2  }
0x28c: {  	p5 =	por p5, !p2;
	s8 =	simm.s32 @!p1 $0x10;
	p1 =	por p6, !p2  }
0x28d: {  	s4 =	sadd.s32 @!p4 $0x28, s31;
	s13 =	sshll.u32 @!p5 s21, $0x6;
	s10 =	sand.u32 @!p1 $0xFFF8, s0  }
0x28e: {  	s13 =	sshra.s32 @!p5 s13, $0x2;
	s0 =	sand.u32 @!p1 $0x7, s0;
	s10 =	sadd.s32 @!p1 s3, s10;
	[tilespmem:s31+$0x28] =	vst.add.f32.msk @!p4 $0xf, v1  }
0x28f: {  	[hbm4b:s10+s0] =	stream.linear.scatter @!p1 [tilespmem:s4], [sflag:$0xC], $0x4, $0x38;
	[tilespmem:$0x1F0F8] =	vst v63  }
0x290: {  	s1 =	rddreg [dreg:$0x4];
	s0 =	sadd.s32 @!p5 $0x28, s13;
	s4 =	simm.s32 @!p5 $0x1  }
0x291: {  	[spmem:s1] =	stream.linear.scatter @!p5 [tilespmem:s0], [sflag:$0x1], $0x4, $0x38;
	[tilespmem:$0x1F0F8] =	vst v63  }
0x292: {  	s2 =	sadd.s32 @p2 $0x1, s21;
	_ =	swait.ge @!p5 [sflag:s4], $0x4  }
0x293: {  	s5 =	sshrl.u32 @p2 s2, $0x4;
	[sflag:s4] =	ssyncset.done @!p5 $0x0  }
0x294: {  	s24 =	sadd.s32 $0x80, s24;
	s5 =	smulhi.u32 @p2 $0x97B425F, s5;
	[sflag:s4] =	ssyncadd.s32 @!p5 $0xFFFFFFFC  }
0x295: {  	s28 =	sadd.s32 $0x1, s28;
	v1 =	vld.msk @p2 [tilespmem:s24+$0x0], $0xf  }
0x296: {  	p3 =	seq.s32 s28, $0x0;
	s5 =	smul.u32 @p2 $0x1B0, s5  }
.Ltmp16:
0x297: {  	_ = 	snop;
	(pc) =	sbr.rel @!p3 .LBB2_16-.Ltmp16, $4  }
0x298: {  	s2 =	ssub.s32 @p2 s2, s5  }
0x299: {  	s8 =	sadd.s32 @!p4 s8, s29;
	s5 =	sshll.u32 @p2 s2, $0x4  }
0x29a: {  	s9 =	sadd.s32 @p2 $0x1, s25;
	s8 =	smov.u32 @p4 s29;
	[tilespmem:s5+$0x28] =	vst.msk @p2 $0xf, v1  }
0x29b: {  	s25 =	smov.u32 @p2 s9;
	s21 =	smov.u32 @p2 s2;
	s29 =	smov.u32 @p2 s8;
	v1 =	vld.msk @!p2 [tilespmem:s24+$0x0], $0xf  }
.LBB2_17:
.Ltmp17:
0x29c: {  	_ = 	snop;
	(pc) =	sbr.rel .LBB2_19-.Ltmp17, $3  }
0x29d: {  	s1 =	sld [smem:$0x7FD];
	_ =	sdelay $0x1  }
0x29e: {  	s0 =	sshrl.u32 s29, $0x2;
	s28 =	smov.u32 s26  }
0x29f: {  	s4 =	smov.u32 s6;
	s6 =	rddreg [dreg:$0x6];
	p4 =	seq.s32 s1, $0x1;
	[tilespmem:s30+$0x28] =	vst.add.f32.msk @!p2 $0xf, v1  }
.LBB2_21:
0x2a0: {  	_ =	sfence.sel $0x180000  }
0x2a1: {  	s0 =	simm.s32 $0x9;
	[bflag:$0x0] =	sbarrier.arrive $0xFFFF  }
0x2a2: {  	s24 =	simm.s32 $0xA;
	[sflag:s0] =	ssyncpa.u1 $0x1  }
0x2a3: {  	s25 =	simm.s32 $0xB;
	[sflag:s24] =	ssyncpa.u1 $0x1  }
0x2a4: {  	s26 =	simm.s32 $0x2;
	[sflag:s25] =	ssyncpa.u1 $0x1  }
0x2a5: {  	[sflag:s26] =	ssyncpa.u1 $0x1  }
0x2a6: {  	v0 =	vld [tilespmem:$0x3648];
	_ =	sdelay $0x4  }
0x2a7: {  	(v2sf) =	vpush v0, $0x0  }
0x2a8: {  	(v2sf) =	vpush v0, $0x1;
	_ =	sdelay $0x1  }
0x2a9: {  	(v2sf) =	vpush v0, $0x2;
	_ =	sdelay $0xb  }
0x2aa: {  	s0 =	spop (v2sf)  }
0x2ab: {  	s1 =	spop (v2sf)  }
0x2ac: {  	s2 =	smov.u32 s0;
	p0 =	sne.s32 s0, s1  }
0x2ad: {  	s4 =	spop (v2sf);
	s2 =	simm.s32 @!p0 $0xFFFFFFFF  }
0x2ae: {  	v2 =	vimm.s32 $0x1;
	v3 =	vlaneseq.u32;
	p0 =	seq.s32 s4, $0xFFFFFFFF;
	v1 =	vmov s2  }
0x2af: {  	s16 =	stileid.u32;
	v0 =	vperm.xlane v0, v2;
	p1 =	sne.s32 @!p0 s0, s1;
	v1 =	vperm.xlane v1, v3  }
0x2b0: {  	vm0 =	vcmask $0x3F04;
	s6 =	simm.s32 $0x3648;
	s0 =	simm.s32 @!p0 $0x1;
	p1 =	por !p1, p0  }
0x2b1: {  	s2 =	sshll.u32 s16, $0x1;
	s1 =	sshll.u32 @!p0 s4, $0x6;
	s0 =	simm.s32 @p1 $0x0;
	v0 =	vsel vm0, v1, v0  }
0x2b2: {  	s5 =	sor.u32 $0x200, s2;
	s1 =	sshra.s32 @!p0 s1, $0x2;
	s0 =	sor.u32 @!p0 s0, s2;
	[tilespmem:$0x3648] =	vst v0  }
0x2b3: {  	[spmem:s5] =	stream.linear.scatter [tilespmem:s6], [sflag:$0x1], $0x2, $0x38;
	[tilespmem:$0x1F0F8] =	vst v63  }
0x2b4: {  	s1 =	sadd.s32 @!p0 $0x28, s1;
	s0 =	sshll.u32 @!p0 s0, $0x4  }
0x2b5: {  	[spmem:s0] =	stream.linear.scatter @!p0 [tilespmem:s1], [sflag:$0x1], $0x10, $0x38;
	[tilespmem:$0x1F0F8] =	vst v63  }
0x2b6: {  	s0 =	simm.s32 @!p0 $0x12  }
0x2b7: {  	s28 =	simm.s32 $0x1;
	s0 =	simm.s32 @p0 $0x2  }
0x2b8: {  	_ =	swait.ge [sflag:s28], s0  }
0x2b9: {  	s0 =	ssub.s32 $0x0, s0;
	[sflag:s28] =	ssyncset.done $0x0  }
0x2ba: {  	p0 =	sne.s32 s16, $0x0;
	[sflag:s28] =	ssyncadd.s32 s0  }
.Ltmp18:
0x2bb: {  	_ =	sfence.stream.spmem;
	(pc) =	sbr.rel @p0 .LBB2_38-.Ltmp18, $4  }
0x2bc: {  	s29 =	simm.s32 $0x3;
	[bflag:$0x0] =	sbarrier.arrive $0xFFFF  }
0x2bd: {  	s30 =	simm.s32 $0x4;
	[sflag:s29] =	ssyncpa.u1 $0x1  }
0x2be: {  	s31 =	simm.s32 $0x3C;
	[sflag:s30] =	ssyncpa.u1 $0x1  }
0x2bf: {  	s17 =	rddreg [dreg:$0x5];
	[sflag:s31] =	ssyncpa.u1 $0x1  }
0x2c0: {  	_ =	sfence.stream.spmem;
	s0 =	simm.s32 $0x5  }
0x2c1: {  	s1 =	simm.s32 $0x200;
	s2 =	simm.s32 $0x3658;
	[sflag:s0] =	ssyncpa.u1 $0x0  }
0x2c2: {  	[tilespmem:s2], [sflag:$0x5] =	stream.linear.gather [spmem:s1], $0x20, $0x38;
	[tilespmem:$0x1F0F8] =	vst v63  }
0x2c3: {  	s26 =	simm.s32 $0x0;
	s28 =	simm.s32 $0x3678  }
0x2c4: {  	[tilespmem:s28], [sflag:$0x5] =	stream.linear.gather [spmem:s26], $0x200, $0x38;
	[tilespmem:$0x1F0F8] =	vst v63  }
0x2c5: {  	_ =	swait.ge [sflag:s0], $0x220  }
0x2c6: {  	[sflag:s0] =	ssyncset.done $0x0  }
0x2c7: {  	s29 =	simm.s32 $0x0;
	[sflag:s0] =	ssyncadd.s32 $0xFFFFFDE0  }
0x2c8: {  	v0 =	vld.msk [tilespmem:s29+$0x3658], $0x1;
	_ =	sdelay $0x1  }
0x2c9: {  	s30 =	simm.s32 $0x1  }
0x2ca: {  	v1 =	vld.msk [tilespmem:s30+$0x3658], $0x1;
	_ =	sdelay $0x1  }
0x2cb: {  	(v2sf) =	vpush v0, $0x0;
	_ =	sdelay $0x2  }
0x2cc: {  	(v2sf) =	vpush v1, $0x0;
	_ =	sdelay $0x2  }
0x2cd: {  	s31 =	simm.s32 $0x2  }
0x2ce: {  	v0 =	vld.msk [tilespmem:s31+$0x3658], $0x1;
	_ =	sdelay $0x2  }
0x2cf: {  	s6 =	simm.s32 $0xFFFFFFFF;
	s1 =	simm.s32 $0xFFFFFFFF;
	s0 =	simm.s32 $0xC  }
.LBB2_23:
0x2d0: {  	s2 =	smov.u32 s6;
	s4 =	smov.u32 s1  }
0x2d1: {  	s1 =	sshra.s32 s0, $0x2;
	p1 =	sne.s32 s0, $0x7C;
	s0 =	sadd.s32 $0x4, s0;
	(v2sf) =	vpush v0, $0x0  }
0x2d2: {  	v0 =	vld.msk [tilespmem:s1+$0x3658], $0x1  }
.Ltmp19:
0x2d3: {  	(pc) =	sbr.rel @p1 .LBB2_23-.Ltmp19, $4  }
0x2d4: {  	s6 =	spop (v2sf)  }
0x2d5: {  	p2 =	sne.s32 s4, $0xFFFFFFFF;
	s1 =	smov.u32 s6  }
0x2d6: {  	p3 =	seq.s32 s6, $0xFFFFFFFF;
	s1 =	smov.u32 @p2 s4  }
0x2d7: {  	s6 =	smov.u32 @p3 s2;
	s1 =	smov.u32 @p3 s4  }
0x2d8: {  	(v2sf) =	vpush v0, $0x0;
	_ =	sdelay $0x8  }
0x2d9: {  	s0 =	spop (v2sf)  }
0x2da: {  	p1 =	sne.s32 s1, $0xFFFFFFFF;
	s2 =	smov.u32 s0  }
0x2db: {  	s9 =	simm.s32 $0x6;
	p2 =	seq.s32 s0, $0xFFFFFFFF;
	s2 =	smov.u32 @p1 s1  }
0x2dc: {  	s10 =	simm.s32 $0x3638;
	s2 =	smov.u32 @p2 s1;
	s1 =	spop (v2sf)  }
0x2dd: {  	s0 =	smov.u32 @p2 s6;
	p1 =	sne.s32 s2, $0xFFFFFFFF;
	s4 =	smov.u32 s1  }
.Ltmp20:
0x2de: {  	p2 =	seq.s32 s1, $0xFFFFFFFF;
	s4 =	smov.u32 @p1 s2;
	(pc) =	sbr.rel .LBB2_25-.Ltmp20, $4  }
0x2df: {  	s11 =	simm.s32 $0x0;
	s4 =	smov.u32 @p2 s2;
	s7 =	spop (v2sf)  }
0x2e0: {  	[sflag:s9] =	ssyncpa.u1 $0x0;
	p1 =	sne.s32 s4, $0xFFFFFFFF;
	s8 =	smov.u32 s7  }
0x2e1: {  	s1 =	smov.u32 @p2 s0;
	p2 =	seq.s32 s7, $0xFFFFFFFF;
	s8 =	smov.u32 @p1 s4  }
0x2e2: {  	s6 =	simm.s32 $0x0;
	s7 =	smov.u32 @p2 s1;
	s8 =	smov.u32 @p2 s4  }
.LBB2_30:
0x2e3: {  	p1 =	sgt.u32 s12, $0xFFFF  }
0x2e4: {  	p2 =	seq.s32 @!p1 s12, s8  }
0x2e5: {  	p1 =	por p1, p2  }
0x2e6: {  	p2 =	sne.s32 @!p1 s12, s7  }
0x2e7: {  	p1 =	por p1, !p2  }
0x2e8: {  	s0 =	sshll.u32 @p1 s11, $0x6  }
0x2e9: {  	s0 =	sand.u32 @!p1 $0xFFF8, s12  }
0x2ea: {  	s1 =	sand.u32 @!p1 $0x7, s12;
	s0 =	sadd.s32 @!p1 s3, s0  }
0x2eb: {  	[tilespmem:s10], [sflag:$0x6] =	stream.linear.gather @!p1 [hbm4b:s0+s1], $0x4, $0x38;
	[tilespmem:$0x1F0F8] =	vst v63  }
0x2ec: {  	_ =	swait.ge @!p1 [sflag:s9], $0x4  }
0x2ed: {  	[sflag:s9] =	ssyncset.done @!p1 $0x0  }
0x2ee: {  	[sflag:s9] =	ssyncadd.s32 @!p1 $0xFFFFFFFC  }
0x2ef: {  	v1 =	vld @!p1 [tilespmem:$0x3638];
	_ =	sdelay $0x2  }
0x2f0: {  	s0 =	sshll.u32 @!p1 s11, $0x6  }
0x2f1: {  	s1 =	sshrl.u32 @!p1 s0, $0x2  }
0x2f2: {  	[tilespmem:s1+$0x3678] =	vst.add.f32.msk @!p1 $0xffff, v1  }
0x2f3: {  	s0 =	sshrl.u32 s0, $0x2;
	[tilespmem:s6+$0x3658] =	vst.msk $0x1, v0  }
0x2f4: {  	v0 =	vld [tilespmem:s0+$0x3678];
	_ =	sdelay $0x2  }
0x2f5: {  	s31 =	sshll.u32 s6, $0x6  }
0x2f6: {  	s0 =	sshra.s32 s31, $0x2  }
0x2f7: {  	s6 =	sadd.s32 $0x1, s6;
	[tilespmem:s0+$0x3678] =	vst v0  }
.LBB2_32:
0x2f8: {  	s11 =	sadd.s32 $0x1, s11  }
0x2f9: {  	p1 =	sne.s32 s11, $0x20  }
.Ltmp21:
0x2fa: {  	_ = 	snop;
	(pc) =	sbr.rel @!p1 .LBB2_33-.Ltmp21, $1  }
0x2fb: {  	_ =	sdelay $0x3  }
.LBB2_25:
0x2fc: {  	v0 =	vld.msk [tilespmem:s11+$0x3658], $0x1;
	_ =	sdelay $0x4  }
0x2fd: {  	(v2sf) =	vpush v0, $0x0;
	_ =	sdelay $0xe  }
0x2fe: {  	s12 =	spop (v2sf)  }
0x2ff: {  	p1 =	seq.s32 s12, $0xFFFFFFFF  }
.Ltmp22:
0x300: {  	_ = 	snop;
	(pc) =	sbr.rel @p1 .LBB2_32-.Ltmp22, $1  }
0x301: {  	_ =	sdelay $0x3  }
0x302: {  	p1 =	slt.s32 s6, $0x1  }
.Ltmp23:
0x303: {  	_ = 	snop;
	(pc) =	sbr.rel @p1 .LBB2_30-.Ltmp23, $1  }
0x304: {  	_ =	sdelay $0x3  }
0x305: {  	s13 =	simm.s32 $0x3658;
	p1 =	por $0x0, $0x0  }
0x306: {  	v1 =	vld.msk @!p1 [tilespmem:s13+$0x0], $0x1;
	_ =	sdelay $0x4  }
0x307: {  	(v2sf) =	vpush @!p1 v1, $0x0;
	_ =	sdelay $0xd  }
0x308: {  	p3 =	sne.s32 s6, $0x1  }
.Ltmp24:
0x309: {  	s0 =	spop @!p1 (v2sf);
	(pc) =	sbr.rel @!p3 .LBB2_29-.Ltmp24, $4  }
0x30a: {  	p2 =	seq.s32 @!p1 s12, s0  }
0x30b: {  	s14 =	simm.s32 $0x0;
	p2 =	por !p2, p1  }
0x30c: {  	s0 =	simm.s32 $0xFFFFFFFF;
	s14 =	simm.s32 @p2 $0xFFFFFFFF  }
0x30d: {  	s15 =	simm.s32 $0x1;
	s14 =	smov.u32 @p1 s0  }
.LBB2_28:
0x30e: {  	s0 =	smov.u32 s14;
	p1 =	sne.s32 s14, $0xFFFFFFFF  }
0x30f: {  	s13 =	sadd.s32 $0x1, s13;
	s14 =	smov.u32 s15;
	s15 =	sadd.s32 $0x1, s15  }
0x310: {  	p2 =	sne.s32 s6, s15;
	v1 =	vld.msk @!p1 [tilespmem:s13+$0x0], $0x1;
	_ =	sdelay $0x4  }
0x311: {  	(v2sf) =	vpush @!p1 v1, $0x0;
	_ =	sdelay $0xe  }
.Ltmp25:
0x312: {  	s1 =	spop @!p1 (v2sf);
	(pc) =	sbr.rel @p2 .LBB2_28-.Ltmp25, $4  }
0x313: {  	p3 =	seq.s32 @!p1 s12, s1  }
0x314: {  	p3 =	por !p3, p1  }
0x315: {  	s14 =	simm.s32 @p3 $0xFFFFFFFF  }
0x316: {  	s14 =	smov.u32 @p1 s0  }
.LBB2_29:
0x317: {  	p1 =	sne.s32 s14, $0xFFFFFFFF  }
.Ltmp26:
0x318: {  	_ = 	snop;
	(pc) =	sbr.rel @!p1 .LBB2_30-.Ltmp26, $1  }
0x319: {  	_ =	sdelay $0x3  }
0x31a: {  	s0 =	sshll.u32 s11, $0x4  }
0x31b: {  	s0 =	sand.u32 $0x3FFFFFF0, s0  }
0x31c: {  	v0 =	vld [tilespmem:s0+$0x3678]  }
.Ltmp27:
0x31d: {  	_ = 	snop;
	(pc) =	sbr.rel .LBB2_32-.Ltmp27, $4  }
0x31e: {  	_ = 	snop  }
0x31f: {  	s31 =	sshll.u32 s14, $0x6  }
0x320: {  	s0 =	sshra.s32 s31, $0x2  }
0x321: {  	[tilespmem:s0+$0x3678] =	vst.add.f32.msk $0xffff, v0  }
.LBB2_33:
0x322: {  	s0 =	simm.s32 $0x6;
	p1 =	seq.s32 s6, $0x0  }
0x323: {  	[sflag:s0] =	ssyncpa.u1 $0x1;
	v0 =	vimm.s32 @p1 $0xFFFFFFFF  }
0x324: {  	s9 =	sadd.s32 $0xFFFFFFFF, s6;
	[tilespmem:$0x3878] =	vst @p1 v0  }
0x325: {  	v0 =	vld.msk @!p1 [tilespmem:s9+$0x3658], $0x1;
	_ =	sdelay $0x1  }
0x326: {  	v1 =	vld.msk @!p1 [tilespmem:$0x3658], $0x1;
	_ =	sdelay $0x2  }
0x327: {  	p2 =	seq.s32 @!p1 s9, $0x0;
	v0 =	vbroadcast @!p1 v0, $0x0  }
0x328: {  	vm0 =	vmmov @!p1 $0x1;
	p2 =	por !p2, p1  }
0x329: {  	v1 =	vnsel @!p1 vm0, $0xFFFFFFFF, v1;
	vm0 =	vcmask @!p1 $0x308;
	v0 =	vpsel !p2, $0xFFFFFFFF, v0  }
0x32a: {  	p2 =	sne.s32 @!p1 s8, s7;
	v0 =	vsel @!p1 vm0, v1, v0  }
0x32b: {  	s0 =	simm.s32 @!p1 $0x3678;
	s1 =	simm.s32 @!p1 $0x0;
	p3 =	por !p2, p1;
	[tilespmem:$0x3878] =	vst @!p1 v0  }
0x32c: {  	[spmem:s1] =	stream.linear.scatter @!p1 [tilespmem:s0], [sflag:$0x1], $0x10, $0x38;
	[tilespmem:$0x1F0F8] =	vst v63  }
0x32d: {  	s0 =	sshll.u32 @!p3 s9, $0x6  }
0x32e: {  	s0 =	sshra.s32 @!p3 s0, $0x2  }
0x32f: {  	s1 =	simm.s32 @!p3 $0x10;
	s0 =	sadd.s32 @!p3 $0x3678, s0  }
0x330: {  	[spmem:s1] =	stream.linear.scatter @!p3 [tilespmem:s0], [sflag:$0x1], $0x10, $0x38;
	[tilespmem:$0x1F0F8] =	vst v63  }
0x331: {  	s0 =	simm.s32 @!p3 $0x1  }
0x332: {  	_ =	swait.ge @!p3 [sflag:s0], $0x20  }
0x333: {  	p1 =	por p2, p1;
	[sflag:s0] =	ssyncset.done @!p3 $0x0  }
0x334: {  	[sflag:s0] =	ssyncadd.s32 @!p3 $0xFFFFFFE0;
	s0 =	simm.s32 @!p1 $0x1  }
0x335: {  	_ =	swait.ge @!p1 [sflag:s0], $0x10  }
0x336: {  	s29 =	simm.s32 $0x3878;
	[sflag:s0] =	ssyncset.done @!p1 $0x0  }
0x337: {  	s30 =	simm.s32 $0x200;
	s31 =	simm.s32 $0x1;
	[sflag:s0] =	ssyncadd.s32 @!p1 $0xFFFFFFF0  }
0x338: {  	[spmem:s30] =	stream.linear.scatter [tilespmem:s29], [sflag:$0x1], $0x10, $0x38;
	[tilespmem:$0x1F0F8] =	vst v63  }
0x339: {  	_ =	swait.ge [sflag:s31], $0x10  }
0x33a: {  	[sflag:s31] =	ssyncset.done $0x0  }
0x33b: {  	p1 =	seq.s32 s17, $0x0;
	s8 =	rddreg [dreg:$0x1];
	[sflag:s31] =	ssyncadd.s32 $0xFFFFFFF0  }
0x33c: {  	s1 =	sshll.u32 @p1 s8, $0xE;
	s7 =	rddreg [dreg:$0x2]  }
0x33d: {  	s0 =	sadd.s32 @p1 $0x15C3C, s1;
	s1 =	sshll.u32 @p1 s7, $0x11  }
0x33e: {  	_ =	sfence.stream.spmem;
	s0 =	sor.u32 @p1 s1, s0  }
0x33f: {  	[sflag:s0] =	ssyncadd.remote.s32 @p1 $0x1;
	s0 =	simm.s32 @p1 $0x4  }
0x340: {  	s2 =	simm.s32 @!p1 $0x3C;
	s1 =	sand.u32 $0xFFFFFFFE, s8;
	_ =	swait.ge @p1 [sflag:s0], $0x6  }
0x341: {  	s4 =	simm.s32 @!p1 $0x0;
	s1 =	sadd.s32 @!p1 $0x4, s1;
	[sflag:s0] =	ssyncset.done @p1 $0x0  }
0x342: {  	s5 =	simm.s32 @!p1 $0x20;
	[sflag:s0] =	ssyncadd.s32 @p1 $0xFFFFFFFA;
	s0 =	sshll.u32 @!p1 s1, $0x1A  }
0x343: {  	s1 =	sshll.u32 @!p1 s1, $0xD;
	s0 =	sor.u32 @!p1 s0, s7;
	_ =	swait.eq @!p1 [sflag:s2], $0x1  }
0x344: {  	s1 =	sor.u32 @!p1 $0x1C04, s1;
	s2 =	simm.s32 @!p1 $0x1C03;
	s0 =	sor.u32 @!p1 $0x80004000, s0  }
0x345: {  	[spmem:s5], [sflag:s1] =	dma.general @!p1 [spmem:s4], [sflag:s2], length:$0x4, [dreg:$0x0], stride_count:$0x0, ici_dest:s0, dma_misc:DstOpCode:WRITE  }
0x346: {  	p2 =	slt.s32 s9, $0x2;
	s4 =	simm.s32 @!p1 $0x40;
	s5 =	simm.s32 @!p1 $0x42  }
0x347: {  	[spmem:s5], [sflag:s1] =	dma.general @!p1 [spmem:s4], [sflag:s2], length:$0x2, [dreg:$0x0], stride_count:$0x0, ici_dest:s0, dma_misc:DstOpCode:WRITE  }
.Ltmp28:
0x348: {  	s0 =	simm.s32 @!p1 $0x3;
	(pc) =	sbr.rel @p2 .LBB2_37-.Ltmp28, $4  }
0x349: {  	s1 =	sshll.u32 @!p1 s8, $0xE;
	_ =	swait.ge @!p1 [sflag:s0], $0x6  }
0x34a: {  	s2 =	sshll.u32 @!p1 s7, $0x11;
	s1 =	sadd.s32 @!p1 $0x11C3C, s1;
	[sflag:s0] =	ssyncset.done @!p1 $0x0  }
0x34b: {  	[sflag:s0] =	ssyncadd.s32 @!p1 $0xFFFFFFFA;
	s0 =	sor.u32 @!p1 s2, s1  }
0x34c: {  	[sflag:s0] =	ssyncadd.remote.s32 @!p1 $0xFFFFFFFF;
	s0 =	simm.s32 $0x0  }
0x34d: {  	s0 =	simm.s32 $0x3659  }
0x34e: {  	v0 =	vld.msk [tilespmem:s0+$0x0], $0x1;
	_ =	sdelay $0x4  }
0x34f: {  	(v2sf) =	vpush v0, $0x0;
	_ =	sdelay $0xd  }
0x350: {  	s2 =	sadd.s32 $0xFFFFFFFE, s6  }
0x351: {  	s2 =	sadd.s32 $0xFFFFFFFF, s2;
	s0 =	spop (v2sf)  }
0x352: {  	p2 =	sne.s32 s2, $0x0;
	p1 =	sgt.u32 s0, $0xFFFF  }
.Ltmp29:
0x353: {  	s4 =	sand.u32 @!p1 $0xFFF8, s0;
	(pc) =	sbr.rel @!p2 .LBB2_36-.Ltmp29, $4  }
0x354: {  	s1 =	simm.s32 $0x3688;
	s0 =	sand.u32 @!p1 $0x7, s0;
	s4 =	sadd.s32 @!p1 s3, s4  }
0x355: {  	[hbm4b:s4+s0] =	stream.linear.scatter @!p1 [tilespmem:s1], [sflag:$0x5], $0x4, $0x38;
	[tilespmem:$0x1F0F8] =	vst v63  }
0x356: {  	s0 =	simm.s32 $0x0  }
0x357: {  	s6 =	simm.s32 $0x0;
	s7 =	simm.s32 $0x365A;
	s0 =	simm.s32 @!p1 $0x10  }
.LBB2_35:
0x358: {  	v0 =	vld.msk [tilespmem:s7+$0x0], $0x1;
	s2 =	sadd.s32 $0xFFFFFFFF, s2;
	s6 =	sadd.s32 s6, s0  }
0x359: {  	p1 =	sne.s32 s2, $0x0;
	_ =	sdelay $0x3  }
0x35a: {  	(v2sf) =	vpush v0, $0x0;
	_ =	sdelay $0xe  }
.Ltmp30:
0x35b: {  	s4 =	spop (v2sf);
	(pc) =	sbr.rel @p1 .LBB2_35-.Ltmp30, $4  }
0x35c: {  	s0 =	simm.s32 $0x0;
	p2 =	sgt.u32 s4, $0xFFFF  }
0x35d: {  	s1 =	sadd.s32 $0x10, s1;
	s0 =	simm.s32 @!p2 $0x10;
	s5 =	sand.u32 @!p2 $0xFFF8, s4  }
0x35e: {  	s7 =	sadd.s32 $0x1, s7;
	s4 =	sand.u32 @!p2 $0x7, s4;
	s5 =	sadd.s32 @!p2 s3, s5  }
0x35f: {  	[hbm4b:s5+s4] =	stream.linear.scatter @!p2 [tilespmem:s1], [sflag:$0x5], $0x4, $0x38;
	[tilespmem:$0x1F0F8] =	vst v63  }
.LBB2_36:
0x360: {  	s0 =	sadd.s32 s6, s0  }
0x361: {  	s0 =	sshrl.u32 s0, $0x2  }
.LBB2_37:
0x362: {  	s1 =	simm.s32 $0x5  }
0x363: {  	_ =	swait.ge [sflag:s1], s0  }
0x364: {  	s31 =	ssub.s32 $0x0, s0;
	[sflag:s1] =	ssyncset.done $0x0  }
0x365: {  	[sflag:s1] =	ssyncadd.s32 s31  }
0x366: {  	[sflag:s1] =	ssyncpa.u1 $0x1  }
.LBB2_38:
0x367: {  	s0 =	sor.u32 s17, s16  }
0x368: {  	p1 =	sne.s32 s0, $0x0  }
.Ltmp31:
0x369: {  	_ = 	snop;
	(pc) =	sbr.rel @p1 .LBB2_53-.Ltmp31, $3  }
0x36a: {  	_ =	sdelay $0x1  }
0x36b: {  	[bflag:$0x0] =	sbarrier.arrive $0xFFFF  }
0x36c: {  	_ =	sfence  }
0x36d: {  	s0 =	simm.s32 $0x7  }
0x36e: {  	s1 =	simm.s32 $0x200;
	s2 =	simm.s32 $0x3658;
	[sflag:s0] =	ssyncpa.u1 $0x0  }
0x36f: {  	[tilespmem:s2], [sflag:$0x7] =	stream.linear.gather [spmem:s1], $0x20, $0x38;
	[tilespmem:$0x1F0F8] =	vst v63  }
0x370: {  	s30 =	simm.s32 $0x3678;
	s1 =	simm.s32 $0x0  }
0x371: {  	[tilespmem:s30], [sflag:$0x7] =	stream.linear.gather [spmem:s1], $0x200, $0x38;
	[tilespmem:$0x1F0F8] =	vst v63  }
.Ltmp32:
0x372: {  	_ = 	snop;
	(pc) =	sbr.rel .LBB2_40-.Ltmp32, $4  }
0x373: {  	_ =	swait.ge [sflag:s0], $0x220  }
0x374: {  	[sflag:s0] =	ssyncset.done $0x0  }
0x375: {  	s31 =	simm.s32 $0x8;
	[sflag:s0] =	ssyncadd.s32 $0xFFFFFDE0  }
0x376: {  	s2 =	simm.s32 $0x0;
	[sflag:s31] =	ssyncpa.u1 $0x0  }
.LBB2_45:
0x377: {  	p1 =	slt.u32 s4, $0x10000  }
0x378: {  	s0 =	sand.u32 @p1 $0xFFF8, s4  }
0x379: {  	s4 =	sand.u32 @p1 $0x7, s4;
	s5 =	simm.s32 @p1 $0x3638;
	s0 =	sadd.s32 @p1 s3, s0  }
0x37a: {  	[tilespmem:s5], [sflag:$0x8] =	stream.linear.gather @p1 [hbm4b:s0+s4], $0x4, $0x38;
	[tilespmem:$0x1F0F8] =	vst v63  }
0x37b: {  	s0 =	simm.s32 @p1 $0x8  }
0x37c: {  	_ =	swait.ge @p1 [sflag:s0], $0x4  }
0x37d: {  	[sflag:s0] =	ssyncset.done @p1 $0x0  }
0x37e: {  	[sflag:s0] =	ssyncadd.s32 @p1 $0xFFFFFFFC  }
0x37f: {  	v1 =	vld @p1 [tilespmem:$0x3638];
	_ =	sdelay $0x2  }
0x380: {  	s0 =	sshll.u32 @p1 s2, $0x6  }
0x381: {  	s5 =	sshll.u32 @!p1 s2, $0x6;
	s4 =	sshrl.u32 @p1 s0, $0x2  }
0x382: {  	s5 =	smov.u32 @p1 s0;
	[tilespmem:s4+$0x3678] =	vst.add.f32.msk @p1 $0xffff, v1  }
0x383: {  	s0 =	sshrl.u32 s5, $0x2;
	[tilespmem:s1+$0x3658] =	vst.msk $0x1, v0  }
0x384: {  	v0 =	vld [tilespmem:s0+$0x3678];
	_ =	sdelay $0x2  }
0x385: {  	s31 =	sshll.u32 s1, $0x6  }
0x386: {  	s0 =	sshra.s32 s31, $0x2  }
0x387: {  	s1 =	sadd.s32 $0x1, s1;
	[tilespmem:s0+$0x3678] =	vst v0  }
.LBB2_47:
0x388: {  	s2 =	sadd.s32 $0x1, s2  }
0x389: {  	p1 =	sne.s32 s2, $0x20  }
.Ltmp33:
0x38a: {  	_ = 	snop;
	(pc) =	sbr.rel @!p1 .LBB2_48-.Ltmp33, $1  }
0x38b: {  	_ =	sdelay $0x3  }
.LBB2_40:
0x38c: {  	v0 =	vld.msk [tilespmem:s2+$0x3658], $0x1;
	_ =	sdelay $0x4  }
0x38d: {  	(v2sf) =	vpush v0, $0x0;
	_ =	sdelay $0xe  }
0x38e: {  	s4 =	spop (v2sf)  }
0x38f: {  	p1 =	seq.s32 s4, $0xFFFFFFFF  }
.Ltmp34:
0x390: {  	_ = 	snop;
	(pc) =	sbr.rel @p1 .LBB2_47-.Ltmp34, $1  }
0x391: {  	_ =	sdelay $0x3  }
0x392: {  	p1 =	slt.s32 s1, $0x1  }
.Ltmp35:
0x393: {  	_ = 	snop;
	(pc) =	sbr.rel @p1 .LBB2_45-.Ltmp35, $1  }
0x394: {  	_ =	sdelay $0x3  }
0x395: {  	s5 =	simm.s32 $0x3658;
	p1 =	por $0x0, $0x0  }
0x396: {  	v1 =	vld.msk @!p1 [tilespmem:s5+$0x0], $0x1;
	_ =	sdelay $0x4  }
0x397: {  	(v2sf) =	vpush @!p1 v1, $0x0;
	_ =	sdelay $0xd  }
0x398: {  	p3 =	sne.s32 s1, $0x1  }
.Ltmp36:
0x399: {  	s0 =	spop @!p1 (v2sf);
	(pc) =	sbr.rel @!p3 .LBB2_44-.Ltmp36, $4  }
0x39a: {  	p2 =	seq.s32 @!p1 s4, s0  }
0x39b: {  	s6 =	simm.s32 $0x0;
	p2 =	por !p2, p1  }
0x39c: {  	s0 =	simm.s32 $0xFFFFFFFF;
	s6 =	simm.s32 @p2 $0xFFFFFFFF  }
0x39d: {  	s7 =	simm.s32 $0x1;
	s6 =	smov.u32 @p1 s0  }
.LBB2_43:
0x39e: {  	s0 =	smov.u32 s6;
	p1 =	sne.s32 s6, $0xFFFFFFFF  }
0x39f: {  	s5 =	sadd.s32 $0x1, s5;
	s6 =	smov.u32 s7;
	s7 =	sadd.s32 $0x1, s7  }
0x3a0: {  	p2 =	sne.s32 s1, s7;
	v1 =	vld.msk @!p1 [tilespmem:s5+$0x0], $0x1;
	_ =	sdelay $0x4  }
0x3a1: {  	(v2sf) =	vpush @!p1 v1, $0x0;
	_ =	sdelay $0xe  }
.Ltmp37:
0x3a2: {  	s8 =	spop @!p1 (v2sf);
	(pc) =	sbr.rel @p2 .LBB2_43-.Ltmp37, $4  }
0x3a3: {  	p3 =	seq.s32 @!p1 s4, s8  }
0x3a4: {  	p3 =	por !p3, p1  }
0x3a5: {  	s6 =	simm.s32 @p3 $0xFFFFFFFF  }
0x3a6: {  	s6 =	smov.u32 @p1 s0  }
.LBB2_44:
0x3a7: {  	p1 =	sne.s32 s6, $0xFFFFFFFF  }
.Ltmp38:
0x3a8: {  	_ = 	snop;
	(pc) =	sbr.rel @!p1 .LBB2_45-.Ltmp38, $1  }
0x3a9: {  	_ =	sdelay $0x3  }
0x3aa: {  	s0 =	sshll.u32 s2, $0x4  }
0x3ab: {  	s0 =	sand.u32 $0x3FFFFFF0, s0  }
0x3ac: {  	v0 =	vld [tilespmem:s0+$0x3678]  }
.Ltmp39:
0x3ad: {  	_ = 	snop;
	(pc) =	sbr.rel .LBB2_47-.Ltmp39, $4  }
0x3ae: {  	_ = 	snop  }
0x3af: {  	s31 =	sshll.u32 s6, $0x6  }
0x3b0: {  	s0 =	sshra.s32 s31, $0x2  }
0x3b1: {  	[tilespmem:s0+$0x3678] =	vst.add.f32.msk $0xffff, v0  }
.LBB2_48:
0x3b2: {  	p1 =	slt.s32 s1, $0x1  }
.Ltmp40:
0x3b3: {  	_ = 	snop;
	(pc) =	sbr.rel @p1 .LBB2_52-.Ltmp40, $3  }
0x3b4: {  	_ =	sdelay $0x1  }
0x3b5: {  	s0 =	simm.s32 $0x8  }
0x3b6: {  	s2 =	simm.s32 $0x0;
	[sflag:s0] =	ssyncpa.u1 $0x1  }
0x3b7: {  	s0 =	simm.s32 $0x3658  }
0x3b8: {  	v0 =	vld.msk [tilespmem:s0+$0x0], $0x1;
	_ =	sdelay $0x4  }
0x3b9: {  	(v2sf) =	vpush v0, $0x0;
	_ =	sdelay $0xe  }
0x3ba: {  	s1 =	sadd.s32 $0xFFFFFFFF, s1;
	s0 =	spop (v2sf)  }
0x3bb: {  	p2 =	sne.s32 s1, $0x0;
	p1 =	sgt.u32 s0, $0xFFFF  }
.Ltmp41:
0x3bc: {  	s5 =	sand.u32 @!p1 $0xFFF8, s0;
	(pc) =	sbr.rel @!p2 .LBB2_51-.Ltmp41, $4  }
0x3bd: {  	s4 =	simm.s32 $0x3678;
	s0 =	sand.u32 @!p1 $0x7, s0;
	s5 =	sadd.s32 @!p1 s3, s5  }
0x3be: {  	[hbm4b:s5+s0] =	stream.linear.scatter @!p1 [tilespmem:s4], [sflag:$0x7], $0x4, $0x38;
	[tilespmem:$0x1F0F8] =	vst v63  }
0x3bf: {  	s0 =	simm.s32 $0x0  }
0x3c0: {  	s5 =	simm.s32 $0x3659;
	s0 =	simm.s32 @!p1 $0x10  }
.LBB2_50:
0x3c1: {  	v0 =	vld.msk [tilespmem:s5+$0x0], $0x1;
	s1 =	sadd.s32 $0xFFFFFFFF, s1;
	s2 =	sadd.s32 s2, s0  }
0x3c2: {  	p1 =	sne.s32 s1, $0x0;
	_ =	sdelay $0x3  }
0x3c3: {  	(v2sf) =	vpush v0, $0x0;
	_ =	sdelay $0xe  }
.Ltmp42:
0x3c4: {  	s6 =	spop (v2sf);
	(pc) =	sbr.rel @p1 .LBB2_50-.Ltmp42, $4  }
0x3c5: {  	s0 =	simm.s32 $0x0;
	p2 =	sgt.u32 s6, $0xFFFF  }
0x3c6: {  	s4 =	sadd.s32 $0x10, s4;
	s0 =	simm.s32 @!p2 $0x10;
	s7 =	sand.u32 @!p2 $0xFFF8, s6  }
0x3c7: {  	s5 =	sadd.s32 $0x1, s5;
	s6 =	sand.u32 @!p2 $0x7, s6;
	s7 =	sadd.s32 @!p2 s3, s7  }
0x3c8: {  	[hbm4b:s7+s6] =	stream.linear.scatter @!p2 [tilespmem:s4], [sflag:$0x7], $0x4, $0x38;
	[tilespmem:$0x1F0F8] =	vst v63  }
.LBB2_51:
0x3c9: {  	s0 =	sadd.s32 s2, s0  }
0x3ca: {  	s2 =	sshrl.u32 s0, $0x2  }
.LBB2_52:
0x3cb: {  	s0 =	simm.s32 $0x7  }
0x3cc: {  	_ =	swait.ge [sflag:s0], s2  }
0x3cd: {  	s1 =	ssub.s32 $0x0, s2;
	[sflag:s0] =	ssyncset.done $0x0  }
0x3ce: {  	[sflag:s0] =	ssyncadd.s32 s1  }
0x3cf: {  	[sflag:s0] =	ssyncpa.u1 $0x1  }
.LBB2_53:
0x3d0: {  	_ =	sfence;
	s0 =	simm.s32 $0x1  }
0x3d1: {  	[sflag:s0] =	ssyncpa.u1 $0x1  }
0x3d2: {  	_ =	strace $0x90000056  }
0x3d3: {  	[bflag:$0x2] =	sbarrier.arrive $0xFFFF  }
0x3d4: {  	s0 =	rddreg [dreg:$0x3]  }
0x3d5: {  	s0 =	sadd.s32 @!p0 $0x100000, s0  }
0x3d6: {  	[sflag:s0] =	ssyncadd.tile.s32 @!p0 $0x1;
	_ =	shalt  }
.Lfunc_end2:
_tile_overlayer_lowered:
.L_overlay_start_2:
0x3d7: {  	(tag) =	ssettag $0x2  }
0x3d8: {  	s0 =	rddreg [dreg:$0x0];
	s2 =	stileid.u32  }
0x3d9: {  	s1 =	rddreg [dreg:$0x1];
	p0 =	sne.s32 s2, $0x0  }
0x3da: {  	s3 =	rddreg [dreg:$0x2];
	[bflag:$0x3] =	sbarrier.arrive $0xFFFF;
	s2 =	simm.s32 @!p0 $0x1C01  }
0x3db: {  	[timem:s3], [sflag:s2] =	dma.local @!p0 [hbm:s0], s1  }
0x3dc: {  	s0 =	simm.s32 @!p0 $0x1  }
0x3dd: {  	_ =	swait.ge @!p0 [sflag:s0], s1  }
0x3de: {  	s1 =	ssub.s32 @!p0 $0x0, s1;
	[sflag:s0] =	ssyncset.done @!p0 $0x0  }
0x3df: {  	[sflag:s0] =	ssyncadd.s32 @!p0 s1  }
0x3e0: {  	[bflag:$0x3] =	sbarrier.arrive $0xFFFF  }
0x3e1: {  	_ =	shalt  }

// kernel: scatter_offload_async_start
scs
__scs_entry_jumppad:
0x0: {  	(pc) =	sbr.rel $0x88, $3  }
0x1: {  	(tag) =	ssettag $0x0;
	lr =	simm.s32 $0x1  }
0x2: {  	[smem:$0x3F73] =	sst lr;
	_ =	strace $0xD0000000  }
0x3: {  	_ = 	snop  }
0x4: {  	_ = 	snop  }
0x5: {  	_ = 	snop  }
0x6: {  	_ = 	snop  }
0x7: {  	_ = 	snop  }
__scs_overlays_trampoline_lowered:
0x8: {  	[smem:$0x3F82] =	sst s0  }
0x9: {  	[smem:$0x3F83] =	sst s1  }
0xa: {  	[smem:$0x3F84] =	sst s2  }
0xb: {  	[smem:$0x3F85] =	sst s3  }
0xc: {  	[smem:$0x3F86] =	sst s4  }
0xd: {  	[smem:$0x3F87] =	sst s5  }
0xe: {  	[smem:$0x3F88] =	sst s6  }
0xf: {  	[smem:$0x3F89] =	sst s7  }
0x10: {  	[smem:$0x3F8A] =	sst s8  }
0x11: {  	[smem:$0x3F8B] =	sst s9;
	s0 =	simm.s32 @!p0 $0x0  }
0x12: {  	s1 =	sld [smem:$0x3F71];
	s0 =	simm.s32 @p0 $0x1  }
0x13: {  	[smem:$0x3F8C] =	sst s0;
	s0 =	simm.s32 @!p1 $0x0  }
0x14: {  	s2 =	sld [smem:$0x3F70];
	s0 =	simm.s32 @p1 $0x1  }
0x15: {  	[smem:$0x3F8D] =	sst s0;
	s0 =	simm.s32 @!p2 $0x0  }
0x16: {  	s3 =	sld [smem:$0x3FDB];
	s0 =	simm.s32 @p2 $0x1  }
0x17: {  	s4 =	simm.s32 $0x1BF5;
	[smem:$0x3F8F] =	sst s0  }
0x18: {  	s0 =	sld [smem:$0x3F72];
	_ =	swait.ge [sflag:s4], $0x0  }
0x19: {  	s7 =	sld [smem:$0x3F73]  }
0x1a: {  	s8 =	sadd.s32 $0xFFFFE003, lr  }
0x1b: {  	s9 =	sadd.s32 $0xFFFFFEF7, lr;
	s5 =	simm.s32 $0xFFFFFFFF;
	p2 =	slt.u32 s8, $0xFFFFF086  }
0x1c: {  	p1 =	slt.u32 s9, $0xF7A;
	s5 =	simm.s32 @!p2 $0x0  }
0x1d: {  	s5 =	simm.s32 @p1 $0x1;
	p0 =	seq.s32 s7, s2  }
0x1e: {  	s7 =	smul.u32 @!p0 $0xF7A, s2;
	p2 =	seq.s32 @!p0 s5, $0x0  }
0x1f: {  	s9 =	smul.u32 $0xF7A, s1;
	s8 =	simm.s32 @!p0 $0x1BF5;
	p2 =	por !p2, p0  }
0x20: {  	[sflag:s8] =	ssyncset.s32 @!p0 $0xFFFFF086;
	s6 =	sadd.s32 @!p0 s3, s7;
	s7 =	simm.s32 @!p0 $0x108  }
0x21: {  	s3 =	sadd.s32 s3, s9;
	s6 =	sadd.s32 @!p0 $0x88, s6;
	s7 =	simm.s32 @p2 $0x1082  }
0x22: {  	[simem:s7], [sflag:s8] =	dma.local @!p0 [hbm:s6], $0xF7A  }
0x23: {  	s9 =	sor.u32 $0xD0000000, s2;
	s6 =	simm.s32 $0x108;
	_ =	swait.ge @!p0 [sflag:s8], $0x0  }
0x24: {  	s3 =	sadd.s32 $0x88, s3;
	s6 =	simm.s32 @!p1 $0x1082;
	[sflag:s4] =	ssyncset.s32 $0xFFFFF086  }
0x25: {  	[simem:s6], [sflag:s4] =	dma.local [hbm:s3], $0xF7A  }
0x26: {  	[smem:$0x3F73] =	sst s1;
	(tag) =	ssettag s2;
	_ =	strace s9  }
0x27: {  	s1 =	sld [smem:$0x3F83]  }
0x28: {  	s2 =	sld [smem:$0x3F84]  }
0x29: {  	s4 =	sld [smem:$0x3F86]  }
0x2a: {  	p0 =	seq.s32 s5, $0x0;
	s5 =	sld [smem:$0x3F87]  }
0x2b: {  	s6 =	sld [smem:$0x3F88]  }
0x2c: {  	s7 =	sld [smem:$0x3F89]  }
0x2d: {  	s3 =	simm.s32 $0x108;
	s8 =	sld [smem:$0x3F8A]  }
0x2e: {  	s3 =	simm.s32 @!p0 $0x1082;
	s9 =	sld [smem:$0x3F8B]  }
0x2f: {  	lr =	sadd.s32 s0, s3;
	s0 =	sld [smem:$0x3F82]  }
0x30: {  	s3 =	sld [smem:$0x3F85]  }
0x31: {  	[smem:$0x3F8E] =	sst s10  }
0x32: {  	s10 =	sld [smem:$0x3F8C];
	_ =	sdelay $0x3  }
0x33: {  	p0 =	seq.s32 s10, $0x1;
	s10 =	sld [smem:$0x3F8E];
	_ =	sdelay $0x3  }
0x34: {  	[smem:$0x3F8E] =	sst s10  }
0x35: {  	s10 =	sld [smem:$0x3F8D];
	_ =	sdelay $0x3  }
0x36: {  	p1 =	seq.s32 s10, $0x1;
	s10 =	sld [smem:$0x3F8E];
	_ =	sdelay $0x3  }
0x37: {  	[smem:$0x3F8E] =	sst s10  }
0x38: {  	s10 =	sld [smem:$0x3F8F]  }
0x39: {  	_ = 	snop;
	(pc) =	sbr.ind lr, $3  }
0x3a: {  	_ = 	snop  }
0x3b: {  	_ = 	snop  }
0x3c: {  	p2 =	seq.s32 s10, $0x1;
	s10 =	sld [smem:$0x3F8E]  }
0x3d: {  	_ =	shalt  }
0x3e: {  	_ =	shalt  }
0x3f: {  	_ =	shalt  }
0x40: {  	_ =	shalt  }
0x41: {  	_ =	shalt  }
0x42: {  	_ =	shalt  }
0x43: {  	_ =	shalt  }
0x44: {  	_ =	shalt  }
0x45: {  	_ =	shalt  }
0x46: {  	_ =	shalt  }
0x47: {  	_ =	shalt  }
0x48: {  	_ =	shalt  }
0x49: {  	_ =	shalt  }
0x4a: {  	_ =	shalt  }
0x4b: {  	_ =	shalt  }
0x4c: {  	_ =	shalt  }
0x4d: {  	_ =	shalt  }
0x4e: {  	_ =	shalt  }
0x4f: {  	_ =	shalt  }
0x50: {  	_ =	shalt  }
0x51: {  	_ =	shalt  }
0x52: {  	_ =	shalt  }
0x53: {  	_ =	shalt  }
0x54: {  	_ =	shalt  }
0x55: {  	_ =	shalt  }
0x56: {  	_ =	shalt  }
0x57: {  	_ =	shalt  }
0x58: {  	_ =	shalt  }
0x59: {  	_ =	shalt  }
0x5a: {  	_ =	shalt  }
0x5b: {  	_ =	shalt  }
0x5c: {  	_ =	shalt  }
0x5d: {  	_ =	shalt  }
0x5e: {  	_ =	shalt  }
0x5f: {  	_ =	shalt  }
0x60: {  	_ =	shalt  }
0x61: {  	_ =	shalt  }
0x62: {  	_ =	shalt  }
0x63: {  	_ =	shalt  }
0x64: {  	_ =	shalt  }
0x65: {  	_ =	shalt  }
0x66: {  	_ =	shalt  }
0x67: {  	_ =	shalt  }
0x68: {  	_ =	shalt  }
0x69: {  	_ =	shalt  }
0x6a: {  	_ =	shalt  }
0x6b: {  	_ =	shalt  }
0x6c: {  	_ =	shalt  }
0x6d: {  	_ =	shalt  }
0x6e: {  	_ =	shalt  }
0x6f: {  	_ =	shalt  }
0x70: {  	_ =	shalt  }
0x71: {  	_ =	shalt  }
0x72: {  	_ =	shalt  }
0x73: {  	_ =	shalt  }
0x74: {  	_ =	shalt  }
0x75: {  	_ =	shalt  }
0x76: {  	_ =	shalt  }
0x77: {  	_ =	shalt  }
0x78: {  	_ =	shalt  }
0x79: {  	_ =	shalt  }
0x7a: {  	_ =	shalt  }
0x7b: {  	_ =	shalt  }
0x7c: {  	_ =	shalt  }
0x7d: {  	_ =	shalt  }
0x7e: {  	_ =	shalt  }
0x7f: {  	_ =	shalt  }
0x80: {  	_ =	shalt  }
0x81: {  	_ =	shalt  }
0x82: {  	_ =	shalt  }
0x83: {  	_ =	shalt  }
0x84: {  	_ =	shalt  }
0x85: {  	_ =	shalt  }
0x86: {  	_ =	shalt  }
0x87: {  	_ =	shalt  }
.Lfunc_end0:
.L_simem_size_0:
called_computation_lowered:
.L_overlay_start_0:
0x88: {  	s2 =	sld [smem:$0x3FD9]  }
0x89: {  	s3 =	sld [smem:$0x3FFE];
	_ =	sdelay $0x1  }
0x8a: {  	s1 =	srdreg.scid  }
0x8b: {  	s0 =	sand.u32 $0x1, s1  }
0x8c: {  	s15 =	sshll.u32 s0, $0xA;
	s2 =	sadd.s32 s3, s2  }
0x8d: {  	s2 =	sadd.s32 s2, s15  }
0x8e: {  	[smem:$0x3F9A] =	sst s2  }
0x8f: {  	_ = 	snop  }
0x90: {  	(tm) =	ssettm $0x1  }
0x91: {  	s16 =	sld [smem:$0x3FFB];
	_ =	sdelay $0x3  }
0x92: {  	_ =	strace s16  }
0x93: {  	s2 =	sld [smem:$0x3FFC];
	_ =	sdelay $0x3  }
0x94: {  	_ =	strace s2  }
0x95: {  	s2 =	sld [smem:$0x3FFD];
	_ =	sdelay $0x3  }
0x96: {  	_ =	strace s2  }
0x97: {  	_ =	strace $0x8FFFFFFF  }
0x98: {  	s17 =	sld [smem:$0x3FDB];
	_ =	sdelay $0x1  }
0x99: {  	s18 =	simm.s32 $_scs_section_size  }
0x9a: {  	s4 =	simm.s32 $_size__tile_overlayer_lowered;
	s5 =	simm.s32 $_tile_overlayer_lowered  }
0x9b: {  	s6 =	simm.s32 $0x1BFF;
	s19 =	sshll.u32 s5, $0x1;
	s3 =	sadd.s32 s18, s17  }
0x9c: {  	s20 =	simm.s32 $0x0;
	s4 =	sshll.u32 s4, $0x1;
	s5 =	sadd.s32 s19, s3  }
0x9d: {  	[timem:s20], [sflag:s6] =	dma.local [hbm:s5], s4  }
0x9e: {  	_ =	swait.ge [sflag:s6], s4  }
0x9f: {  	s4 =	ssub.s32 $0x0, s4;
	[sflag:s6] =	ssyncset.done $0x0  }
0xa0: {  	[sflag:s6] =	ssyncadd.s32 s4;
	_ =	sdelay $0x1  }
0xa1: {  	s21 =	simm.s32 $0x1B8B  }
0xa2: {  	_ =	swait.ge [sflag:s21], $0x1  }
0xa3: {  	[sflag:s21] =	ssyncset.done $0x0  }
0xa4: {  	s22 =	sld [smem:$0x3FFE];
	[sflag:s21] =	ssyncadd.s32 $0xFFFFFFFF  }
0xa5: {  	s24 =	simm.s32 $0x1B8E;
	s23 =	sld [smem:$0x0]  }
0xa6: {  	s25 =	simm.s32 $execute0_lowered;
	[smem:$0x3FD2] =	sst s24  }
0xa7: {  	s6 =	sshll.u32 s25, $0x1;
	_ =	strace $0x8000004C;
	[dreg:$0x1] =	wrdreg $0xFFFFFFFF  }
0xa8: {  	s7 =	simm.s32 $_size_execute0_lowered;
	s6 =	sadd.s32 s3, s6;
	[dreg:$0x0] =	wrdreg $0x0  }
0xa9: {  	s7 =	sshll.u32 s7, $0x1;
	[dreg:$0x2] =	wrdreg s6  }
0xaa: {  	[dreg:$0x3] =	wrdreg s7  }
0xab: {  	[dreg:$0x4] =	wrdreg $0xC0  }
0xac: {  	s26 =	simm.s32 $execute1_lowered;
	_ =	task [dreg:s20], $0x5FFFF  }
0xad: {  	s6 =	sshll.u32 s26, $0x1;
	[dreg:$0x1] =	wrdreg $0xFFFFFFFF  }
0xae: {  	s3 =	sadd.s32 s3, s6;
	[dreg:$0x0] =	wrdreg $0x60  }
0xaf: {  	[dreg:$0x2] =	wrdreg s3  }
0xb0: {  	[dreg:$0x3] =	wrdreg s22  }
0xb1: {  	[dreg:$0x4] =	wrdreg $0x9  }
0xb2: {  	_ =	task.clear_ibuf [dreg:s20], $0x5FFFF;
	_ =	strace $0x9000004C  }
0xb3: {  	s28 =	simm.s32 $0x9;
	_ =	strace $0x8000004E  }
0xb4: {  	_ =	swait.ge [sflag:s28], $0x1  }
0xb5: {  	[sflag:s28] =	ssyncadd.s32 $0xFFFFFFFF  }
0xb6: {  	_ =	strace $0x9000004E  }
0xb7: {  	s3 =	sld [smem:$0x0]  }
0xb8: {  	s6 =	sand.u32 $0xFFFFFFFE, s1  }
0xb9: {  	p0 =	sne.s32 s1, s6  }
0xba: {  	s6 =	sshll.u32 @p0 s6, $0xE  }
0xbb: {  	s6 =	sadd.s32 @p0 $0x11BF3, s6;
	s7 =	sshll.u32 @p0 s3, $0x11  }
0xbc: {  	s6 =	sor.u32 @p0 s7, s6  }
0xbd: {  	[sflag:s6] =	ssyncadd.remote.s32 @p0 $0x1;
	_ =	sdelay $0x1  }
0xbe: {  	s6 =	simm.s32 @p0 $0x1BF3  }
0xbf: {  	_ =	swait.eq @p0 [sflag:s6], $0x1  }
0xc0: {  	[sflag:s6] =	ssyncadd.s32 @p0 $0xFFFFFFFF  }
0xc1: {  	s7 =	sshll.u32 @!p0 s1, $0xE  }
0xc2: {  	s7 =	sor.u32 @!p0 $0x4000, s7;
	s6 =	simm.s32 @!p0 $0x1BF3  }
0xc3: {  	s3 =	sshll.u32 @!p0 s3, $0x11;
	s7 =	sadd.s32 @!p0 $0x11BF3, s7;
	_ =	swait.eq @!p0 [sflag:s6], $0x1  }
0xc4: {  	s3 =	sor.u32 @!p0 s3, s7;
	[sflag:s6] =	ssyncadd.s32 @!p0 $0xFFFFFFFF  }
0xc5: {  	[sflag:s3] =	ssyncadd.remote.s32 @!p0 $0x1  }
0xc6: {  	_ =	strace $0x8000004F;
	[dreg:$0x1] =	wrdreg $0xFFFFFFFF  }
0xc7: {  	[dreg:$0x0] =	wrdreg $0x2030  }
0xc8: {  	[dreg:$0x2] =	wrdreg s22  }
0xc9: {  	[dreg:$0x3] =	wrdreg s1  }
0xca: {  	[dreg:$0x4] =	wrdreg s23  }
0xcb: {  	[dreg:$0x5] =	wrdreg $0xA  }
0xcc: {  	_ =	task.clear_ibuf [dreg:s20], $0x6FFFF;
	_ =	strace $0x9000004F  }
0xcd: {  	s29 =	simm.s32 $0xA;
	_ =	strace $0x80000051  }
0xce: {  	_ =	swait.ge [sflag:s29], $0x1  }
0xcf: {  	[sflag:s29] =	ssyncadd.s32 $0xFFFFFFFF  }
0xd0: {  	_ =	strace $0x90000051  }
0xd1: {  	_ =	sfence  }
0xd2: {  	s30 =	sld [smem:$0x0];
	_ =	sdelay $0x2  }
0xd3: {  	s31 =	sshll.u32 s1, $0xD;
	s1 =	sshrl.u32 s1, $0x2  }
0xd4: {  	s4 =	sand.u32 $0x4000, s31;
	s1 =	sadd.s32 s1, s30  }
0xd5: {  	s0 =	sor.u32 s4, s0;
	s1 =	sshll.u32 s1, $0x11  }
0xd6: {  	s0 =	sor.u32 s1, s0  }
0xd7: {  	s0 =	sadd.s32 $0x8F2B, s0  }
0xd8: {  	[sflag:s0] =	ssyncadd.remote.s32 $0x1  }
0xd9: {  	_ =	sfence.sel $0xFFFF  }
0xda: {  	[dreg:$0x0] =	wrdreg $0xFFFFFFFF;
	(pc) =	sbr.abs _section_cstart, $3  }
0xdb: {  	[dreg:$0x1] =	wrdreg $0xFFFFFFFF  }
0xdc: {  	_ =	task.clear_ibuf [dreg:s20], $0x2FFFF;
	_ =	strace $0x9FFFFFFF  }
0xdd: {  	(tm) =	ssettm $0x7FFFFFFF  }
tec
execute0_lowered:
.L_overlay_start_1:
0x0: {  	(tag) =	ssettag $0x1  }
0x1: {  	s2 =	rddreg [dreg:$0x0]  }
0x2: {  	s3 =	rddreg [dreg:$0x1]  }
0x3: {  	s0 =	rddreg [dreg:$0x2];
	s4 =	stileid.u32;
	[bflag:$0x3] =	sbarrier.arrive $0xFFFF  }
0x4: {  	s1 =	simm.s32 $_size_execute1_lowered;
	s29 =	srdreg.scid;
	p0 =	sne.s32 s4, $0x0  }
0x5: {  	s1 =	sshll.u32 s1, $0x1;
	s5 =	simm.s32 @!p0 $0x1C3F;
	s6 =	simm.s32 @!p0 $0x4060  }
0x6: {  	[timem:s6], [sflag:s5] =	dma.local @!p0 [hbm:s2], s1  }
0x7: {  	s8 =	simm.s32 $0x2;
	s12 =	simm.s32 $0x0;
	s2 =	sshll.u32 s29, $0x7  }
0x8: {  	s9 =	simm.s32 $0x80;
	s4 =	sshll.u32 s4, $0x8;
	s2 =	sand.u32 $0x80, s2  }
0x9: {  	s10 =	simm.s32 $0x0;
	s11 =	simm.s32 $0x0;
	s2 =	sor.u32 s4, s2  }
0xa: {  	_ =	strace $0x8000004D;
	s4 =	sshll.u32 s2, $0x4;
	s31 =	ssub.s32 $0x1000, s2  }
.Ltmp0:
0xb: {  	s30 =	sadd.s32 s4, s3;
	s7 =	sand.u32 $0xF80, s31;
	(pc) =	sbr.rel .LBB2_1-.Ltmp0, $4  }
0xc: {  	s3 =	sadd.s32 $0x23F600, s3;
	p1 =	sne.s32 s7, $0x0;
	s7 =	simm.s32 $0x1  }
0xd: {  	s4 =	simm.s32 $0x1;
	s5 =	sshrl.u32 s31, $0xC;
	s7 =	simm.s32 @!p1 $0x0  }
0xe: {  	[sflag:s4] =	ssyncpa.u1 $0x0;
	s6 =	sadd.s32 $0x22F600, s30;
	s5 =	sadd.s32 s7, s5  }
0xf: {  	[sflag:s8] =	ssyncpa.u1 $0x0;
	s8 =	simm.s32 $0x20;
	s7 =	sadd.s32 $0x1, s5  }
.LBB2_4:
0x10: {  	_ =	sdelay $0x2  }
0x11: {  	s12 =	sshll.u32 s12, $0x4  }
0x12: {  	[tilespmem:v1+s13+$0x0 ss:$0x1] =	vst.idx.msk $0xffff, v2;
	s12 =	sand.u32 $0xFFF0, s12  }
0x13: {  	[tilespmem:v1+s13+$0xFFFFFFF0 ss:$0x1] =	vst.idx.msk $0xffff, v3;
	s12 =	sadd.s32 s3, s12  }
0x14: {  	[hbm4b:s12+s8] =	stream.strided.scatter [tilespmem:s14], [sflag:$0x2], $0x1000, s9, s8, $0x38;
	[tilespmem:$0x4000] =	vst v63  }
.LBB2_5:
0x15: {  	p2 =	sne.s32 s11, s7  }
.Ltmp1:
0x16: {  	p1 =	slt.u32 s11, $0x2;
	(pc) =	sbr.rel @!p2 .LBB2_6-.Ltmp1, $4  }
0x17: {  	s12 =	simm.s32 @!p1 $0x2  }
0x18: {  	_ =	swait.ge @!p1 [sflag:s12], $0x1000  }
0x19: {  	s13 =	sadd.s32 $0x1, s11;
	s10 =	sadd.s32 $0x1000, s10;
	[sflag:s12] =	ssyncset.done @!p1 $0x0  }
0x1a: {  	s11 =	smov.u32 s13;
	[sflag:s12] =	ssyncadd.s32 @!p1 $0xFFFFF000;
	s12 =	smov.u32 s2  }
.LBB2_1:
0x1b: {  	p1 =	sge.u32 s11, s5  }
0x1c: {  	s13 =	sxor.u32 @!p1 $0xFFFFFFFF, s11  }
0x1d: {  	s31 =	sadd.s32 $0xFFFFFFFF, s11;
	s13 =	sshll.u32 @!p1 s13, $0xC  }
0x1e: {  	s14 =	simm.s32 @!p1 $0x20;
	s15 =	simm.s32 @!p1 $0x80;
	s13 =	sand.u32 @!p1 $0x1000, s13  }
0x1f: {  	[tilespmem:s13], [sflag:$0x1] =	stream.strided.gather @!p1 [hbm4b:s6+s14], $0x1000, s15, s14, $0x38;
	[tilespmem:$0x4000] =	vst v63  }
0x20: {  	p1 =	sge.u32 s31, s5  }
.Ltmp2:
0x21: {  	_ = 	snop;
	(pc) =	sbr.rel @p1 .LBB2_5-.Ltmp2, $1  }
0x22: {  	_ =	sdelay $0x3  }
0x23: {  	s14 =	sand.u32 $0x1000, s10  }
0x24: {  	s13 =	sor.u32 $0x10, s14  }
0x25: {  	v0 =	vmov s13;
	_ =	sdelay $0x1  }
0x26: {  	_ =	swait.ge [sflag:s4], $0x1000  }
0x27: {  	[sflag:s4] =	ssyncset.done $0x0  }
0x28: {  	s15 =	sshll.u32 s11, $0xC;
	[sflag:s4] =	ssyncadd.s32 $0xFFFFF000;
	s13 =	simm.s32 $0x0  }
0x29: {  	s16 =	sor.u32 $0x2010, s14;
	s31 =	sand.u32 $0x1000, s15;
	v2 =	vld.idx.msk [tilespmem:v0+s13+$0x0 ss:$0x1], $0xffff  }
0x2a: {  	s15 =	simm.s32 $0x80;
	s14 =	sor.u32 $0x2000, s31;
	v1 =	vmov s16;
	v3 =	vld.idx.msk [tilespmem:v0+s13+$0xFFFFFFF0 ss:$0x1], $0xffff  }
.LBB2_3:
0x2b: {  	p1 =	sne.s32 s15, $0x3F80  }
.Ltmp3:
0x2c: {  	_ = 	snop;
	(pc) =	sbr.rel @p1 .LBB2_3-.Ltmp3, $4  }
0x2d: {  	_ = 	snop  }
0x2e: {  	s16 =	sshra.s32 s15, $0x2;
	s15 =	sadd.s32 $0x80, s15  }
0x2f: {  	[tilespmem:v1+s13+$0x0 ss:$0x1] =	vst.idx.msk $0xffff, v2;
	v2 =	vld.idx.msk [tilespmem:v0+s16+$0x0 ss:$0x1], $0xffff  }
0x30: {  	[tilespmem:v1+s13+$0xFFFFFFF0 ss:$0x1] =	vst.idx.msk $0xffff, v3;
	v3 =	vld.idx.msk [tilespmem:v0+s16+$0xFFFFFFF0 ss:$0x1], $0xffff;
	s13 =	smov.u32 s16  }
.Ltmp4:
0x31: {  	_ = 	snop;
	(pc) =	sbr.rel .LBB2_4-.Ltmp4, $1  }
0x32: {  	_ =	sdelay $0x3  }
.LBB2_6:
0x33: {  	_ =	sfence.sel $0x180000  }
0x34: {  	s2 =	simm.s32 $0x1;
	[bflag:$0x0] =	sbarrier.arrive $0xFFFF  }
0x35: {  	s31 =	simm.s32 $0x2;
	[sflag:s2] =	ssyncpa.u1 $0x1  }
0x36: {  	[sflag:s31] =	ssyncpa.u1 $0x1  }
0x37: {  	_ =	strace $0x9000004D  }
0x38: {  	s0 =	sadd.s32 @!p0 $0x100000, s0;
	[bflag:$0x2] =	sbarrier.arrive $0xFFFF  }
0x39: {  	[sflag:s0] =	ssyncadd.tile.s32 @!p0 $0x1;
	s0 =	simm.s32 @!p0 $0x3F  }
0x3a: {  	_ =	swait.ge @!p0 [sflag:s0], s1  }
0x3b: {  	s1 =	ssub.s32 @!p0 $0x0, s1;
	[sflag:s0] =	ssyncset.done @!p0 $0x0  }
0x3c: {  	[sflag:s0] =	ssyncadd.s32 @!p0 s1  }
0x3d: {  	[bflag:$0x3] =	sbarrier.arrive $0xFFFF  }
0x3e: {  	_ =	shalt  }
.Lfunc_end2:
execute1_lowered:
.L_overlay_start_2:
0x3f: {  	(tag) =	ssettag $0x2  }
0x40: {  	s11 =	rddreg [dreg:$0x0]  }
0x41: {  	s2 =	rddreg [dreg:$0x1];
	_ =	strace $0x80000050;
	s12 =	simm.s32 $0x1  }
0x42: {  	v0 =	vimm.s32 $0x0;
	[sflag:s12] =	ssyncpa.u1 $0x0  }
0x43: {  	[tilespmem:$0x28] =	vst v0  }
0x44: {  	[tilespmem:$0x38] =	vst v0  }
0x45: {  	[tilespmem:$0x48] =	vst v0  }
0x46: {  	[tilespmem:$0x58] =	vst v0  }
0x47: {  	[tilespmem:$0x68] =	vst v0  }
0x48: {  	[tilespmem:$0x78] =	vst v0  }
0x49: {  	[tilespmem:$0x88] =	vst v0  }
0x4a: {  	[tilespmem:$0x98] =	vst v0  }
0x4b: {  	[tilespmem:$0xA8] =	vst v0  }
0x4c: {  	[tilespmem:$0xB8] =	vst v0  }
0x4d: {  	[tilespmem:$0xC8] =	vst v0  }
0x4e: {  	[tilespmem:$0xD8] =	vst v0  }
0x4f: {  	[tilespmem:$0xE8] =	vst v0  }
0x50: {  	[tilespmem:$0xF8] =	vst v0  }
0x51: {  	[tilespmem:$0x108] =	vst v0  }
0x52: {  	[tilespmem:$0x118] =	vst v0  }
0x53: {  	[tilespmem:$0x128] =	vst v0  }
0x54: {  	[tilespmem:$0x138] =	vst v0  }
0x55: {  	[tilespmem:$0x148] =	vst v0  }
0x56: {  	[tilespmem:$0x158] =	vst v0  }
0x57: {  	[tilespmem:$0x168] =	vst v0  }
0x58: {  	[tilespmem:$0x178] =	vst v0  }
0x59: {  	[tilespmem:$0x188] =	vst v0  }
0x5a: {  	[tilespmem:$0x198] =	vst v0  }
0x5b: {  	[tilespmem:$0x1A8] =	vst v0  }
0x5c: {  	[tilespmem:$0x1B8] =	vst v0  }
0x5d: {  	[tilespmem:$0x1C8] =	vst v0  }
0x5e: {  	[tilespmem:$0x1D8] =	vst v0  }
0x5f: {  	[tilespmem:$0x1E8] =	vst v0  }
0x60: {  	[tilespmem:$0x1F8] =	vst v0  }
0x61: {  	[tilespmem:$0x208] =	vst v0  }
0x62: {  	[tilespmem:$0x218] =	vst v0  }
0x63: {  	[tilespmem:$0x228] =	vst v0  }
0x64: {  	[tilespmem:$0x238] =	vst v0  }
0x65: {  	[tilespmem:$0x248] =	vst v0  }
0x66: {  	[tilespmem:$0x258] =	vst v0  }
0x67: {  	[tilespmem:$0x268] =	vst v0  }
0x68: {  	[tilespmem:$0x278] =	vst v0  }
0x69: {  	[tilespmem:$0x288] =	vst v0  }
0x6a: {  	[tilespmem:$0x298] =	vst v0  }
0x6b: {  	[tilespmem:$0x2A8] =	vst v0  }
0x6c: {  	[tilespmem:$0x2B8] =	vst v0  }
0x6d: {  	[tilespmem:$0x2C8] =	vst v0  }
0x6e: {  	[tilespmem:$0x2D8] =	vst v0  }
0x6f: {  	[tilespmem:$0x2E8] =	vst v0  }
0x70: {  	[tilespmem:$0x2F8] =	vst v0  }
0x71: {  	[tilespmem:$0x308] =	vst v0  }
0x72: {  	[tilespmem:$0x318] =	vst v0  }
0x73: {  	[tilespmem:$0x328] =	vst v0  }
0x74: {  	[tilespmem:$0x338] =	vst v0  }
0x75: {  	[tilespmem:$0x348] =	vst v0  }
0x76: {  	[tilespmem:$0x358] =	vst v0  }
0x77: {  	[tilespmem:$0x368] =	vst v0  }
0x78: {  	[tilespmem:$0x378] =	vst v0  }
0x79: {  	[tilespmem:$0x388] =	vst v0  }
0x7a: {  	[tilespmem:$0x398] =	vst v0  }
0x7b: {  	[tilespmem:$0x3A8] =	vst v0  }
0x7c: {  	[tilespmem:$0x3B8] =	vst v0  }
0x7d: {  	[tilespmem:$0x3C8] =	vst v0  }
0x7e: {  	[tilespmem:$0x3D8] =	vst v0  }
0x7f: {  	[tilespmem:$0x3E8] =	vst v0  }
0x80: {  	[tilespmem:$0x3F8] =	vst v0  }
0x81: {  	[tilespmem:$0x408] =	vst v0  }
0x82: {  	[tilespmem:$0x418] =	vst v0  }
0x83: {  	[tilespmem:$0x428] =	vst v0  }
0x84: {  	[tilespmem:$0x438] =	vst v0  }
0x85: {  	[tilespmem:$0x448] =	vst v0  }
0x86: {  	[tilespmem:$0x458] =	vst v0  }
0x87: {  	[tilespmem:$0x468] =	vst v0  }
0x88: {  	[tilespmem:$0x478] =	vst v0  }
0x89: {  	[tilespmem:$0x488] =	vst v0  }
0x8a: {  	[tilespmem:$0x498] =	vst v0  }
0x8b: {  	[tilespmem:$0x4A8] =	vst v0  }
0x8c: {  	[tilespmem:$0x4B8] =	vst v0  }
0x8d: {  	[tilespmem:$0x4C8] =	vst v0  }
0x8e: {  	[tilespmem:$0x4D8] =	vst v0  }
0x8f: {  	[tilespmem:$0x4E8] =	vst v0  }
0x90: {  	[tilespmem:$0x4F8] =	vst v0  }
0x91: {  	[tilespmem:$0x508] =	vst v0  }
0x92: {  	[tilespmem:$0x518] =	vst v0  }
0x93: {  	[tilespmem:$0x528] =	vst v0  }
0x94: {  	[tilespmem:$0x538] =	vst v0  }
0x95: {  	[tilespmem:$0x548] =	vst v0  }
0x96: {  	[tilespmem:$0x558] =	vst v0  }
0x97: {  	[tilespmem:$0x568] =	vst v0  }
0x98: {  	[tilespmem:$0x578] =	vst v0  }
0x99: {  	[tilespmem:$0x588] =	vst v0  }
0x9a: {  	[tilespmem:$0x598] =	vst v0  }
0x9b: {  	[tilespmem:$0x5A8] =	vst v0  }
0x9c: {  	[tilespmem:$0x5B8] =	vst v0  }
0x9d: {  	[tilespmem:$0x5C8] =	vst v0  }
0x9e: {  	[tilespmem:$0x5D8] =	vst v0  }
0x9f: {  	[tilespmem:$0x5E8] =	vst v0  }
0xa0: {  	[tilespmem:$0x5F8] =	vst v0  }
0xa1: {  	[tilespmem:$0x608] =	vst v0  }
0xa2: {  	[tilespmem:$0x618] =	vst v0  }
0xa3: {  	[tilespmem:$0x628] =	vst v0  }
0xa4: {  	[tilespmem:$0x638] =	vst v0  }
0xa5: {  	[tilespmem:$0x648] =	vst v0  }
0xa6: {  	[tilespmem:$0x658] =	vst v0  }
0xa7: {  	[tilespmem:$0x668] =	vst v0  }
0xa8: {  	[tilespmem:$0x678] =	vst v0  }
0xa9: {  	[tilespmem:$0x688] =	vst v0  }
0xaa: {  	[tilespmem:$0x698] =	vst v0  }
0xab: {  	[tilespmem:$0x6A8] =	vst v0  }
0xac: {  	[tilespmem:$0x6B8] =	vst v0  }
0xad: {  	[tilespmem:$0x6C8] =	vst v0  }
0xae: {  	[tilespmem:$0x6D8] =	vst v0  }
0xaf: {  	[tilespmem:$0x6E8] =	vst v0  }
0xb0: {  	[tilespmem:$0x6F8] =	vst v0  }
0xb1: {  	[tilespmem:$0x708] =	vst v0  }
0xb2: {  	[tilespmem:$0x718] =	vst v0  }
0xb3: {  	[tilespmem:$0x728] =	vst v0  }
0xb4: {  	[tilespmem:$0x738] =	vst v0  }
0xb5: {  	[tilespmem:$0x748] =	vst v0  }
0xb6: {  	[tilespmem:$0x758] =	vst v0  }
0xb7: {  	[tilespmem:$0x768] =	vst v0  }
0xb8: {  	[tilespmem:$0x778] =	vst v0  }
0xb9: {  	[tilespmem:$0x788] =	vst v0  }
0xba: {  	[tilespmem:$0x798] =	vst v0  }
0xbb: {  	[tilespmem:$0x7A8] =	vst v0  }
0xbc: {  	[tilespmem:$0x7B8] =	vst v0  }
0xbd: {  	[tilespmem:$0x7C8] =	vst v0  }
0xbe: {  	[tilespmem:$0x7D8] =	vst v0  }
0xbf: {  	[tilespmem:$0x7E8] =	vst v0  }
0xc0: {  	[tilespmem:$0x7F8] =	vst v0  }
0xc1: {  	[tilespmem:$0x808] =	vst v0  }
0xc2: {  	[tilespmem:$0x818] =	vst v0  }
0xc3: {  	[tilespmem:$0x828] =	vst v0  }
0xc4: {  	[tilespmem:$0x838] =	vst v0  }
0xc5: {  	[tilespmem:$0x848] =	vst v0  }
0xc6: {  	[tilespmem:$0x858] =	vst v0  }
0xc7: {  	[tilespmem:$0x868] =	vst v0  }
0xc8: {  	[tilespmem:$0x878] =	vst v0  }
0xc9: {  	[tilespmem:$0x888] =	vst v0  }
0xca: {  	[tilespmem:$0x898] =	vst v0  }
0xcb: {  	[tilespmem:$0x8A8] =	vst v0  }
0xcc: {  	[tilespmem:$0x8B8] =	vst v0  }
0xcd: {  	[tilespmem:$0x8C8] =	vst v0  }
0xce: {  	[tilespmem:$0x8D8] =	vst v0  }
0xcf: {  	[tilespmem:$0x8E8] =	vst v0  }
0xd0: {  	[tilespmem:$0x8F8] =	vst v0  }
0xd1: {  	[tilespmem:$0x908] =	vst v0  }
0xd2: {  	[tilespmem:$0x918] =	vst v0  }
0xd3: {  	[tilespmem:$0x928] =	vst v0  }
0xd4: {  	[tilespmem:$0x938] =	vst v0  }
0xd5: {  	[tilespmem:$0x948] =	vst v0  }
0xd6: {  	[tilespmem:$0x958] =	vst v0  }
0xd7: {  	[tilespmem:$0x968] =	vst v0  }
0xd8: {  	[tilespmem:$0x978] =	vst v0  }
0xd9: {  	[tilespmem:$0x988] =	vst v0  }
0xda: {  	[tilespmem:$0x998] =	vst v0  }
0xdb: {  	[tilespmem:$0x9A8] =	vst v0  }
0xdc: {  	[tilespmem:$0x9B8] =	vst v0  }
0xdd: {  	[tilespmem:$0x9C8] =	vst v0  }
0xde: {  	[tilespmem:$0x9D8] =	vst v0  }
0xdf: {  	[tilespmem:$0x9E8] =	vst v0  }
0xe0: {  	[tilespmem:$0x9F8] =	vst v0  }
0xe1: {  	[tilespmem:$0xA08] =	vst v0  }
0xe2: {  	[tilespmem:$0xA18] =	vst v0  }
0xe3: {  	[tilespmem:$0xA28] =	vst v0  }
0xe4: {  	[tilespmem:$0xA38] =	vst v0  }
0xe5: {  	[tilespmem:$0xA48] =	vst v0  }
0xe6: {  	[tilespmem:$0xA58] =	vst v0  }
0xe7: {  	[tilespmem:$0xA68] =	vst v0  }
0xe8: {  	[tilespmem:$0xA78] =	vst v0  }
0xe9: {  	[tilespmem:$0xA88] =	vst v0  }
0xea: {  	[tilespmem:$0xA98] =	vst v0  }
0xeb: {  	[tilespmem:$0xAA8] =	vst v0  }
0xec: {  	[tilespmem:$0xAB8] =	vst v0  }
0xed: {  	[tilespmem:$0xAC8] =	vst v0  }
0xee: {  	[tilespmem:$0xAD8] =	vst v0  }
0xef: {  	[tilespmem:$0xAE8] =	vst v0  }
0xf0: {  	[tilespmem:$0xAF8] =	vst v0  }
0xf1: {  	[tilespmem:$0xB08] =	vst v0  }
0xf2: {  	[tilespmem:$0xB18] =	vst v0  }
0xf3: {  	[tilespmem:$0xB28] =	vst v0  }
0xf4: {  	[tilespmem:$0xB38] =	vst v0  }
0xf5: {  	[tilespmem:$0xB48] =	vst v0  }
0xf6: {  	[tilespmem:$0xB58] =	vst v0  }
0xf7: {  	[tilespmem:$0xB68] =	vst v0  }
0xf8: {  	[tilespmem:$0xB78] =	vst v0  }
0xf9: {  	[tilespmem:$0xB88] =	vst v0  }
0xfa: {  	[tilespmem:$0xB98] =	vst v0  }
0xfb: {  	[tilespmem:$0xBA8] =	vst v0  }
0xfc: {  	[tilespmem:$0xBB8] =	vst v0  }
0xfd: {  	[tilespmem:$0xBC8] =	vst v0  }
0xfe: {  	[tilespmem:$0xBD8] =	vst v0  }
0xff: {  	[tilespmem:$0xBE8] =	vst v0  }
0x100: {  	[tilespmem:$0xBF8] =	vst v0  }
0x101: {  	[tilespmem:$0xC08] =	vst v0  }
0x102: {  	[tilespmem:$0xC18] =	vst v0  }
0x103: {  	[tilespmem:$0xC28] =	vst v0  }
0x104: {  	[tilespmem:$0xC38] =	vst v0  }
0x105: {  	[tilespmem:$0xC48] =	vst v0  }
0x106: {  	[tilespmem:$0xC58] =	vst v0  }
0x107: {  	[tilespmem:$0xC68] =	vst v0  }
0x108: {  	[tilespmem:$0xC78] =	vst v0  }
0x109: {  	[tilespmem:$0xC88] =	vst v0  }
0x10a: {  	[tilespmem:$0xC98] =	vst v0  }
0x10b: {  	[tilespmem:$0xCA8] =	vst v0  }
0x10c: {  	[tilespmem:$0xCB8] =	vst v0  }
0x10d: {  	[tilespmem:$0xCC8] =	vst v0  }
0x10e: {  	[tilespmem:$0xCD8] =	vst v0  }
0x10f: {  	[tilespmem:$0xCE8] =	vst v0  }
0x110: {  	[tilespmem:$0xCF8] =	vst v0  }
0x111: {  	[tilespmem:$0xD08] =	vst v0  }
0x112: {  	[tilespmem:$0xD18] =	vst v0  }
0x113: {  	[tilespmem:$0xD28] =	vst v0  }
0x114: {  	[tilespmem:$0xD38] =	vst v0  }
0x115: {  	[tilespmem:$0xD48] =	vst v0  }
0x116: {  	[tilespmem:$0xD58] =	vst v0  }
0x117: {  	[tilespmem:$0xD68] =	vst v0  }
0x118: {  	[tilespmem:$0xD78] =	vst v0  }
0x119: {  	[tilespmem:$0xD88] =	vst v0  }
0x11a: {  	[tilespmem:$0xD98] =	vst v0  }
0x11b: {  	[tilespmem:$0xDA8] =	vst v0  }
0x11c: {  	[tilespmem:$0xDB8] =	vst v0  }
0x11d: {  	[tilespmem:$0xDC8] =	vst v0  }
0x11e: {  	[tilespmem:$0xDD8] =	vst v0  }
0x11f: {  	[tilespmem:$0xDE8] =	vst v0  }
0x120: {  	[tilespmem:$0xDF8] =	vst v0  }
0x121: {  	[tilespmem:$0xE08] =	vst v0  }
0x122: {  	[tilespmem:$0xE18] =	vst v0  }
0x123: {  	[tilespmem:$0xE28] =	vst v0  }
0x124: {  	[tilespmem:$0xE38] =	vst v0  }
0x125: {  	[tilespmem:$0xE48] =	vst v0  }
0x126: {  	[tilespmem:$0xE58] =	vst v0  }
0x127: {  	[tilespmem:$0xE68] =	vst v0  }
0x128: {  	[tilespmem:$0xE78] =	vst v0  }
0x129: {  	[tilespmem:$0xE88] =	vst v0  }
0x12a: {  	[tilespmem:$0xE98] =	vst v0  }
0x12b: {  	[tilespmem:$0xEA8] =	vst v0  }
0x12c: {  	[tilespmem:$0xEB8] =	vst v0  }
0x12d: {  	[tilespmem:$0xEC8] =	vst v0  }
0x12e: {  	[tilespmem:$0xED8] =	vst v0  }
0x12f: {  	[tilespmem:$0xEE8] =	vst v0  }
0x130: {  	[tilespmem:$0xEF8] =	vst v0  }
0x131: {  	[tilespmem:$0xF08] =	vst v0  }
0x132: {  	[tilespmem:$0xF18] =	vst v0  }
0x133: {  	[tilespmem:$0xF28] =	vst v0  }
0x134: {  	[tilespmem:$0xF38] =	vst v0  }
0x135: {  	[tilespmem:$0xF48] =	vst v0  }
0x136: {  	[tilespmem:$0xF58] =	vst v0  }
0x137: {  	[tilespmem:$0xF68] =	vst v0  }
0x138: {  	[tilespmem:$0xF78] =	vst v0  }
0x139: {  	[tilespmem:$0xF88] =	vst v0  }
0x13a: {  	[tilespmem:$0xF98] =	vst v0  }
0x13b: {  	[tilespmem:$0xFA8] =	vst v0  }
0x13c: {  	[tilespmem:$0xFB8] =	vst v0  }
0x13d: {  	[tilespmem:$0xFC8] =	vst v0  }
0x13e: {  	[tilespmem:$0xFD8] =	vst v0  }
0x13f: {  	[tilespmem:$0xFE8] =	vst v0  }
0x140: {  	[tilespmem:$0xFF8] =	vst v0  }
0x141: {  	[tilespmem:$0x1028] =	vst v0  }
0x142: {  	[tilespmem:$0x10E8] =	vst v0  }
0x143: {  	[tilespmem:$0x1068] =	vst v0  }
0x144: {  	[tilespmem:$0x1B28] =	vst v0  }
0x145: {  	[tilespmem:$0x1B18] =	vst v0  }
0x146: {  	[tilespmem:$0x1B08] =	vst v0  }
0x147: {  	[tilespmem:$0x1AF8] =	vst v0  }
0x148: {  	[tilespmem:$0x1AE8] =	vst v0  }
0x149: {  	[tilespmem:$0x1AD8] =	vst v0  }
0x14a: {  	[tilespmem:$0x1AC8] =	vst v0  }
0x14b: {  	[tilespmem:$0x1AB8] =	vst v0  }
0x14c: {  	[tilespmem:$0x1AA8] =	vst v0  }
0x14d: {  	[tilespmem:$0x1A98] =	vst v0  }
0x14e: {  	[tilespmem:$0x1A88] =	vst v0  }
0x14f: {  	[tilespmem:$0x1A78] =	vst v0  }
0x150: {  	[tilespmem:$0x1A68] =	vst v0  }
0x151: {  	[tilespmem:$0x1A58] =	vst v0  }
0x152: {  	[tilespmem:$0x1A48] =	vst v0  }
0x153: {  	[tilespmem:$0x1A38] =	vst v0  }
0x154: {  	[tilespmem:$0x1A28] =	vst v0  }
0x155: {  	[tilespmem:$0x1A18] =	vst v0  }
0x156: {  	[tilespmem:$0x1A08] =	vst v0  }
0x157: {  	[tilespmem:$0x19F8] =	vst v0  }
0x158: {  	[tilespmem:$0x19E8] =	vst v0  }
0x159: {  	[tilespmem:$0x19D8] =	vst v0  }
0x15a: {  	[tilespmem:$0x19C8] =	vst v0  }
0x15b: {  	[tilespmem:$0x19B8] =	vst v0  }
0x15c: {  	[tilespmem:$0x19A8] =	vst v0  }
0x15d: {  	[tilespmem:$0x1998] =	vst v0  }
0x15e: {  	[tilespmem:$0x1988] =	vst v0  }
0x15f: {  	[tilespmem:$0x1978] =	vst v0  }
0x160: {  	[tilespmem:$0x1968] =	vst v0  }
0x161: {  	[tilespmem:$0x1958] =	vst v0  }
0x162: {  	[tilespmem:$0x1948] =	vst v0  }
0x163: {  	[tilespmem:$0x1938] =	vst v0  }
0x164: {  	[tilespmem:$0x1928] =	vst v0  }
0x165: {  	[tilespmem:$0x1918] =	vst v0  }
0x166: {  	[tilespmem:$0x1908] =	vst v0  }
0x167: {  	[tilespmem:$0x18F8] =	vst v0  }
0x168: {  	[tilespmem:$0x18E8] =	vst v0  }
0x169: {  	[tilespmem:$0x18D8] =	vst v0  }
0x16a: {  	[tilespmem:$0x18C8] =	vst v0  }
0x16b: {  	[tilespmem:$0x18B8] =	vst v0  }
0x16c: {  	[tilespmem:$0x18A8] =	vst v0  }
0x16d: {  	[tilespmem:$0x1898] =	vst v0  }
0x16e: {  	[tilespmem:$0x1888] =	vst v0  }
0x16f: {  	[tilespmem:$0x1878] =	vst v0  }
0x170: {  	[tilespmem:$0x1868] =	vst v0  }
0x171: {  	[tilespmem:$0x1858] =	vst v0  }
0x172: {  	[tilespmem:$0x1848] =	vst v0  }
0x173: {  	[tilespmem:$0x1838] =	vst v0  }
0x174: {  	[tilespmem:$0x1828] =	vst v0  }
0x175: {  	[tilespmem:$0x1818] =	vst v0  }
0x176: {  	[tilespmem:$0x1808] =	vst v0  }
0x177: {  	[tilespmem:$0x17F8] =	vst v0  }
0x178: {  	[tilespmem:$0x17E8] =	vst v0  }
0x179: {  	[tilespmem:$0x17D8] =	vst v0  }
0x17a: {  	[tilespmem:$0x17C8] =	vst v0  }
0x17b: {  	[tilespmem:$0x17B8] =	vst v0  }
0x17c: {  	[tilespmem:$0x17A8] =	vst v0  }
0x17d: {  	[tilespmem:$0x1798] =	vst v0  }
0x17e: {  	[tilespmem:$0x1788] =	vst v0  }
0x17f: {  	[tilespmem:$0x1778] =	vst v0  }
0x180: {  	[tilespmem:$0x1768] =	vst v0  }
0x181: {  	[tilespmem:$0x1758] =	vst v0  }
0x182: {  	[tilespmem:$0x1748] =	vst v0  }
0x183: {  	[tilespmem:$0x1738] =	vst v0  }
0x184: {  	[tilespmem:$0x1728] =	vst v0  }
0x185: {  	[tilespmem:$0x1718] =	vst v0  }
0x186: {  	[tilespmem:$0x1708] =	vst v0  }
0x187: {  	[tilespmem:$0x16F8] =	vst v0  }
0x188: {  	[tilespmem:$0x16E8] =	vst v0  }
0x189: {  	[tilespmem:$0x16D8] =	vst v0  }
0x18a: {  	[tilespmem:$0x16C8] =	vst v0  }
0x18b: {  	[tilespmem:$0x16B8] =	vst v0  }
0x18c: {  	[tilespmem:$0x16A8] =	vst v0  }
0x18d: {  	[tilespmem:$0x1698] =	vst v0  }
0x18e: {  	[tilespmem:$0x1688] =	vst v0  }
0x18f: {  	[tilespmem:$0x1678] =	vst v0  }
0x190: {  	[tilespmem:$0x1668] =	vst v0  }
0x191: {  	[tilespmem:$0x1658] =	vst v0  }
0x192: {  	[tilespmem:$0x1648] =	vst v0  }
0x193: {  	[tilespmem:$0x1638] =	vst v0  }
0x194: {  	[tilespmem:$0x1628] =	vst v0  }
0x195: {  	[tilespmem:$0x1618] =	vst v0  }
0x196: {  	[tilespmem:$0x1608] =	vst v0  }
0x197: {  	[tilespmem:$0x15F8] =	vst v0  }
0x198: {  	[tilespmem:$0x15E8] =	vst v0  }
0x199: {  	[tilespmem:$0x15D8] =	vst v0  }
0x19a: {  	[tilespmem:$0x15C8] =	vst v0  }
0x19b: {  	[tilespmem:$0x15B8] =	vst v0  }
0x19c: {  	[tilespmem:$0x15A8] =	vst v0  }
0x19d: {  	[tilespmem:$0x1598] =	vst v0  }
0x19e: {  	[tilespmem:$0x1588] =	vst v0  }
0x19f: {  	[tilespmem:$0x1578] =	vst v0  }
0x1a0: {  	[tilespmem:$0x1568] =	vst v0  }
0x1a1: {  	[tilespmem:$0x1558] =	vst v0  }
0x1a2: {  	[tilespmem:$0x1548] =	vst v0  }
0x1a3: {  	[tilespmem:$0x1538] =	vst v0  }
0x1a4: {  	[tilespmem:$0x1528] =	vst v0  }
0x1a5: {  	[tilespmem:$0x1518] =	vst v0  }
0x1a6: {  	[tilespmem:$0x1508] =	vst v0  }
0x1a7: {  	[tilespmem:$0x14F8] =	vst v0  }
0x1a8: {  	[tilespmem:$0x14E8] =	vst v0  }
0x1a9: {  	[tilespmem:$0x14D8] =	vst v0  }
0x1aa: {  	[tilespmem:$0x14C8] =	vst v0  }
0x1ab: {  	[tilespmem:$0x14B8] =	vst v0  }
0x1ac: {  	[tilespmem:$0x14A8] =	vst v0  }
0x1ad: {  	[tilespmem:$0x1498] =	vst v0  }
0x1ae: {  	[tilespmem:$0x1488] =	vst v0  }
0x1af: {  	[tilespmem:$0x1478] =	vst v0  }
0x1b0: {  	[tilespmem:$0x1468] =	vst v0  }
0x1b1: {  	[tilespmem:$0x1458] =	vst v0  }
0x1b2: {  	[tilespmem:$0x1448] =	vst v0  }
0x1b3: {  	[tilespmem:$0x1438] =	vst v0  }
0x1b4: {  	[tilespmem:$0x1428] =	vst v0  }
0x1b5: {  	[tilespmem:$0x1418] =	vst v0  }
0x1b6: {  	[tilespmem:$0x1408] =	vst v0  }
0x1b7: {  	[tilespmem:$0x13F8] =	vst v0  }
0x1b8: {  	[tilespmem:$0x13E8] =	vst v0  }
0x1b9: {  	[tilespmem:$0x13D8] =	vst v0  }
0x1ba: {  	[tilespmem:$0x13C8] =	vst v0  }
0x1bb: {  	[tilespmem:$0x13B8] =	vst v0  }
0x1bc: {  	[tilespmem:$0x13A8] =	vst v0  }
0x1bd: {  	[tilespmem:$0x1398] =	vst v0  }
0x1be: {  	[tilespmem:$0x1388] =	vst v0  }
0x1bf: {  	[tilespmem:$0x1378] =	vst v0  }
0x1c0: {  	[tilespmem:$0x1368] =	vst v0  }
0x1c1: {  	[tilespmem:$0x1358] =	vst v0  }
0x1c2: {  	[tilespmem:$0x1348] =	vst v0  }
0x1c3: {  	[tilespmem:$0x1338] =	vst v0  }
0x1c4: {  	[tilespmem:$0x1328] =	vst v0  }
0x1c5: {  	[tilespmem:$0x1318] =	vst v0  }
0x1c6: {  	[tilespmem:$0x1308] =	vst v0  }
0x1c7: {  	[tilespmem:$0x12F8] =	vst v0  }
0x1c8: {  	[tilespmem:$0x12E8] =	vst v0  }
0x1c9: {  	[tilespmem:$0x12D8] =	vst v0  }
0x1ca: {  	[tilespmem:$0x12C8] =	vst v0  }
0x1cb: {  	[tilespmem:$0x12B8] =	vst v0  }
0x1cc: {  	[tilespmem:$0x12A8] =	vst v0  }
0x1cd: {  	[tilespmem:$0x1298] =	vst v0  }
0x1ce: {  	[tilespmem:$0x1288] =	vst v0  }
0x1cf: {  	[tilespmem:$0x1278] =	vst v0  }
0x1d0: {  	[tilespmem:$0x1268] =	vst v0  }
0x1d1: {  	[tilespmem:$0x1258] =	vst v0  }
0x1d2: {  	[tilespmem:$0x1248] =	vst v0  }
0x1d3: {  	[tilespmem:$0x1238] =	vst v0  }
0x1d4: {  	[tilespmem:$0x1228] =	vst v0  }
0x1d5: {  	[tilespmem:$0x1218] =	vst v0  }
0x1d6: {  	[tilespmem:$0x1208] =	vst v0  }
0x1d7: {  	[tilespmem:$0x11F8] =	vst v0  }
0x1d8: {  	[tilespmem:$0x11E8] =	vst v0  }
0x1d9: {  	[tilespmem:$0x11D8] =	vst v0  }
0x1da: {  	[tilespmem:$0x11C8] =	vst v0  }
0x1db: {  	[tilespmem:$0x11B8] =	vst v0  }
0x1dc: {  	[tilespmem:$0x11A8] =	vst v0  }
0x1dd: {  	[tilespmem:$0x1198] =	vst v0  }
0x1de: {  	[tilespmem:$0x1188] =	vst v0  }
0x1df: {  	[tilespmem:$0x1178] =	vst v0  }
0x1e0: {  	[tilespmem:$0x1168] =	vst v0  }
0x1e1: {  	[tilespmem:$0x1158] =	vst v0  }
0x1e2: {  	[tilespmem:$0x1148] =	vst v0  }
0x1e3: {  	[tilespmem:$0x1138] =	vst v0  }
0x1e4: {  	[tilespmem:$0x1128] =	vst v0  }
0x1e5: {  	[tilespmem:$0x1118] =	vst v0  }
0x1e6: {  	s4 =	stileid.u32;
	[tilespmem:$0x1108] =	vst v0  }
0x1e7: {  	s0 =	smul.u32 $0x9, s4;
	[tilespmem:$0x10F8] =	vst v0  }
0x1e8: {  	s1 =	smin.u32 s4, $0xD;
	[tilespmem:$0x10C8] =	vst v0  }
0x1e9: {  	[tilespmem:$0x10D8] =	vst v0;
	s0 =	sadd.s32 s1, s0  }
0x1ea: {  	p0 =	slt.u32 s4, $0xD;
	[tilespmem:$0x10B8] =	vst v0;
	s1 =	simm.s32 $0x10E0;
	s6 =	smul.u32 $0x1B0, s0  }
0x1eb: {  	s1 =	simm.s32 @!p0 $0xF30;
	[tilespmem:$0x1038] =	vst v0  }
0x1ec: {  	[tilespmem:$0x10A8] =	vst v0;
	s0 =	sadd.s32 s1, s6  }
0x1ed: {  	s3 =	simm.s32 $0x2;
	s8 =	simm.s32 $0x9;
	[tilespmem:$0x1098] =	vst v0;
	s7 =	smin.u32 s0, $0x10800  }
0x1ee: {  	s10 =	simm.s32 $0xA;
	s30 =	simm.s32 $0xB;
	[tilespmem:$0x1088] =	vst v0;
	s0 =	ssub.s32 s7, s6  }
0x1ef: {  	s16 =	simm.s32 $0x0;
	p4 =	por $0x0, $0x0;
	[tilespmem:$0x1078] =	vst v0;
	p0 =	sgt.s32 s0, $0x0  }
0x1f0: {  	s17 =	simm.s32 $0xC;
	s21 =	simm.s32 $0x0;
	[tilespmem:$0x1058] =	vst v0;
	s0 =	simm.s32 @!p0 $0x0  }
0x1f1: {  	s18 =	simm.s32 $0x0;
	s2 =	sand.u32 $0x1, s2;
	[tilespmem:$0x1048] =	vst v0;
	s29 =	smulhi.u32 $0x4BDA12F7, s0  }
0x1f2: {  	s20 =	simm.s32 $0x0;
	s31 =	sshll.u32 s4, $0x5;
	[tilespmem:$0x1018] =	vst v0;
	[dreg:$0x5] =	wrdreg s2  }
0x1f3: {  	s2 =	smul.u32 $0x2100, s2;
	[tilespmem:$0x1008] =	vst v0;
	[sflag:s3] =	ssyncpa.u1 $0x0;
	s1 =	sshrl.u32 s29, $0x7  }
0x1f4: {  	v0 =	vimm.s32 $0xFFFFFFFF;
	s3 =	sadd.s32 $0x23F600, s11;
	[dreg:$0x4] =	wrdreg s31;
	s5 =	smul.u32 $0x1B0, s1  }
.Ltmp5:
0x1f5: {  	[tilespmem:$0x3648] =	vst v0;
	[sflag:s8] =	ssyncpa.u1 $0x0;
	s2 =	sadd.s32 s2, s11;
	(pc) =	sbr.rel .LBB3_1-.Ltmp5, $4  }
0x1f6: {  	[sflag:s10] =	ssyncpa.u1 $0x0;
	s11 =	sadd.s32 $0x1F600, s11;
	p0 =	sne.s32 s0, s5  }
0x1f7: {  	[sflag:s30] =	ssyncpa.u1 $0x0;
	s14 =	sadd.s32 $0x1B400, s2;
	s12 =	simm.s32 @!p0 $0x0  }
0x1f8: {  	s15 =	sadd.s32 $0x17200, s2;
	s19 =	smov.u32 s6;
	s12 =	sadd.s32 s12, s1  }
0x1f9: {  	v0 =	vlaneseq.u32;
	[dreg:$0x6] =	wrdreg s6;
	p0 =	por $0x1, $0x1;
	s4 =	sadd.s32 $0x1, s12  }
.LBB3_18:
0x1fa: {  	s0 =	simm.s32 $0x2  }
0x1fb: {  	_ =	swait.ge [sflag:s0], $0x0  }
0x1fc: {  	[sflag:s0] =	ssyncset.done $0x0;
	s0 =	simm.s32 $0x0  }
.LBB3_19:
0x1fd: {  	_ =	swait.ge [sflag:s17], s0  }
0x1fe: {  	s31 =	ssub.s32 $0x0, s0;
	v1 =	vmov s23;
	vm0 =	veq.s32 v0, $0x0;
	[sflag:s17] =	ssyncset.done $0x0  }
0x1ff: {  	vm15 =	veq.s32 v0, $0x2;
	v1 =	vsel vm0, s28, v1;
	[sflag:s17] =	ssyncadd.s32 s31  }
0x200: {  	v1 =	vsel vm15, s21, v1;
	[sflag:s17] =	ssyncpa.u1 $0x1  }
0x201: {  	[tilespmem:$0x3648] =	vst v1  }
.LBB3_20:
0x202: {  	s0 =	sadd.s32 $0x1B0, s19  }
0x203: {  	s1 =	smov.u32 s6;
	p1 =	slt.s32 s0, s7  }
0x204: {  	s1 =	smov.u32 @p1 s0;
	p1 =	sne.s32 s20, s4  }
.Ltmp6:
0x205: {  	_ = 	snop;
	(pc) =	sbr.rel @!p1 .LBB3_21-.Ltmp6, $4  }
0x206: {  	_ = 	snop  }
0x207: {  	s21 =	smov.u32 s18  }
0x208: {  	s31 =	sadd.s32 $0x1, s20;
	s18 =	smov.u32 s19;
	p0 =	por !p0, !p0  }
0x209: {  	p4 =	por !p4, !p4;
	s20 =	smov.u32 s31;
	s19 =	smov.u32 s1  }
.LBB3_1:
0x20a: {  	p2 =	sge.u32 s20, s12  }
0x20b: {  	s0 =	smulhi.u32 @!p2 $0xAAAAAAAB, s20  }
0x20c: {  	s1 =	smov.u32 s19;
	p3 =	sgt.s32 @!p2 s19, $0x10650  }
0x20d: {  	s2 =	sshra.s32 @!p2 s19, $0x1F;
	p3 =	por !p3, p2;
	s0 =	sshrl.u32 @!p2 s0, $0x1  }
0x20e: {  	s2 =	sand.u32 @!p2 s2, s19;
	s1 =	simm.s32 @p3 $0x10650;
	s0 =	smul.u32 @!p2 $0x3, s0  }
0x20f: {  	s1 =	ssub.s32 @!p2 s1, s2  }
0x210: {  	s23 =	sadd.s32 $0xFFFFFFFF, s20;
	s1 =	sadd.s32 @!p2 $0xFFFEF9B0, s1;
	s0 =	ssub.s32 @!p2 s20, s0  }
0x211: {  	s2 =	sshll.u32 @!p2 s1, $0x2;
	p3 =	sgt.s32 @!p2 s1, $0x1AF;
	s0 =	smul.u32 @!p2 $0x6C0, s0  }
0x212: {  	s5 =	sand.u32 @!p2 $0x7, s19;
	s1 =	ssub.s32 @!p2 $0x6C0, s2;
	p3 =	por !p3, p2  }
0x213: {  	s2 =	sshrl.u32 @!p2 s19, $0x3;
	s1 =	sshrl.u32 @!p2 s1, $0x2;
	s0 =	sshrl.u32 @!p2 s0, $0x2  }
0x214: {  	s2 =	sadd.s32 @!p2 s2, s14;
	s1 =	simm.s32 @!p3 $0x0;
	s0 =	sadd.s32 @!p2 $0x3888, s0  }
0x215: {  	[tilespmem:s0], [sflag:$0xA] =	stream.linear.gather @!p2 [hbm4b:s2+s5], s1, $0x38;
	[tilespmem:$0x1F0F8] =	vst v63  }
0x216: {  	p2 =	sge.u32 s23, s12  }
0x217: {  	p3 =	sgt.s32 @!p2 s18, $0x10650  }
0x218: {  	s0 =	smov.u32 s18;
	s1 =	sshra.s32 @!p2 s18, $0x1F;
	p3 =	por !p3, p2  }
0x219: {  	s1 =	sand.u32 @!p2 s1, s18;
	s0 =	simm.s32 @p3 $0x10650  }
0x21a: {  	s0 =	ssub.s32 @!p2 s0, s1  }
0x21b: {  	s0 =	sadd.s32 @!p2 $0xFFFEF9B0, s0  }
0x21c: {  	s1 =	sshll.u32 @!p2 s0, $0x2  }
0x21d: {  	p3 =	sgt.s32 @!p2 s0, $0x1AF;
	s0 =	ssub.s32 @!p2 $0x6C0, s1  }
0x21e: {  	s22 =	ssub.s32 @!p2 $0x10800, s18;
	p3 =	por !p3, p2;
	s0 =	sshrl.u32 @!p2 s0, $0x2  }
0x21f: {  	s1 =	sand.u32 @!p2 $0x1, s23;
	s0 =	simm.s32 @!p3 $0x0;
	p3 =	slt.s32 @!p2 s22, $0x1  }
0x220: {  	s2 =	simm.s32 @!p2 $0xA;
	s1 =	smul.u32 @!p2 $0x6C0, s1;
	p3 =	por p2, p3  }
.Ltmp7:
0x221: {  	_ =	swait.ge @!p2 [sflag:s2], s0;
	(pc) =	sbr.rel @p3 .LBB3_7-.Ltmp7, $4  }
0x222: {  	s5 =	ssub.s32 @!p2 $0x0, s0;
	[sflag:s2] =	ssyncset.done @!p2 $0x0  }
0x223: {  	s1 =	sshrl.u32 @!p2 s1, $0x2;
	[sflag:s2] =	ssyncadd.s32 @!p2 s5;
	s2 =	sshrl.u32 @!p2 s18, $0x3  }
0x224: {  	s1 =	sadd.s32 @!p2 $0x3D98, s1;
	s5 =	sand.u32 @!p2 $0x7, s18;
	s2 =	sadd.s32 @!p2 s2, s15  }
0x225: {  	[tilespmem:s1], [sflag:$0xB] =	stream.linear.gather @!p2 [hbm4b:s2+s5], s0, $0x38;
	[tilespmem:$0x1F0F8] =	vst v63  }
0x226: {  	s0 =	smulhi.u32 $0xAAAAAAAB, s23;
	_ =	sdelay $0x1  }
0x227: {  	s0 =	sshrl.u32 s0, $0x1  }
0x228: {  	s0 =	smul.u32 $0x3, s0;
	_ =	sdelay $0x1  }
0x229: {  	s0 =	ssub.s32 s23, s0  }
0x22a: {  	s1 =	simm.s32 $0x1;
	s0 =	smul.u32 $0x6C0, s0  }
.Ltmp8:
0x22b: {  	s1 =	simm.s32 @!p0 $0x0;
	(pc) =	sbr.rel .LBB3_4-.Ltmp8, $4  }
0x22c: {  	s1 =	smul.u32 $0x36000, s1  }
0x22d: {  	p3 =	slt.s32 @!p2 s22, $0x1B0;
	s0 =	sshrl.u32 s0, $0x2  }
0x22e: {  	p2 =	por !p3, p2;
	s1 =	sshrl.u32 s1, $0x2;
	s0 =	sadd.s32 $0x3888, s0  }
0x22f: {  	s24 =	simm.s32 $0x0;
	s22 =	simm.s32 @p2 $0x1B0;
	s23 =	sadd.s32 $0x40F8, s1;
	v1 =	vmov s0  }
.LBB3_3:
0x230: {  	p2 =	sge.s32 s24, s22  }
.Ltmp9:
0x231: {  	_ = 	snop;
	(pc) =	sbr.rel @p2 .LBB3_7-.Ltmp9, $2  }
0x232: {  	_ =	sdelay $0x2  }
0x233: {  	s23 =	sadd.s32 $0x800, s23  }
.LBB3_4:
0x234: {  	p2 =	sle.s32 s22, s24  }
.Ltmp10:
0x235: {  	_ = 	snop;
	(pc) =	sbr.rel @p2 .LBB3_3-.Ltmp10, $2  }
0x236: {  	_ =	sdelay $0x2  }
0x237: {  	s0 =	smov.u32 s24;
	s24 =	sadd.s32 $0x10, s24  }
0x238: {  	s1 =	ssub.s32 s22, s0  }
0x239: {  	p2 =	slt.s32 s1, $0x10  }
0x23a: {  	s1 =	simm.s32 @!p2 $0x10  }
0x23b: {  	v2 =	vmov s1  }
0x23c: {  	vm0 =	vgt.s32 v2, v0;
	_ =	sdelay $0x5  }
0x23d: {  	v2 =	vld.idx.msk [tilespmem:v1+s0+$0x0 ss:$0x1], vm0;
	_ =	sdelay $0x2  }
0x23e: {  	p2 =	slt.s32 s24, s22;
	s1 =	smov.u32 s22  }
0x23f: {  	s2 =	smov.u32 s23;
	s25 =	simm.s32 $0x0;
	s1 =	smov.u32 @p2 s24  }
.LBB3_6:
0x240: {  	(v2sf) =	vpush v2, s25;
	_ =	sdelay $0xc  }
0x241: {  	s25 =	sadd.s32 $0x1, s25  }
0x242: {  	s31 =	sadd.s32 s25, s0  }
0x243: {  	p2 =	slt.s32 s31, s1;
	s5 =	spop (v2sf)  }
.Ltmp11:
0x244: {  	s5 =	sshll.u32 s5, $0x4;
	(pc) =	sbr.rel @p2 .LBB3_6-.Ltmp11, $4  }
0x245: {  	s5 =	sand.u32 $0x1FFFFFF0, s5  }
0x246: {  	s5 =	sadd.s32 s11, s5  }
0x247: {  	[tilespmem:s2], [sflag:$0x9] =	stream.linear.gather [hbm4b:s5+s16], $0x4, $0x38;
	[tilespmem:$0x1F0F8] =	vst v63  }
0x248: {  	s2 =	sadd.s32 $0x80, s2  }
.Ltmp12:
0x249: {  	_ = 	snop;
	(pc) =	sbr.rel .LBB3_3-.Ltmp12, $1  }
0x24a: {  	_ =	sdelay $0x3  }
.LBB3_7:
0x24b: {  	p2 =	slt.u32 s20, $0x2  }
.Ltmp13:
0x24c: {  	_ = 	snop;
	(pc) =	sbr.rel @p2 .LBB3_20-.Ltmp13, $1  }
0x24d: {  	_ =	sdelay $0x3  }
0x24e: {  	p2 =	sgt.s32 s21, $0x10650  }
0x24f: {  	s0 =	smov.u32 s21;
	s1 =	sshra.s32 s21, $0x1F;
	s2 =	ssub.s32 $0x10800, s21  }
0x250: {  	s0 =	simm.s32 @!p2 $0x10650;
	s1 =	sand.u32 s1, s21;
	p2 =	slt.s32 s2, $0x1B0  }
0x251: {  	s0 =	ssub.s32 s0, s1;
	s2 =	simm.s32 @!p2 $0x1B0  }
0x252: {  	s0 =	sadd.s32 $0xFFFEF9B0, s0;
	s24 =	sshll.u32 s2, $0x2  }
0x253: {  	s28 =	simm.s32 $0x9;
	s25 =	sshll.u32 s0, $0x2;
	s1 =	sand.u32 $0x3FFFFFFC, s24  }
0x254: {  	p2 =	sgt.s32 s0, $0x1AF;
	s26 =	ssub.s32 $0x6C0, s25;
	_ =	swait.ge [sflag:s28], s1  }
0x255: {  	s1 =	ssub.s32 $0x0, s1;
	[sflag:s28] =	ssyncset.done $0x0;
	s0 =	sshrl.u32 s26, $0x2  }
0x256: {  	s30 =	simm.s32 $0xB;
	[sflag:s28] =	ssyncadd.s32 s1;
	s0 =	simm.s32 @p2 $0x0  }
0x257: {  	_ =	swait.ge [sflag:s30], s0  }
0x258: {  	s0 =	ssub.s32 $0x0, s0;
	[sflag:s30] =	ssyncset.done $0x0  }
0x259: {  	[sflag:s30] =	ssyncadd.s32 s0  }
0x25a: {  	v1 =	vld [tilespmem:$0x3648];
	_ =	sdelay $0x4  }
0x25b: {  	(v2sf) =	vpush v1, $0x0  }
0x25c: {  	(v2sf) =	vpush v1, $0x1  }
0x25d: {  	(v2sf) =	vpush v1, $0x2;
	_ =	sdelay $0x3  }
0x25e: {  	s0 =	sadd.s32 $0x1B0, s21  }
0x25f: {  	s1 =	ssub.s32 $0x21000, s21;
	p2 =	slt.s32 s7, s0  }
0x260: {  	s0 =	smov.u32 @p2 s7;
	p2 =	sgt.s32 s1, $0x0  }
0x261: {  	s25 =	ssub.s32 s0, s21;
	s1 =	simm.s32 @!p2 $0x0  }
0x262: {  	p2 =	slt.s32 s1, s25  }
0x263: {  	s25 =	smov.u32 @p2 s1  }
0x264: {  	s24 =	simm.s32 $0x1;
	p2 =	slt.s32 s25, $0x1  }
.Ltmp14:
0x265: {  	s24 =	simm.s32 @!p4 $0x0;
	(pc) =	sbr.rel @p2 .LBB3_12-.Ltmp14, $4  }
0x266: {  	s31 =	smul.u32 $0x6C0, s24  }
0x267: {  	s26 =	spop (v2sf)  }
0x268: {  	s0 =	sshrl.u32 s31, $0x2;
	s29 =	spop (v2sf)  }
0x269: {  	s22 =	sadd.s32 $0x3D98, s0;
	s21 =	spop (v2sf)  }
0x26a: {  	s0 =	smin.u32 s25, $0x10  }
0x26b: {  	v1 =	vmov s0  }
0x26c: {  	p3 =	sgt.s32 s25, $0x10;
	vm1 =	vgt.u32 v1, v0  }
.Ltmp15:
0x26d: {  	_ = 	snop;
	(pc) =	sbr.rel @!p3 .LBB3_11-.Ltmp15, $2  }
0x26e: {  	_ =	sdelay $0x2  }
0x26f: {  	s23 =	simm.s32 $0x10;
	s28 =	sadd.s32 $0xFFFFFFF0, s25;
	s0 =	smov.u32 s22;
	vm0 =	vmmov vm1  }
.LBB3_10:
0x270: {  	s1 =	smin.u32 s28, $0x10;
	s23 =	sadd.s32 $0x10, s23;
	v1 =	vld.msk [tilespmem:s0+$0x0 ss:$0x1], vm1  }
0x271: {  	v2 =	vmov s1;
	p3 =	slt.s32 s23, s25  }
0x272: {  	vm1 =	vgt.u32 v2, v0  }
.Ltmp16:
0x273: {  	(pc) =	sbr.rel @p3 .LBB3_10-.Ltmp16, $3  }
0x274: {  	_ =	sdelay $0x1  }
0x275: {  	v1 =	vshll.u32 v1, $0x4  }
0x276: {  	s28 =	sadd.s32 $0xFFFFFFF0, s28;
	[tilespmem:s0+$0x0] =	vst.msk vm0, v1;
	s0 =	sadd.s32 $0x10, s0;
	vm0 =	vmmov vm1  }
.LBB3_11:
0x277: {  	_ =	sdelay $0x4  }
0x278: {  	v1 =	vld.msk [tilespmem:s0+$0x0 ss:$0x1], vm1;
	_ =	sdelay $0x4  }
0x279: {  	v1 =	vshll.u32 v1, $0x4  }
0x27a: {  	[tilespmem:s0+$0x0] =	vst.msk vm0, v1  }
.LBB3_12:
0x27b: {  	s0 =	sand.u32 $0x1, s20  }
0x27c: {  	s0 =	smul.u32 $0x1B0, s0  }
0x27d: {  	p3 =	sne.s32 s29, $0xFFFFFFFF  }
0x27e: {  	v1 =	vld.msk @!p3 [tilespmem:s0+$0x3D98], $0x1;
	_ =	sdelay $0x4  }
0x27f: {  	(v2sf) =	vpush @!p3 v1, $0x0;
	_ =	sdelay $0xc  }
.Ltmp17:
0x280: {  	_ = 	snop;
	(pc) =	sbr.rel @p2 .LBB3_18-.Ltmp17, $4  }
0x281: {  	_ = 	snop  }
0x282: {  	s28 =	spop @!p3 (v2sf)  }
0x283: {  	s21 =	simm.s32 @!p3 $0x0;
	s23 =	smov.u32 s28  }
0x284: {  	[sflag:s17] =	ssyncpa.u1 $0x0;
	s28 =	smov.u32 @p3 s26;
	s23 =	smov.u32 @p3 s29  }
0x285: {  	v1 =	vld.msk [tilespmem:s22+$0x0], $0x1;
	_ =	sdelay $0x4  }
0x286: {  	(v2sf) =	vpush v1, $0x0;
	_ =	sdelay $0xe  }
0x287: {  	s0 =	simm.s32 @!p4 $0x0;
	s26 =	smul.u32 $0x36000, s24;
	s31 =	spop (v2sf)  }
0x288: {  	s29 =	ssub.s32 $0x0, s25;
	s0 =	simm.s32 @p4 $0x1;
	p2 =	seq.s32 s28, s31  }
0x289: {  	s1 =	smov.u32 s28;
	[smem:$0x7FD] =	sst s0;
	p3 =	sgt.s32 @!p2 s28, $0x0  }
0x28a: {  	s0 =	sshrl.u32 s26, $0x2;
	s26 =	sadd.s32 $0x1, s29;
	p3 =	por !p3, p2  }
0x28b: {  	s1 =	simm.s32 @p3 $0x0;
	p3 =	seq.s32 s26, $0x0  }
.Ltmp18:
0x28c: {  	_ = 	snop;
	(pc) =	sbr.rel @p3 .LBB3_15-.Ltmp18, $4  }
0x28d: {  	s6 =	smov.u32 s4;
	s25 =	simm.s32 $0x0  }
0x28e: {  	s24 =	sadd.s32 $0x40F8, s0;
	s0 =	simm.s32 @!p2 $0x1;
	s2 =	smin.u32 @!p2 s1, $0xFFFF  }
0x28f: {  	s30 =	sadd.s32 $0x1, s22;
	s0 =	smov.u32 @p2 s25;
	s5 =	sand.u32 @!p2 $0xFFF8, s2  }
0x290: {  	s1 =	simm.s32 @!p2 $0x1B38;
	s2 =	sand.u32 @!p2 $0x7, s2;
	s5 =	sadd.s32 @!p2 s3, s5  }
.LBB3_14:
0x291: {  	s4 =	smov.u32 s0  }
0x292: {  	[tilespmem:s1], [sflag:$0x2] =	stream.linear.gather @!p2 [hbm4b:s5+s2], $0x4, $0x38;
	[tilespmem:$0x1F0F8] =	vst v63  }
0x293: {  	s26 =	sadd.s32 $0x1, s26;
	s2 =	smov.u32 s31;
	v1 =	vld.msk [tilespmem:s30+$0x0], $0x1  }
0x294: {  	p3 =	seq.s32 s26, $0x0;
	_ =	sdelay $0x3  }
0x295: {  	(v2sf) =	vpush v1, $0x0;
	_ =	sdelay $0xe  }
0x296: {  	s31 =	spop (v2sf)  }
0x297: {  	p2 =	seq.s32 s2, s31  }
0x298: {  	p4 =	sgt.s32 @!p2 s2, $0x0;
	s1 =	sshll.u32 @!p2 s0, $0x6;
	s0 =	sadd.s32 @!p2 $0x1, s0  }
.Ltmp19:
0x299: {  	p4 =	por !p4, p2;
	s1 =	sshra.s32 @!p2 s1, $0x2;
	(pc) =	sbr.rel @!p3 .LBB3_14-.Ltmp19, $4  }
0x29a: {  	s0 =	smov.u32 @p2 s4;
	s2 =	simm.s32 @p4 $0x0;
	s1 =	sadd.s32 @!p2 $0x1B38, s1  }
0x29b: {  	s2 =	smin.u32 @!p2 s2, $0xFFFF  }
0x29c: {  	s4 =	sand.u32 @!p2 $0xFFF8, s2;
	s2 =	sand.u32 @!p2 $0x7, s2  }
0x29d: {  	s30 =	sadd.s32 $0x1, s30;
	s5 =	sadd.s32 @!p2 s3, s4  }
.LBB3_15:
0x29e: {  	[tilespmem:s1], [sflag:$0x2] =	stream.linear.gather @!p2 [hbm4b:s5+s2], $0x4, $0x38;
	[tilespmem:$0x1F0F8] =	vst v63  }
0x29f: {  	s0 =	sshll.u32 s0, $0x2  }
0x2a0: {  	s31 =	simm.s32 $0x2;
	s0 =	sand.u32 $0x3FFFFFFC, s0  }
0x2a1: {  	_ =	swait.ge [sflag:s31], s0  }
0x2a2: {  	s0 =	ssub.s32 $0x0, s0;
	[sflag:s31] =	ssyncset.done $0x0  }
0x2a3: {  	[sflag:s31] =	ssyncadd.s32 s0  }
0x2a4: {  	v1 =	vld.msk [tilespmem:s22+$0x0], $0x1;
	_ =	sdelay $0x4  }
0x2a5: {  	(v2sf) =	vpush v1, $0x0;
	_ =	sdelay $0xe  }
0x2a6: {  	s26 =	spop (v2sf)  }
0x2a7: {  	p2 =	sne.s32 s28, s26  }
0x2a8: {  	p4 =	sne.s32 @p2 s28, s23  }
0x2a9: {  	p3 =	por !p4, !p2  }
0x2aa: {  	s0 =	simm.s32 @!p3 $0x0  }
0x2ab: {  	v1 =	vld.msk @!p3 [tilespmem:s0+$0x1B38], $0xf  }
0x2ac: {  	p5 =	sgt.u32 @!p3 s28, $0xFFFF  }
0x2ad: {  	s1 =	sshll.u32 @!p3 s21, $0x6;
	p6 =	por @p2 p5, !p4  }
0x2ae: {  	s1 =	sshra.s32 @!p3 s1, $0x2;
	p1 =	por p6, !p2;
	p6 =	por p4, !p2  }
0x2af: {  	s2 =	sadd.s32 @!p3 $0x28, s1;
	s4 =	sand.u32 @!p1 $0xFFF8, s28;
	s5 =	sshll.u32 @!p6 s21, $0x6  }
0x2b0: {  	s28 =	sand.u32 @!p1 $0x7, s28;
	[tilespmem:s1+$0x28] =	vst.add.f32.msk @!p3 $0xf, v1;
	s1 =	sadd.s32 @!p1 s3, s4;
	s4 =	sshra.s32 @!p6 s5, $0x2  }
0x2b1: {  	[hbm4b:s1+s28] =	stream.linear.scatter @!p1 [tilespmem:s2], [sflag:$0xC], $0x4, $0x38;
	[tilespmem:$0x1F0F8] =	vst v63  }
0x2b2: {  	s0 =	rddreg [dreg:$0x4];
	s1 =	sadd.s32 @!p6 $0x28, s4;
	s2 =	simm.s32 @!p6 $0x1  }
0x2b3: {  	[spmem:s0] =	stream.linear.scatter @!p6 [tilespmem:s1], [sflag:$0x1], $0x4, $0x38;
	[tilespmem:$0x1F0F8] =	vst v63  }
0x2b4: {  	s0 =	sadd.s32 @p2 $0x1, s21;
	_ =	swait.ge @!p6 [sflag:s2], $0x4  }
0x2b5: {  	s1 =	sshrl.u32 @p2 s0, $0x4;
	[sflag:s2] =	ssyncset.done @!p6 $0x0  }
0x2b6: {  	s1 =	smulhi.u32 @p2 $0x97B425F, s1;
	[sflag:s2] =	ssyncadd.s32 @!p6 $0xFFFFFFFC  }
0x2b7: {  	s28 =	sadd.s32 $0x1, s29;
	v1 =	vld.msk @p2 [tilespmem:s24+$0x0], $0xf  }
0x2b8: {  	p1 =	por @p2 !p5, !p4;
	p4 =	seq.s32 s28, $0x0;
	s1 =	smul.u32 @p2 $0x1B0, s1  }
.Ltmp20:
0x2b9: {  	p1 =	por !p1, !p2;
	s2 =	simm.s32 @!p3 $0x0;
	(pc) =	sbr.rel @p4 .LBB3_17-.Ltmp20, $4  }
0x2ba: {  	s4 =	sshll.u32 @!p2 s21, $0x6;
	s2 =	simm.s32 @!p1 $0x10;
	s0 =	ssub.s32 @p2 s0, s1  }
0x2bb: {  	s29 =	simm.s32 $0x0;
	s2 =	sadd.s32 @!p3 $0x0, s2;
	s5 =	sshll.u32 @p2 s0, $0x4  }
0x2bc: {  	s30 =	sshra.s32 @!p2 s4, $0x2;
	s1 =	simm.s32 @p2 $0x1;
	s2 =	smov.u32 @p3 s25;
	[tilespmem:s5+$0x28] =	vst.msk @p2 $0xf, v1  }
0x2bd: {  	s21 =	smov.u32 @p2 s0;
	s29 =	smov.u32 @p2 s2;
	s25 =	smov.u32 @p2 s1;
	v1 =	vld.msk @!p2 [tilespmem:s24+$0x0], $0xf  }
.LBB3_16:
0x2be: {  	_ =	sdelay $0x3  }
0x2bf: {  	s22 =	sadd.s32 $0x1, s22;
	[tilespmem:s30+$0x28] =	vst.add.f32.msk @!p2 $0xf, v1  }
0x2c0: {  	v1 =	vld.msk [tilespmem:s22+$0x0], $0x1;
	_ =	sdelay $0x4  }
0x2c1: {  	(v2sf) =	vpush v1, $0x0;
	_ =	sdelay $0xe  }
0x2c2: {  	s0 =	smov.u32 s26;
	s26 =	spop (v2sf)  }
0x2c3: {  	p2 =	sne.s32 s0, s26  }
0x2c4: {  	p5 =	sne.s32 @p2 s0, s23  }
0x2c5: {  	s4 =	sshll.u32 @!p2 s21, $0x6;
	p4 =	por !p5, !p2  }
0x2c6: {  	s30 =	sshra.s32 @!p2 s4, $0x2;
	s4 =	sshll.u32 @!p4 s25, $0x6  }
0x2c7: {  	s4 =	sshra.s32 @!p4 s4, $0x2  }
0x2c8: {  	p1 =	sgt.u32 @!p4 s0, $0xFFFF;
	v1 =	vld.msk @!p4 [tilespmem:s4+$0x1B38], $0xf  }
0x2c9: {  	s31 =	sshll.u32 @!p4 s21, $0x6;
	p6 =	por @p2 p1, !p5;
	p1 =	por @p2 !p1, !p5  }
0x2ca: {  	s8 =	simm.s32 @!p4 $0x0;
	s31 =	sshra.s32 @!p4 s31, $0x2;
	p1 =	por !p1, !p2  }
0x2cb: {  	p5 =	por p5, !p2;
	s8 =	simm.s32 @!p1 $0x10;
	p1 =	por p6, !p2  }
0x2cc: {  	s4 =	sadd.s32 @!p4 $0x28, s31;
	s13 =	sshll.u32 @!p5 s21, $0x6;
	s10 =	sand.u32 @!p1 $0xFFF8, s0  }
0x2cd: {  	s13 =	sshra.s32 @!p5 s13, $0x2;
	s0 =	sand.u32 @!p1 $0x7, s0;
	s10 =	sadd.s32 @!p1 s3, s10;
	[tilespmem:s31+$0x28] =	vst.add.f32.msk @!p4 $0xf, v1  }
0x2ce: {  	[hbm4b:s10+s0] =	stream.linear.scatter @!p1 [tilespmem:s4], [sflag:$0xC], $0x4, $0x38;
	[tilespmem:$0x1F0F8] =	vst v63  }
0x2cf: {  	s1 =	rddreg [dreg:$0x4];
	s0 =	sadd.s32 @!p5 $0x28, s13;
	s4 =	simm.s32 @!p5 $0x1  }
0x2d0: {  	[spmem:s1] =	stream.linear.scatter @!p5 [tilespmem:s0], [sflag:$0x1], $0x4, $0x38;
	[tilespmem:$0x1F0F8] =	vst v63  }
0x2d1: {  	s2 =	sadd.s32 @p2 $0x1, s21;
	_ =	swait.ge @!p5 [sflag:s4], $0x4  }
0x2d2: {  	s5 =	sshrl.u32 @p2 s2, $0x4;
	[sflag:s4] =	ssyncset.done @!p5 $0x0  }
0x2d3: {  	s24 =	sadd.s32 $0x80, s24;
	s5 =	smulhi.u32 @p2 $0x97B425F, s5;
	[sflag:s4] =	ssyncadd.s32 @!p5 $0xFFFFFFFC  }
0x2d4: {  	s28 =	sadd.s32 $0x1, s28;
	v1 =	vld.msk @p2 [tilespmem:s24+$0x0], $0xf  }
0x2d5: {  	p3 =	seq.s32 s28, $0x0;
	s5 =	smul.u32 @p2 $0x1B0, s5  }
.Ltmp21:
0x2d6: {  	_ = 	snop;
	(pc) =	sbr.rel @!p3 .LBB3_16-.Ltmp21, $4  }
0x2d7: {  	s2 =	ssub.s32 @p2 s2, s5  }
0x2d8: {  	s8 =	sadd.s32 @!p4 s8, s29;
	s5 =	sshll.u32 @p2 s2, $0x4  }
0x2d9: {  	s9 =	sadd.s32 @p2 $0x1, s25;
	s8 =	smov.u32 @p4 s29;
	[tilespmem:s5+$0x28] =	vst.msk @p2 $0xf, v1  }
0x2da: {  	s25 =	smov.u32 @p2 s9;
	s21 =	smov.u32 @p2 s2;
	s29 =	smov.u32 @p2 s8;
	v1 =	vld.msk @!p2 [tilespmem:s24+$0x0], $0xf  }
.LBB3_17:
.Ltmp22:
0x2db: {  	_ = 	snop;
	(pc) =	sbr.rel .LBB3_19-.Ltmp22, $3  }
0x2dc: {  	s1 =	sld [smem:$0x7FD];
	_ =	sdelay $0x1  }
0x2dd: {  	s0 =	sshrl.u32 s29, $0x2;
	s28 =	smov.u32 s26  }
0x2de: {  	s4 =	smov.u32 s6;
	s6 =	rddreg [dreg:$0x6];
	p4 =	seq.s32 s1, $0x1;
	[tilespmem:s30+$0x28] =	vst.add.f32.msk @!p2 $0xf, v1  }
.LBB3_21:
0x2df: {  	_ =	sfence.sel $0x180000  }
0x2e0: {  	s0 =	simm.s32 $0x9;
	[bflag:$0x0] =	sbarrier.arrive $0xFFFF  }
0x2e1: {  	s24 =	simm.s32 $0xA;
	[sflag:s0] =	ssyncpa.u1 $0x1  }
0x2e2: {  	s25 =	simm.s32 $0xB;
	[sflag:s24] =	ssyncpa.u1 $0x1  }
0x2e3: {  	s26 =	simm.s32 $0x2;
	[sflag:s25] =	ssyncpa.u1 $0x1  }
0x2e4: {  	[sflag:s26] =	ssyncpa.u1 $0x1  }
0x2e5: {  	v0 =	vld [tilespmem:$0x3648];
	_ =	sdelay $0x4  }
0x2e6: {  	(v2sf) =	vpush v0, $0x0  }
0x2e7: {  	(v2sf) =	vpush v0, $0x1;
	_ =	sdelay $0x1  }
0x2e8: {  	(v2sf) =	vpush v0, $0x2;
	_ =	sdelay $0xb  }
0x2e9: {  	s0 =	spop (v2sf)  }
0x2ea: {  	s1 =	spop (v2sf)  }
0x2eb: {  	s2 =	smov.u32 s0;
	p0 =	sne.s32 s0, s1  }
0x2ec: {  	s4 =	spop (v2sf);
	s2 =	simm.s32 @!p0 $0xFFFFFFFF  }
0x2ed: {  	v2 =	vimm.s32 $0x1;
	v3 =	vlaneseq.u32;
	p0 =	seq.s32 s4, $0xFFFFFFFF;
	v1 =	vmov s2  }
0x2ee: {  	s16 =	stileid.u32;
	v0 =	vperm.xlane v0, v2;
	p1 =	sne.s32 @!p0 s0, s1;
	v1 =	vperm.xlane v1, v3  }
0x2ef: {  	vm0 =	vcmask $0x3F04;
	s6 =	simm.s32 $0x3648;
	s0 =	simm.s32 @!p0 $0x1;
	p1 =	por !p1, p0  }
0x2f0: {  	s2 =	sshll.u32 s16, $0x1;
	s1 =	sshll.u32 @!p0 s4, $0x6;
	s0 =	simm.s32 @p1 $0x0;
	v0 =	vsel vm0, v1, v0  }
0x2f1: {  	s5 =	sor.u32 $0x200, s2;
	s1 =	sshra.s32 @!p0 s1, $0x2;
	s0 =	sor.u32 @!p0 s0, s2;
	[tilespmem:$0x3648] =	vst v0  }
0x2f2: {  	[spmem:s5] =	stream.linear.scatter [tilespmem:s6], [sflag:$0x1], $0x2, $0x38;
	[tilespmem:$0x1F0F8] =	vst v63  }
0x2f3: {  	s1 =	sadd.s32 @!p0 $0x28, s1;
	s0 =	sshll.u32 @!p0 s0, $0x4  }
0x2f4: {  	[spmem:s0] =	stream.linear.scatter @!p0 [tilespmem:s1], [sflag:$0x1], $0x10, $0x38;
	[tilespmem:$0x1F0F8] =	vst v63  }
0x2f5: {  	s0 =	simm.s32 @!p0 $0x12  }
0x2f6: {  	s28 =	simm.s32 $0x1;
	s0 =	simm.s32 @p0 $0x2  }
0x2f7: {  	_ =	swait.ge [sflag:s28], s0  }
0x2f8: {  	s0 =	ssub.s32 $0x0, s0;
	[sflag:s28] =	ssyncset.done $0x0  }
0x2f9: {  	p0 =	sne.s32 s16, $0x0;
	[sflag:s28] =	ssyncadd.s32 s0  }
.Ltmp23:
0x2fa: {  	_ =	sfence.stream.spmem;
	(pc) =	sbr.rel @p0 .LBB3_38-.Ltmp23, $4  }
0x2fb: {  	s29 =	simm.s32 $0x3;
	[bflag:$0x0] =	sbarrier.arrive $0xFFFF  }
0x2fc: {  	s30 =	simm.s32 $0x4;
	[sflag:s29] =	ssyncpa.u1 $0x1  }
0x2fd: {  	s31 =	simm.s32 $0x3C;
	[sflag:s30] =	ssyncpa.u1 $0x1  }
0x2fe: {  	s17 =	rddreg [dreg:$0x5];
	[sflag:s31] =	ssyncpa.u1 $0x1  }
0x2ff: {  	_ =	sfence.stream.spmem;
	s0 =	simm.s32 $0x5  }
0x300: {  	s1 =	simm.s32 $0x200;
	s2 =	simm.s32 $0x3658;
	[sflag:s0] =	ssyncpa.u1 $0x0  }
0x301: {  	[tilespmem:s2], [sflag:$0x5] =	stream.linear.gather [spmem:s1], $0x20, $0x38;
	[tilespmem:$0x1F0F8] =	vst v63  }
0x302: {  	s26 =	simm.s32 $0x0;
	s28 =	simm.s32 $0x3678  }
0x303: {  	[tilespmem:s28], [sflag:$0x5] =	stream.linear.gather [spmem:s26], $0x200, $0x38;
	[tilespmem:$0x1F0F8] =	vst v63  }
0x304: {  	_ =	swait.ge [sflag:s0], $0x220  }
0x305: {  	[sflag:s0] =	ssyncset.done $0x0  }
0x306: {  	s29 =	simm.s32 $0x0;
	[sflag:s0] =	ssyncadd.s32 $0xFFFFFDE0  }
0x307: {  	v0 =	vld.msk [tilespmem:s29+$0x3658], $0x1;
	_ =	sdelay $0x1  }
0x308: {  	s30 =	simm.s32 $0x1  }
0x309: {  	v1 =	vld.msk [tilespmem:s30+$0x3658], $0x1;
	_ =	sdelay $0x1  }
0x30a: {  	(v2sf) =	vpush v0, $0x0;
	_ =	sdelay $0x2  }
0x30b: {  	(v2sf) =	vpush v1, $0x0;
	_ =	sdelay $0x2  }
0x30c: {  	s31 =	simm.s32 $0x2  }
0x30d: {  	v0 =	vld.msk [tilespmem:s31+$0x3658], $0x1;
	_ =	sdelay $0x2  }
0x30e: {  	s6 =	simm.s32 $0xFFFFFFFF;
	s1 =	simm.s32 $0xFFFFFFFF;
	s0 =	simm.s32 $0xC  }
.LBB3_23:
0x30f: {  	s2 =	smov.u32 s6;
	s4 =	smov.u32 s1  }
0x310: {  	s1 =	sshra.s32 s0, $0x2;
	p1 =	sne.s32 s0, $0x7C;
	s0 =	sadd.s32 $0x4, s0;
	(v2sf) =	vpush v0, $0x0  }
0x311: {  	v0 =	vld.msk [tilespmem:s1+$0x3658], $0x1  }
.Ltmp24:
0x312: {  	(pc) =	sbr.rel @p1 .LBB3_23-.Ltmp24, $4  }
0x313: {  	s6 =	spop (v2sf)  }
0x314: {  	p2 =	sne.s32 s4, $0xFFFFFFFF;
	s1 =	smov.u32 s6  }
0x315: {  	p3 =	seq.s32 s6, $0xFFFFFFFF;
	s1 =	smov.u32 @p2 s4  }
0x316: {  	s6 =	smov.u32 @p3 s2;
	s1 =	smov.u32 @p3 s4  }
0x317: {  	(v2sf) =	vpush v0, $0x0;
	_ =	sdelay $0x8  }
0x318: {  	s0 =	spop (v2sf)  }
0x319: {  	p1 =	sne.s32 s1, $0xFFFFFFFF;
	s2 =	smov.u32 s0  }
0x31a: {  	s9 =	simm.s32 $0x6;
	p2 =	seq.s32 s0, $0xFFFFFFFF;
	s2 =	smov.u32 @p1 s1  }
0x31b: {  	s10 =	simm.s32 $0x3638;
	s2 =	smov.u32 @p2 s1;
	s1 =	spop (v2sf)  }
0x31c: {  	s0 =	smov.u32 @p2 s6;
	p1 =	sne.s32 s2, $0xFFFFFFFF;
	s4 =	smov.u32 s1  }
.Ltmp25:
0x31d: {  	p2 =	seq.s32 s1, $0xFFFFFFFF;
	s4 =	smov.u32 @p1 s2;
	(pc) =	sbr.rel .LBB3_25-.Ltmp25, $4  }
0x31e: {  	s11 =	simm.s32 $0x0;
	s4 =	smov.u32 @p2 s2;
	s7 =	spop (v2sf)  }
0x31f: {  	[sflag:s9] =	ssyncpa.u1 $0x0;
	p1 =	sne.s32 s4, $0xFFFFFFFF;
	s8 =	smov.u32 s7  }
0x320: {  	s1 =	smov.u32 @p2 s0;
	p2 =	seq.s32 s7, $0xFFFFFFFF;
	s8 =	smov.u32 @p1 s4  }
0x321: {  	s6 =	simm.s32 $0x0;
	s7 =	smov.u32 @p2 s1;
	s8 =	smov.u32 @p2 s4  }
.LBB3_30:
0x322: {  	p1 =	sgt.u32 s12, $0xFFFF  }
0x323: {  	p2 =	seq.s32 @!p1 s12, s8  }
0x324: {  	p1 =	por p1, p2  }
0x325: {  	p2 =	sne.s32 @!p1 s12, s7  }
0x326: {  	p1 =	por p1, !p2  }
0x327: {  	s0 =	sshll.u32 @p1 s11, $0x6  }
0x328: {  	s0 =	sand.u32 @!p1 $0xFFF8, s12  }
0x329: {  	s1 =	sand.u32 @!p1 $0x7, s12;
	s0 =	sadd.s32 @!p1 s3, s0  }
0x32a: {  	[tilespmem:s10], [sflag:$0x6] =	stream.linear.gather @!p1 [hbm4b:s0+s1], $0x4, $0x38;
	[tilespmem:$0x1F0F8] =	vst v63  }
0x32b: {  	_ =	swait.ge @!p1 [sflag:s9], $0x4  }
0x32c: {  	[sflag:s9] =	ssyncset.done @!p1 $0x0  }
0x32d: {  	[sflag:s9] =	ssyncadd.s32 @!p1 $0xFFFFFFFC  }
0x32e: {  	v1 =	vld @!p1 [tilespmem:$0x3638];
	_ =	sdelay $0x2  }
0x32f: {  	s0 =	sshll.u32 @!p1 s11, $0x6  }
0x330: {  	s1 =	sshrl.u32 @!p1 s0, $0x2  }
0x331: {  	[tilespmem:s1+$0x3678] =	vst.add.f32.msk @!p1 $0xffff, v1  }
0x332: {  	s0 =	sshrl.u32 s0, $0x2;
	[tilespmem:s6+$0x3658] =	vst.msk $0x1, v0  }
0x333: {  	v0 =	vld [tilespmem:s0+$0x3678];
	_ =	sdelay $0x2  }
0x334: {  	s31 =	sshll.u32 s6, $0x6  }
0x335: {  	s0 =	sshra.s32 s31, $0x2  }
0x336: {  	s6 =	sadd.s32 $0x1, s6;
	[tilespmem:s0+$0x3678] =	vst v0  }
.LBB3_32:
0x337: {  	s11 =	sadd.s32 $0x1, s11  }
0x338: {  	p1 =	sne.s32 s11, $0x20  }
.Ltmp26:
0x339: {  	_ = 	snop;
	(pc) =	sbr.rel @!p1 .LBB3_33-.Ltmp26, $1  }
0x33a: {  	_ =	sdelay $0x3  }
.LBB3_25:
0x33b: {  	v0 =	vld.msk [tilespmem:s11+$0x3658], $0x1;
	_ =	sdelay $0x4  }
0x33c: {  	(v2sf) =	vpush v0, $0x0;
	_ =	sdelay $0xe  }
0x33d: {  	s12 =	spop (v2sf)  }
0x33e: {  	p1 =	seq.s32 s12, $0xFFFFFFFF  }
.Ltmp27:
0x33f: {  	_ = 	snop;
	(pc) =	sbr.rel @p1 .LBB3_32-.Ltmp27, $1  }
0x340: {  	_ =	sdelay $0x3  }
0x341: {  	p1 =	slt.s32 s6, $0x1  }
.Ltmp28:
0x342: {  	_ = 	snop;
	(pc) =	sbr.rel @p1 .LBB3_30-.Ltmp28, $1  }
0x343: {  	_ =	sdelay $0x3  }
0x344: {  	s13 =	simm.s32 $0x3658;
	p1 =	por $0x0, $0x0  }
0x345: {  	v1 =	vld.msk @!p1 [tilespmem:s13+$0x0], $0x1;
	_ =	sdelay $0x4  }
0x346: {  	(v2sf) =	vpush @!p1 v1, $0x0;
	_ =	sdelay $0xd  }
0x347: {  	p3 =	sne.s32 s6, $0x1  }
.Ltmp29:
0x348: {  	s0 =	spop @!p1 (v2sf);
	(pc) =	sbr.rel @!p3 .LBB3_29-.Ltmp29, $4  }
0x349: {  	p2 =	seq.s32 @!p1 s12, s0  }
0x34a: {  	s14 =	simm.s32 $0x0;
	p2 =	por !p2, p1  }
0x34b: {  	s0 =	simm.s32 $0xFFFFFFFF;
	s14 =	simm.s32 @p2 $0xFFFFFFFF  }
0x34c: {  	s15 =	simm.s32 $0x1;
	s14 =	smov.u32 @p1 s0  }
.LBB3_28:
0x34d: {  	s0 =	smov.u32 s14;
	p1 =	sne.s32 s14, $0xFFFFFFFF  }
0x34e: {  	s13 =	sadd.s32 $0x1, s13;
	s14 =	smov.u32 s15;
	s15 =	sadd.s32 $0x1, s15  }
0x34f: {  	p2 =	sne.s32 s6, s15;
	v1 =	vld.msk @!p1 [tilespmem:s13+$0x0], $0x1;
	_ =	sdelay $0x4  }
0x350: {  	(v2sf) =	vpush @!p1 v1, $0x0;
	_ =	sdelay $0xe  }
.Ltmp30:
0x351: {  	s1 =	spop @!p1 (v2sf);
	(pc) =	sbr.rel @p2 .LBB3_28-.Ltmp30, $4  }
0x352: {  	p3 =	seq.s32 @!p1 s12, s1  }
0x353: {  	p3 =	por !p3, p1  }
0x354: {  	s14 =	simm.s32 @p3 $0xFFFFFFFF  }
0x355: {  	s14 =	smov.u32 @p1 s0  }
.LBB3_29:
0x356: {  	p1 =	sne.s32 s14, $0xFFFFFFFF  }
.Ltmp31:
0x357: {  	_ = 	snop;
	(pc) =	sbr.rel @!p1 .LBB3_30-.Ltmp31, $1  }
0x358: {  	_ =	sdelay $0x3  }
0x359: {  	s0 =	sshll.u32 s11, $0x4  }
0x35a: {  	s0 =	sand.u32 $0x3FFFFFF0, s0  }
0x35b: {  	v0 =	vld [tilespmem:s0+$0x3678]  }
.Ltmp32:
0x35c: {  	_ = 	snop;
	(pc) =	sbr.rel .LBB3_32-.Ltmp32, $4  }
0x35d: {  	_ = 	snop  }
0x35e: {  	s31 =	sshll.u32 s14, $0x6  }
0x35f: {  	s0 =	sshra.s32 s31, $0x2  }
0x360: {  	[tilespmem:s0+$0x3678] =	vst.add.f32.msk $0xffff, v0  }
.LBB3_33:
0x361: {  	s0 =	simm.s32 $0x6;
	p1 =	seq.s32 s6, $0x0  }
0x362: {  	[sflag:s0] =	ssyncpa.u1 $0x1;
	v0 =	vimm.s32 @p1 $0xFFFFFFFF  }
0x363: {  	s9 =	sadd.s32 $0xFFFFFFFF, s6;
	[tilespmem:$0x3878] =	vst @p1 v0  }
0x364: {  	v0 =	vld.msk @!p1 [tilespmem:s9+$0x3658], $0x1;
	_ =	sdelay $0x1  }
0x365: {  	v1 =	vld.msk @!p1 [tilespmem:$0x3658], $0x1;
	_ =	sdelay $0x2  }
0x366: {  	p2 =	seq.s32 @!p1 s9, $0x0;
	v0 =	vbroadcast @!p1 v0, $0x0  }
0x367: {  	vm0 =	vmmov @!p1 $0x1;
	p2 =	por !p2, p1  }
0x368: {  	v1 =	vnsel @!p1 vm0, $0xFFFFFFFF, v1;
	vm0 =	vcmask @!p1 $0x308;
	v0 =	vpsel !p2, $0xFFFFFFFF, v0  }
0x369: {  	p2 =	sne.s32 @!p1 s8, s7;
	v0 =	vsel @!p1 vm0, v1, v0  }
0x36a: {  	s0 =	simm.s32 @!p1 $0x3678;
	s1 =	simm.s32 @!p1 $0x0;
	p3 =	por !p2, p1;
	[tilespmem:$0x3878] =	vst @!p1 v0  }
0x36b: {  	[spmem:s1] =	stream.linear.scatter @!p1 [tilespmem:s0], [sflag:$0x1], $0x10, $0x38;
	[tilespmem:$0x1F0F8] =	vst v63  }
0x36c: {  	s0 =	sshll.u32 @!p3 s9, $0x6  }
0x36d: {  	s0 =	sshra.s32 @!p3 s0, $0x2  }
0x36e: {  	s1 =	simm.s32 @!p3 $0x10;
	s0 =	sadd.s32 @!p3 $0x3678, s0  }
0x36f: {  	[spmem:s1] =	stream.linear.scatter @!p3 [tilespmem:s0], [sflag:$0x1], $0x10, $0x38;
	[tilespmem:$0x1F0F8] =	vst v63  }
0x370: {  	s0 =	simm.s32 @!p3 $0x1  }
0x371: {  	_ =	swait.ge @!p3 [sflag:s0], $0x20  }
0x372: {  	p1 =	por p2, p1;
	[sflag:s0] =	ssyncset.done @!p3 $0x0  }
0x373: {  	[sflag:s0] =	ssyncadd.s32 @!p3 $0xFFFFFFE0;
	s0 =	simm.s32 @!p1 $0x1  }
0x374: {  	_ =	swait.ge @!p1 [sflag:s0], $0x10  }
0x375: {  	s29 =	simm.s32 $0x3878;
	[sflag:s0] =	ssyncset.done @!p1 $0x0  }
0x376: {  	s30 =	simm.s32 $0x200;
	s31 =	simm.s32 $0x1;
	[sflag:s0] =	ssyncadd.s32 @!p1 $0xFFFFFFF0  }
0x377: {  	[spmem:s30] =	stream.linear.scatter [tilespmem:s29], [sflag:$0x1], $0x10, $0x38;
	[tilespmem:$0x1F0F8] =	vst v63  }
0x378: {  	_ =	swait.ge [sflag:s31], $0x10  }
0x379: {  	[sflag:s31] =	ssyncset.done $0x0  }
0x37a: {  	p1 =	seq.s32 s17, $0x0;
	s8 =	rddreg [dreg:$0x1];
	[sflag:s31] =	ssyncadd.s32 $0xFFFFFFF0  }
0x37b: {  	s1 =	sshll.u32 @p1 s8, $0xE;
	s7 =	rddreg [dreg:$0x2]  }
0x37c: {  	s0 =	sadd.s32 @p1 $0x15C3C, s1;
	s1 =	sshll.u32 @p1 s7, $0x11  }
0x37d: {  	_ =	sfence.stream.spmem;
	s0 =	sor.u32 @p1 s1, s0  }
0x37e: {  	[sflag:s0] =	ssyncadd.remote.s32 @p1 $0x1;
	s0 =	simm.s32 @p1 $0x4  }
0x37f: {  	s2 =	simm.s32 @!p1 $0x3C;
	s1 =	sand.u32 $0xFFFFFFFE, s8;
	_ =	swait.ge @p1 [sflag:s0], $0x6  }
0x380: {  	s4 =	simm.s32 @!p1 $0x0;
	s1 =	sadd.s32 @!p1 $0x4, s1;
	[sflag:s0] =	ssyncset.done @p1 $0x0  }
0x381: {  	s5 =	simm.s32 @!p1 $0x20;
	[sflag:s0] =	ssyncadd.s32 @p1 $0xFFFFFFFA;
	s0 =	sshll.u32 @!p1 s1, $0x1A  }
0x382: {  	s1 =	sshll.u32 @!p1 s1, $0xD;
	s0 =	sor.u32 @!p1 s0, s7;
	_ =	swait.eq @!p1 [sflag:s2], $0x1  }
0x383: {  	s1 =	sor.u32 @!p1 $0x1C04, s1;
	s2 =	simm.s32 @!p1 $0x1C03;
	s0 =	sor.u32 @!p1 $0x80004000, s0  }
0x384: {  	[spmem:s5], [sflag:s1] =	dma.general @!p1 [spmem:s4], [sflag:s2], length:$0x4, [dreg:$0x0], stride_count:$0x0, ici_dest:s0, dma_misc:DstOpCode:WRITE  }
0x385: {  	p2 =	slt.s32 s9, $0x2;
	s4 =	simm.s32 @!p1 $0x40;
	s5 =	simm.s32 @!p1 $0x42  }
0x386: {  	[spmem:s5], [sflag:s1] =	dma.general @!p1 [spmem:s4], [sflag:s2], length:$0x2, [dreg:$0x0], stride_count:$0x0, ici_dest:s0, dma_misc:DstOpCode:WRITE  }
.Ltmp33:
0x387: {  	s0 =	simm.s32 @!p1 $0x3;
	(pc) =	sbr.rel @p2 .LBB3_37-.Ltmp33, $4  }
0x388: {  	s1 =	sshll.u32 @!p1 s8, $0xE;
	_ =	swait.ge @!p1 [sflag:s0], $0x6  }
0x389: {  	s2 =	sshll.u32 @!p1 s7, $0x11;
	s1 =	sadd.s32 @!p1 $0x11C3C, s1;
	[sflag:s0] =	ssyncset.done @!p1 $0x0  }
0x38a: {  	[sflag:s0] =	ssyncadd.s32 @!p1 $0xFFFFFFFA;
	s0 =	sor.u32 @!p1 s2, s1  }
0x38b: {  	[sflag:s0] =	ssyncadd.remote.s32 @!p1 $0xFFFFFFFF;
	s0 =	simm.s32 $0x0  }
0x38c: {  	s0 =	simm.s32 $0x3659  }
0x38d: {  	v0 =	vld.msk [tilespmem:s0+$0x0], $0x1;
	_ =	sdelay $0x4  }
0x38e: {  	(v2sf) =	vpush v0, $0x0;
	_ =	sdelay $0xd  }
0x38f: {  	s2 =	sadd.s32 $0xFFFFFFFE, s6  }
0x390: {  	s2 =	sadd.s32 $0xFFFFFFFF, s2;
	s0 =	spop (v2sf)  }
0x391: {  	p2 =	sne.s32 s2, $0x0;
	p1 =	sgt.u32 s0, $0xFFFF  }
.Ltmp34:
0x392: {  	s4 =	sand.u32 @!p1 $0xFFF8, s0;
	(pc) =	sbr.rel @!p2 .LBB3_36-.Ltmp34, $4  }
0x393: {  	s1 =	simm.s32 $0x3688;
	s0 =	sand.u32 @!p1 $0x7, s0;
	s4 =	sadd.s32 @!p1 s3, s4  }
0x394: {  	[hbm4b:s4+s0] =	stream.linear.scatter @!p1 [tilespmem:s1], [sflag:$0x5], $0x4, $0x38;
	[tilespmem:$0x1F0F8] =	vst v63  }
0x395: {  	s0 =	simm.s32 $0x0  }
0x396: {  	s6 =	simm.s32 $0x0;
	s7 =	simm.s32 $0x365A;
	s0 =	simm.s32 @!p1 $0x10  }
.LBB3_35:
0x397: {  	v0 =	vld.msk [tilespmem:s7+$0x0], $0x1;
	s2 =	sadd.s32 $0xFFFFFFFF, s2;
	s6 =	sadd.s32 s6, s0  }
0x398: {  	p1 =	sne.s32 s2, $0x0;
	_ =	sdelay $0x3  }
0x399: {  	(v2sf) =	vpush v0, $0x0;
	_ =	sdelay $0xe  }
.Ltmp35:
0x39a: {  	s4 =	spop (v2sf);
	(pc) =	sbr.rel @p1 .LBB3_35-.Ltmp35, $4  }
0x39b: {  	s0 =	simm.s32 $0x0;
	p2 =	sgt.u32 s4, $0xFFFF  }
0x39c: {  	s1 =	sadd.s32 $0x10, s1;
	s0 =	simm.s32 @!p2 $0x10;
	s5 =	sand.u32 @!p2 $0xFFF8, s4  }
0x39d: {  	s7 =	sadd.s32 $0x1, s7;
	s4 =	sand.u32 @!p2 $0x7, s4;
	s5 =	sadd.s32 @!p2 s3, s5  }
0x39e: {  	[hbm4b:s5+s4] =	stream.linear.scatter @!p2 [tilespmem:s1], [sflag:$0x5], $0x4, $0x38;
	[tilespmem:$0x1F0F8] =	vst v63  }
.LBB3_36:
0x39f: {  	s0 =	sadd.s32 s6, s0  }
0x3a0: {  	s0 =	sshrl.u32 s0, $0x2  }
.LBB3_37:
0x3a1: {  	s1 =	simm.s32 $0x5  }
0x3a2: {  	_ =	swait.ge [sflag:s1], s0  }
0x3a3: {  	s31 =	ssub.s32 $0x0, s0;
	[sflag:s1] =	ssyncset.done $0x0  }
0x3a4: {  	[sflag:s1] =	ssyncadd.s32 s31  }
0x3a5: {  	[sflag:s1] =	ssyncpa.u1 $0x1  }
.LBB3_38:
0x3a6: {  	s0 =	sor.u32 s17, s16  }
0x3a7: {  	p1 =	sne.s32 s0, $0x0  }
.Ltmp36:
0x3a8: {  	_ = 	snop;
	(pc) =	sbr.rel @p1 .LBB3_53-.Ltmp36, $3  }
0x3a9: {  	_ =	sdelay $0x1  }
0x3aa: {  	[bflag:$0x0] =	sbarrier.arrive $0xFFFF  }
0x3ab: {  	_ =	sfence  }
0x3ac: {  	s0 =	simm.s32 $0x7  }
0x3ad: {  	s1 =	simm.s32 $0x200;
	s2 =	simm.s32 $0x3658;
	[sflag:s0] =	ssyncpa.u1 $0x0  }
0x3ae: {  	[tilespmem:s2], [sflag:$0x7] =	stream.linear.gather [spmem:s1], $0x20, $0x38;
	[tilespmem:$0x1F0F8] =	vst v63  }
0x3af: {  	s30 =	simm.s32 $0x3678;
	s1 =	simm.s32 $0x0  }
0x3b0: {  	[tilespmem:s30], [sflag:$0x7] =	stream.linear.gather [spmem:s1], $0x200, $0x38;
	[tilespmem:$0x1F0F8] =	vst v63  }
.Ltmp37:
0x3b1: {  	_ = 	snop;
	(pc) =	sbr.rel .LBB3_40-.Ltmp37, $4  }
0x3b2: {  	_ =	swait.ge [sflag:s0], $0x220  }
0x3b3: {  	[sflag:s0] =	ssyncset.done $0x0  }
0x3b4: {  	s31 =	simm.s32 $0x8;
	[sflag:s0] =	ssyncadd.s32 $0xFFFFFDE0  }
0x3b5: {  	s2 =	simm.s32 $0x0;
	[sflag:s31] =	ssyncpa.u1 $0x0  }
.LBB3_45:
0x3b6: {  	p1 =	slt.u32 s4, $0x10000  }
0x3b7: {  	s0 =	sand.u32 @p1 $0xFFF8, s4  }
0x3b8: {  	s4 =	sand.u32 @p1 $0x7, s4;
	s5 =	simm.s32 @p1 $0x3638;
	s0 =	sadd.s32 @p1 s3, s0  }
0x3b9: {  	[tilespmem:s5], [sflag:$0x8] =	stream.linear.gather @p1 [hbm4b:s0+s4], $0x4, $0x38;
	[tilespmem:$0x1F0F8] =	vst v63  }
0x3ba: {  	s0 =	simm.s32 @p1 $0x8  }
0x3bb: {  	_ =	swait.ge @p1 [sflag:s0], $0x4  }
0x3bc: {  	[sflag:s0] =	ssyncset.done @p1 $0x0  }
0x3bd: {  	[sflag:s0] =	ssyncadd.s32 @p1 $0xFFFFFFFC  }
0x3be: {  	v1 =	vld @p1 [tilespmem:$0x3638];
	_ =	sdelay $0x2  }
0x3bf: {  	s0 =	sshll.u32 @p1 s2, $0x6  }
0x3c0: {  	s5 =	sshll.u32 @!p1 s2, $0x6;
	s4 =	sshrl.u32 @p1 s0, $0x2  }
0x3c1: {  	s5 =	smov.u32 @p1 s0;
	[tilespmem:s4+$0x3678] =	vst.add.f32.msk @p1 $0xffff, v1  }
0x3c2: {  	s0 =	sshrl.u32 s5, $0x2;
	[tilespmem:s1+$0x3658] =	vst.msk $0x1, v0  }
0x3c3: {  	v0 =	vld [tilespmem:s0+$0x3678];
	_ =	sdelay $0x2  }
0x3c4: {  	s31 =	sshll.u32 s1, $0x6  }
0x3c5: {  	s0 =	sshra.s32 s31, $0x2  }
0x3c6: {  	s1 =	sadd.s32 $0x1, s1;
	[tilespmem:s0+$0x3678] =	vst v0  }
.LBB3_47:
0x3c7: {  	s2 =	sadd.s32 $0x1, s2  }
0x3c8: {  	p1 =	sne.s32 s2, $0x20  }
.Ltmp38:
0x3c9: {  	_ = 	snop;
	(pc) =	sbr.rel @!p1 .LBB3_48-.Ltmp38, $1  }
0x3ca: {  	_ =	sdelay $0x3  }
.LBB3_40:
0x3cb: {  	v0 =	vld.msk [tilespmem:s2+$0x3658], $0x1;
	_ =	sdelay $0x4  }
0x3cc: {  	(v2sf) =	vpush v0, $0x0;
	_ =	sdelay $0xe  }
0x3cd: {  	s4 =	spop (v2sf)  }
0x3ce: {  	p1 =	seq.s32 s4, $0xFFFFFFFF  }
.Ltmp39:
0x3cf: {  	_ = 	snop;
	(pc) =	sbr.rel @p1 .LBB3_47-.Ltmp39, $1  }
0x3d0: {  	_ =	sdelay $0x3  }
0x3d1: {  	p1 =	slt.s32 s1, $0x1  }
.Ltmp40:
0x3d2: {  	_ = 	snop;
	(pc) =	sbr.rel @p1 .LBB3_45-.Ltmp40, $1  }
0x3d3: {  	_ =	sdelay $0x3  }
0x3d4: {  	s5 =	simm.s32 $0x3658;
	p1 =	por $0x0, $0x0  }
0x3d5: {  	v1 =	vld.msk @!p1 [tilespmem:s5+$0x0], $0x1;
	_ =	sdelay $0x4  }
0x3d6: {  	(v2sf) =	vpush @!p1 v1, $0x0;
	_ =	sdelay $0xd  }
0x3d7: {  	p3 =	sne.s32 s1, $0x1  }
.Ltmp41:
0x3d8: {  	s0 =	spop @!p1 (v2sf);
	(pc) =	sbr.rel @!p3 .LBB3_44-.Ltmp41, $4  }
0x3d9: {  	p2 =	seq.s32 @!p1 s4, s0  }
0x3da: {  	s6 =	simm.s32 $0x0;
	p2 =	por !p2, p1  }
0x3db: {  	s0 =	simm.s32 $0xFFFFFFFF;
	s6 =	simm.s32 @p2 $0xFFFFFFFF  }
0x3dc: {  	s7 =	simm.s32 $0x1;
	s6 =	smov.u32 @p1 s0  }
.LBB3_43:
0x3dd: {  	s0 =	smov.u32 s6;
	p1 =	sne.s32 s6, $0xFFFFFFFF  }
0x3de: {  	s5 =	sadd.s32 $0x1, s5;
	s6 =	smov.u32 s7;
	s7 =	sadd.s32 $0x1, s7  }
0x3df: {  	p2 =	sne.s32 s1, s7;
	v1 =	vld.msk @!p1 [tilespmem:s5+$0x0], $0x1;
	_ =	sdelay $0x4  }
0x3e0: {  	(v2sf) =	vpush @!p1 v1, $0x0;
	_ =	sdelay $0xe  }
.Ltmp42:
0x3e1: {  	s8 =	spop @!p1 (v2sf);
	(pc) =	sbr.rel @p2 .LBB3_43-.Ltmp42, $4  }
0x3e2: {  	p3 =	seq.s32 @!p1 s4, s8  }
0x3e3: {  	p3 =	por !p3, p1  }
0x3e4: {  	s6 =	simm.s32 @p3 $0xFFFFFFFF  }
0x3e5: {  	s6 =	smov.u32 @p1 s0  }
.LBB3_44:
0x3e6: {  	p1 =	sne.s32 s6, $0xFFFFFFFF  }
.Ltmp43:
0x3e7: {  	_ = 	snop;
	(pc) =	sbr.rel @!p1 .LBB3_45-.Ltmp43, $1  }
0x3e8: {  	_ =	sdelay $0x3  }
0x3e9: {  	s0 =	sshll.u32 s2, $0x4  }
0x3ea: {  	s0 =	sand.u32 $0x3FFFFFF0, s0  }
0x3eb: {  	v0 =	vld [tilespmem:s0+$0x3678]  }
.Ltmp44:
0x3ec: {  	_ = 	snop;
	(pc) =	sbr.rel .LBB3_47-.Ltmp44, $4  }
0x3ed: {  	_ = 	snop  }
0x3ee: {  	s31 =	sshll.u32 s6, $0x6  }
0x3ef: {  	s0 =	sshra.s32 s31, $0x2  }
0x3f0: {  	[tilespmem:s0+$0x3678] =	vst.add.f32.msk $0xffff, v0  }
.LBB3_48:
0x3f1: {  	p1 =	slt.s32 s1, $0x1  }
.Ltmp45:
0x3f2: {  	_ = 	snop;
	(pc) =	sbr.rel @p1 .LBB3_52-.Ltmp45, $3  }
0x3f3: {  	_ =	sdelay $0x1  }
0x3f4: {  	s0 =	simm.s32 $0x8  }
0x3f5: {  	s2 =	simm.s32 $0x0;
	[sflag:s0] =	ssyncpa.u1 $0x1  }
0x3f6: {  	s0 =	simm.s32 $0x3658  }
0x3f7: {  	v0 =	vld.msk [tilespmem:s0+$0x0], $0x1;
	_ =	sdelay $0x4  }
0x3f8: {  	(v2sf) =	vpush v0, $0x0;
	_ =	sdelay $0xe  }
0x3f9: {  	s1 =	sadd.s32 $0xFFFFFFFF, s1;
	s0 =	spop (v2sf)  }
0x3fa: {  	p2 =	sne.s32 s1, $0x0;
	p1 =	sgt.u32 s0, $0xFFFF  }
.Ltmp46:
0x3fb: {  	s5 =	sand.u32 @!p1 $0xFFF8, s0;
	(pc) =	sbr.rel @!p2 .LBB3_51-.Ltmp46, $4  }
0x3fc: {  	s4 =	simm.s32 $0x3678;
	s0 =	sand.u32 @!p1 $0x7, s0;
	s5 =	sadd.s32 @!p1 s3, s5  }
0x3fd: {  	[hbm4b:s5+s0] =	stream.linear.scatter @!p1 [tilespmem:s4], [sflag:$0x7], $0x4, $0x38;
	[tilespmem:$0x1F0F8] =	vst v63  }
0x3fe: {  	s0 =	simm.s32 $0x0  }
0x3ff: {  	s5 =	simm.s32 $0x3659;
	s0 =	simm.s32 @!p1 $0x10  }
.LBB3_50:
0x400: {  	v0 =	vld.msk [tilespmem:s5+$0x0], $0x1;
	s1 =	sadd.s32 $0xFFFFFFFF, s1;
	s2 =	sadd.s32 s2, s0  }
0x401: {  	p1 =	sne.s32 s1, $0x0;
	_ =	sdelay $0x3  }
0x402: {  	(v2sf) =	vpush v0, $0x0;
	_ =	sdelay $0xe  }
.Ltmp47:
0x403: {  	s6 =	spop (v2sf);
	(pc) =	sbr.rel @p1 .LBB3_50-.Ltmp47, $4  }
0x404: {  	s0 =	simm.s32 $0x0;
	p2 =	sgt.u32 s6, $0xFFFF  }
0x405: {  	s4 =	sadd.s32 $0x10, s4;
	s0 =	simm.s32 @!p2 $0x10;
	s7 =	sand.u32 @!p2 $0xFFF8, s6  }
0x406: {  	s5 =	sadd.s32 $0x1, s5;
	s6 =	sand.u32 @!p2 $0x7, s6;
	s7 =	sadd.s32 @!p2 s3, s7  }
0x407: {  	[hbm4b:s7+s6] =	stream.linear.scatter @!p2 [tilespmem:s4], [sflag:$0x7], $0x4, $0x38;
	[tilespmem:$0x1F0F8] =	vst v63  }
.LBB3_51:
0x408: {  	s0 =	sadd.s32 s2, s0  }
0x409: {  	s2 =	sshrl.u32 s0, $0x2  }
.LBB3_52:
0x40a: {  	s0 =	simm.s32 $0x7  }
0x40b: {  	_ =	swait.ge [sflag:s0], s2  }
0x40c: {  	s1 =	ssub.s32 $0x0, s2;
	[sflag:s0] =	ssyncset.done $0x0  }
0x40d: {  	[sflag:s0] =	ssyncadd.s32 s1  }
0x40e: {  	[sflag:s0] =	ssyncpa.u1 $0x1  }
.LBB3_53:
0x40f: {  	_ =	sfence;
	s0 =	simm.s32 $0x1  }
0x410: {  	[sflag:s0] =	ssyncpa.u1 $0x1  }
0x411: {  	_ =	strace $0x90000050  }
0x412: {  	[bflag:$0x2] =	sbarrier.arrive $0xFFFF  }
0x413: {  	s0 =	rddreg [dreg:$0x3]  }
0x414: {  	s0 =	sadd.s32 @!p0 $0x100000, s0  }
0x415: {  	[sflag:s0] =	ssyncadd.tile.s32 @!p0 $0x1;
	_ =	shalt  }
.Lfunc_end3:
_tile_overlayer_lowered:
.L_overlay_start_3:
0x416: {  	(tag) =	ssettag $0x3  }
0x417: {  	s0 =	rddreg [dreg:$0x0];
	s2 =	stileid.u32  }
0x418: {  	s1 =	rddreg [dreg:$0x1];
	p0 =	sne.s32 s2, $0x0  }
0x419: {  	s3 =	rddreg [dreg:$0x2];
	[bflag:$0x3] =	sbarrier.arrive $0xFFFF;
	s2 =	simm.s32 @!p0 $0x1C01  }
0x41a: {  	[timem:s3], [sflag:s2] =	dma.local @!p0 [hbm:s0], s1  }
0x41b: {  	s0 =	simm.s32 @!p0 $0x1  }
0x41c: {  	_ =	swait.ge @!p0 [sflag:s0], s1  }
0x41d: {  	s1 =	ssub.s32 @!p0 $0x0, s1;
	[sflag:s0] =	ssyncset.done @!p0 $0x0  }
0x41e: {  	[sflag:s0] =	ssyncadd.s32 @!p0 s1  }
0x41f: {  	[bflag:$0x3] =	sbarrier.arrive $0xFFFF  }
0x420: {  	_ =	shalt  }

// kernel: sparse-core-data-format-call.1.cloned.1.call-start
scs
called_computation.3_lowered:
.L_overlay_start_0:
0x0: {  	s1 =	sld [smem:$0x3FD9]  }
0x1: {  	s2 =	sld [smem:$0x3FFE];
	_ =	sdelay $0x1  }
0x2: {  	s3 =	srdreg.scid  }
0x3: {  	s0 =	sand.u32 $0x1, s3  }
0x4: {  	s17 =	sshll.u32 s0, $0xA;
	s1 =	sadd.s32 s2, s1  }
0x5: {  	s1 =	sadd.s32 s1, s17  }
0x6: {  	[smem:$0x3F9A] =	sst s1  }
0x7: {  	_ = 	snop  }
0x8: {  	(tm) =	ssettm $0x1  }
0x9: {  	s18 =	sld [smem:$0x3FFB];
	_ =	sdelay $0x3  }
0xa: {  	_ =	strace s18  }
0xb: {  	s1 =	sld [smem:$0x3FFC];
	_ =	sdelay $0x3  }
0xc: {  	_ =	strace s1  }
0xd: {  	s1 =	sld [smem:$0x3FFD];
	_ =	sdelay $0x3  }
0xe: {  	_ =	strace s1  }
0xf: {  	_ =	strace $0x8FFFFFFF  }
0x10: {  	s19 =	sld [smem:$0x3FDB];
	_ =	sdelay $0x1  }
0x11: {  	s20 =	simm.s32 $_scs_section_size  }
0x12: {  	s4 =	simm.s32 $_size__tile_overlayer_lowered;
	s5 =	simm.s32 $_tile_overlayer_lowered  }
0x13: {  	s23 =	simm.s32 $0x1BFF;
	s22 =	sshll.u32 s5, $0x1;
	s1 =	sadd.s32 s20, s19  }
0x14: {  	s6 =	simm.s32 $0x0;
	s21 =	sshll.u32 s4, $0x1;
	s4 =	sadd.s32 s22, s1  }
0x15: {  	[timem:s6], [sflag:s23] =	dma.local [hbm:s4], s21  }
0x16: {  	_ =	swait.ge [sflag:s23], s21  }
0x17: {  	s2 =	ssub.s32 $0x0, s21;
	[sflag:s23] =	ssyncset.done $0x0  }
0x18: {  	[sflag:s23] =	ssyncadd.s32 s2;
	_ =	sdelay $0x1  }
0x19: {  	s24 =	simm.s32 $0x1B8B  }
0x1a: {  	_ =	swait.ge [sflag:s24], $0x1  }
0x1b: {  	[sflag:s24] =	ssyncset.done $0x0  }
0x1c: {  	s26 =	simm.s32 $0x1B8E;
	s25 =	sld [smem:$0x3FFE];
	[sflag:s24] =	ssyncadd.s32 $0xFFFFFFFF  }
0x1d: {  	s27 =	simm.s32 $execute0_lowered;
	[smem:$0x3FD2] =	sst s26  }
0x1e: {  	s4 =	sshll.u32 s27, $0x1;
	_ =	strace $0x80000049;
	[dreg:$0x1] =	wrdreg $0xFFFFFFFF  }
0x1f: {  	s28 =	simm.s32 $_size_execute0_lowered;
	s1 =	sadd.s32 s1, s4;
	[dreg:$0x0] =	wrdreg $0x0  }
0x20: {  	s4 =	sshll.u32 s28, $0x1;
	[dreg:$0x2] =	wrdreg s1  }
0x21: {  	[dreg:$0x3] =	wrdreg s4  }
0x22: {  	[dreg:$0x4] =	wrdreg $0xC0  }
0x23: {  	_ =	task [dreg:s6], $0x5FFFF  }
0x24: {  	[dreg:$0x1] =	wrdreg $0xFFFFFFFF  }
0x25: {  	[dreg:$0x0] =	wrdreg $0x60  }
0x26: {  	[dreg:$0x2] =	wrdreg s25  }
0x27: {  	[dreg:$0x3] =	wrdreg $0x9  }
0x28: {  	_ =	task.clear_ibuf [dreg:s6], $0x4FFFF;
	_ =	strace $0x90000049  }
0x29: {  	s29 =	simm.s32 $0x9;
	_ =	strace $0x8000004B  }
0x2a: {  	_ =	swait.ge [sflag:s29], $0x1  }
0x2b: {  	[sflag:s29] =	ssyncadd.s32 $0xFFFFFFFF  }
0x2c: {  	_ =	strace $0x9000004B  }
0x2d: {  	_ =	sfence  }
0x2e: {  	s30 =	sld [smem:$0x0];
	_ =	sdelay $0x2  }
0x2f: {  	s31 =	sshll.u32 s3, $0xD;
	s3 =	sshrl.u32 s3, $0x2  }
0x30: {  	s2 =	sand.u32 $0x4000, s31;
	s1 =	sadd.s32 s3, s30  }
0x31: {  	s0 =	sor.u32 s2, s0;
	s1 =	sshll.u32 s1, $0x11  }
0x32: {  	s0 =	sor.u32 s1, s0  }
0x33: {  	s0 =	sadd.s32 $0x8F2B, s0  }
0x34: {  	[sflag:s0] =	ssyncadd.remote.s32 $0x1  }
0x35: {  	_ =	sfence.sel $0xFFFF  }
0x36: {  	[dreg:$0x0] =	wrdreg $0xFFFFFFFF;
	(pc) =	sbr.abs _section_cstart, $3  }
0x37: {  	[dreg:$0x1] =	wrdreg $0xFFFFFFFF  }
0x38: {  	_ =	task.clear_ibuf [dreg:s6], $0x2FFFF;
	_ =	strace $0x9FFFFFFF  }
0x39: {  	(tm) =	ssettm $0x7FFFFFFF  }
tec
execute0_lowered:
.L_overlay_start_1:
0x0: {  	(tag) =	ssettag $0x1  }
0x1: {  	s0 =	stileid.u32  }
0x2: {  	s1 =	srdreg.scid;
	s7 =	rddreg [dreg:$0x0]  }
0x3: {  	s9 =	simm.s32 $0x2;
	s15 =	simm.s32 $0x0;
	s10 =	simm.s32 $0x400  }
0x4: {  	s16 =	simm.s32 $0x0;
	s2 =	sshll.u32 s0, $0x4;
	s1 =	sshll.u32 s1, $0x8  }
0x5: {  	s17 =	simm.s32 $0x0;
	s3 =	sshll.u32 s0, $0x5;
	s1 =	sor.u32 s2, s1  }
0x6: {  	s14 =	simm.s32 $0x0;
	s2 =	sand.u32 $0x80, s3;
	s3 =	sand.u32 $0x180, s1  }
0x7: {  	s4 =	ssub.s32 $0x100, s2;
	s1 =	rddreg [dreg:$0x1];
	_ =	strace $0x8000004A  }
0x8: {  	s12 =	smov.u32 s2;
	s5 =	ssub.s32 $0x21000, s3;
	s6 =	sshrl.u32 s4, $0x8  }
0x9: {  	s4 =	sshrl.u32 s4, $0x7;
	s11 =	smov.u32 s3;
	s8 =	sand.u32 $0x180, s5  }
0xa: {  	s4 =	sand.u32 $0x1, s4;
	p0 =	sne.s32 s8, $0x0;
	s8 =	simm.s32 $0x1  }
.Ltmp0:
0xb: {  	s5 =	sshrl.u32 s5, $0x9;
	s8 =	simm.s32 @!p0 $0x0;
	(pc) =	sbr.rel .LBB1_1-.Ltmp0, $4  }
0xc: {  	s6 =	sadd.s32 s6, s4;
	s4 =	sadd.s32 $0x26A400, s7;
	s8 =	sadd.s32 s8, s5  }
0xd: {  	s7 =	sadd.s32 $0x12EA400, s7;
	s5 =	simm.s32 $0x1;
	s6 =	smul.u32 s6, s8  }
0xe: {  	p0 =	por $0x0, $0x0;
	[sflag:s5] =	ssyncpa.u1 $0x0;
	s8 =	sand.u32 $0x3, s0  }
0xf: {  	[sflag:s9] =	ssyncpa.u1 $0x0;
	s13 =	smov.u32 s8;
	s9 =	sadd.s32 $0x1, s6  }
.LBB1_4:
0x10: {  	v5 =	vld [tilespmem:s21+$0xFFFFFFD0];
	[tilespmem:s20+$0x2040 ss:$0x81] =	vst.msk $0xffff, v1  }
0x11: {  	v58 =	vld [tilespmem:s21+$0xFFFFFFE0];
	[tilespmem:s20+$0x2850 ss:$0x81] =	vst.msk $0xffff, v2  }
0x12: {  	s22 =	sshra.s32 s22, $0x2;
	v59 =	vld [tilespmem:s21+$0xFFFFFFF0];
	[tilespmem:s20+$0x3060 ss:$0x81] =	vst.msk $0xffff, v3  }
0x13: {  	v60 =	vld [tilespmem:s21+$0x0];
	[tilespmem:s20+$0x0 ss:$0x81] =	vst.msk $0xffff, v0;
	s19 =	sadd.s32 s22, s19  }
0x14: {  	v61 =	vld [tilespmem:s21+$0x10];
	[tilespmem:s19+$0x3870 ss:$0x81] =	vst.msk $0xffff, v4  }
0x15: {  	v62 =	vld [tilespmem:s21+$0x20];
	[tilespmem:s19+$0x810 ss:$0x81] =	vst.msk $0xffff, v5  }
0x16: {  	v63 =	vld [tilespmem:s21+$0xFFFFFFC0];
	s17 =	sshll.u32 s17, $0x7;
	[tilespmem:s19+$0x1020 ss:$0x81] =	vst.msk $0xffff, v58  }
0x17: {  	s29 =	sand.u32 $0x78, s16;
	s30 =	sshll.u32 s16, $0x2;
	s17 =	sand.u32 $0x180, s17;
	[tilespmem:s19+$0x1830 ss:$0x81] =	vst.msk $0xffff, v59  }
0x18: {  	s21 =	sand.u32 $0x200, s30;
	s17 =	sor.u32 s29, s17;
	[tilespmem:s19+$0x2040 ss:$0x81] =	vst.msk $0xffff, v60  }
0x19: {  	s15 =	sshll.u32 s15, $0x7;
	s31 =	sand.u32 $0x7, s16;
	s17 =	sor.u32 s21, s17;
	[tilespmem:s19+$0x2850 ss:$0x81] =	vst.msk $0xffff, v61  }
0x1a: {  	s15 =	sadd.s32 s7, s15;
	s16 =	sshll.u32 s31, $0x12;
	s17 =	sshrl.u32 s17, $0x3;
	[tilespmem:s19+$0x3060 ss:$0x81] =	vst.msk $0xffff, v62  }
0x1b: {  	s16 =	sor.u32 $0x80, s16;
	[tilespmem:s19+$0x0 ss:$0x81] =	vst.msk $0xffff, v63;
	s15 =	sadd.s32 s17, s15  }
0x1c: {  	[hbm4b:s15+s16] =	stream.strided.scatter [tilespmem:s18], [sflag:$0x2], $0x4000, s10, s16, $0x20;
	[tilespmem:$0x10100] =	vst v63  }
.LBB1_5:
0x1d: {  	s18 =	sadd.s32 $0x200, s11  }
0x1e: {  	s15 =	sadd.s32 $0x100, s12;
	s19 =	smov.u32 s12;
	p2 =	sgt.s32 s18, $0x20FFF  }
0x1f: {  	s19 =	smov.u32 @p2 s15  }
0x20: {  	s21 =	smov.u32 s13;
	s15 =	sadd.s32 $0x4, s13;
	p3 =	sgt.s32 s19, $0xFF  }
0x21: {  	s21 =	smov.u32 @p3 s15  }
0x22: {  	s18 =	smov.u32 @p2 s3;
	p2 =	sgt.s32 s21, $0x3  }
0x23: {  	p1 =	slt.u32 s14, $0x2;
	s21 =	smov.u32 @p2 s8;
	p2 =	sne.s32 s14, s9  }
.Ltmp1:
0x24: {  	s20 =	simm.s32 @!p1 $0x2;
	(pc) =	sbr.rel @!p2 .LBB1_6-.Ltmp1, $4  }
0x25: {  	s16 =	smov.u32 s12;
	s17 =	smov.u32 s13;
	_ =	swait.ge @!p1 [sflag:s20], $0x4000  }
0x26: {  	p0 =	por !p0, !p0;
	[sflag:s20] =	ssyncset.done @!p1 $0x0;
	s19 =	smov.u32 @p3 s2  }
0x27: {  	s15 =	smov.u32 s11;
	[sflag:s20] =	ssyncadd.s32 @!p1 $0xFFFFC000;
	s11 =	smov.u32 s18  }
0x28: {  	s12 =	smov.u32 s19;
	s14 =	sadd.s32 $0x1, s14;
	s13 =	smov.u32 s21  }
.LBB1_1:
0x29: {  	p1 =	sge.u32 s14, s6  }
0x2a: {  	s18 =	sshrl.u32 @!p1 s12, $0x3  }
0x2b: {  	s19 =	sshll.u32 @!p1 s11, $0x3;
	s20 =	sshll.u32 @!p1 s12, $0x7;
	s18 =	smul.u32 @!p1 $0x108000, s18  }
0x2c: {  	s21 =	sand.u32 @!p1 $0x7F, s11;
	s19 =	sand.u32 @!p1 $0xFFFFFC00, s19;
	s20 =	sand.u32 @!p1 $0x380, s20  }
0x2d: {  	s18 =	sadd.s32 @!p1 s18, s19;
	s19 =	sor.u32 @!p1 s21, s20  }
0x2e: {  	s19 =	sor.u32 @!p1 s18, s19  }
0x2f: {  	s20 =	smulhi.u32 @!p1 $0x3E0F83E1, s19  }
0x30: {  	s18 =	smulhi.u32 @!p1 $0x3E0F83E1, s18  }
0x31: {  	s20 =	sshrl.u32 @!p1 s20, $0xF  }
0x32: {  	s31 =	sadd.s32 $0xFFFFFFFF, s14;
	s18 =	sshrl.u32 @!p1 s18, $0xF;
	s20 =	smul.u32 @!p1 $0x21000, s20  }
0x33: {  	s22 =	smul.u32 @!p1 $0x420000, s13;
	s21 =	sxor.u32 @!p1 $0xFFFFFFFF, s14;
	s18 =	sand.u32 @!p1 $0xFF, s18  }
0x34: {  	s21 =	sshll.u32 @!p1 s21, $0xE;
	s18 =	smul.u32 @!p1 $0x4200, s18;
	s19 =	ssub.s32 @!p1 s19, s20  }
0x35: {  	s20 =	sand.u32 @!p1 $0x4000, s21;
	s21 =	sadd.s32 @!p1 s4, s22;
	s22 =	sand.u32 @!p1 $0x7, s19  }
0x36: {  	s19 =	sshrl.u32 @!p1 s19, $0x3;
	s18 =	sadd.s32 @!p1 s18, s21;
	s21 =	sshll.u32 @!p1 s22, $0x12  }
0x37: {  	s18 =	sadd.s32 @!p1 s19, s18;
	s19 =	sor.u32 @!p1 $0x400, s21;
	s21 =	simm.s32 @!p1 $0x108000  }
0x38: {  	[tilespmem:s20], [sflag:$0x1] =	stream.strided.gather @!p1 [hbm4b:s18+s19], $0x4000, s21, s19, $0x38;
	[tilespmem:$0x10100] =	vst v63  }
0x39: {  	p1 =	sge.u32 s31, s6  }
.Ltmp2:
0x3a: {  	_ = 	snop;
	(pc) =	sbr.rel @p1 .LBB1_5-.Ltmp2, $1  }
0x3b: {  	_ =	sdelay $0x3  }
0x3c: {  	s18 =	simm.s32 $0x1  }
0x3d: {  	_ =	swait.ge [sflag:s5], $0x4000;
	s18 =	simm.s32 @!p0 $0x0  }
0x3e: {  	[sflag:s5] =	ssyncset.done $0x0;
	s19 =	sshll.u32 s18, $0xE  }
0x3f: {  	[sflag:s5] =	ssyncadd.s32 $0xFFFFC000;
	s21 =	sor.u32 $0x40, s19  }
0x40: {  	s18 =	smul.u32 $0x10200, s18;
	v0 =	vld [tilespmem:s21+$0x30]  }
0x41: {  	v3 =	vld [tilespmem:s21+$0xFFFFFFD0]  }
0x42: {  	s18 =	sshrl.u32 s18, $0x2;
	v4 =	vld [tilespmem:s21+$0xFFFFFFE0]  }
0x43: {  	v5 =	vld [tilespmem:s21+$0xFFFFFFF0];
	s19 =	sor.u32 $0x8000, s18  }
0x44: {  	s31 =	sand.u32 $0x1, s14;
	v1 =	vld [tilespmem:s21+$0x0];
	s20 =	sadd.s32 $0x0, s19  }
0x45: {  	v2 =	vld [tilespmem:s21+$0x10];
	s18 =	smul.u32 $0x10200, s31;
	[tilespmem:s20+$0x3870 ss:$0x81] =	vst.msk $0xffff, v0  }
0x46: {  	[tilespmem:s20+$0x810 ss:$0x81] =	vst.msk $0xffff, v3;
	v3 =	vld [tilespmem:s21+$0x20]  }
0x47: {  	s18 =	sshrl.u32 s18, $0x2;
	v0 =	vld [tilespmem:s21+$0xFFFFFFC0];
	[tilespmem:s20+$0x1020 ss:$0x81] =	vst.msk $0xffff, v4;
	s21 =	sadd.s32 $0x80, s21  }
0x48: {  	s22 =	simm.s32 $0x4;
	s23 =	simm.s32 $0x8;
	s18 =	sor.u32 $0x8000, s18;
	[tilespmem:s20+$0x1830 ss:$0x81] =	vst.msk $0xffff, v5;
	v4 =	vld [tilespmem:s21+$0x30]  }
.LBB1_3:
0x49: {  	p1 =	sne.s32 s23, $0x1FC;
	v5 =	vld [tilespmem:s21+$0xFFFFFFD0];
	[tilespmem:s20+$0x2040 ss:$0x81] =	vst.msk $0xffff, v1  }
0x4a: {  	v6 =	vld [tilespmem:s21+$0xFFFFFFE0];
	[tilespmem:s20+$0x2850 ss:$0x81] =	vst.msk $0xffff, v2  }
0x4b: {  	s24 =	sshra.s32 s22, $0x2;
	s22 =	smov.u32 s23;
	v7 =	vld [tilespmem:s21+$0xFFFFFFF0];
	[tilespmem:s20+$0x3060 ss:$0x81] =	vst.msk $0xffff, v3  }
.Ltmp3:
0x4c: {  	v1 =	vld [tilespmem:s21+$0x0];
	[tilespmem:s20+$0x0 ss:$0x81] =	vst.msk $0xffff, v0;
	s20 =	sadd.s32 s24, s19;
	(pc) =	sbr.rel @p1 .LBB1_3-.Ltmp3, $4  }
0x4d: {  	v2 =	vld [tilespmem:s21+$0x10];
	[tilespmem:s20+$0x3870 ss:$0x81] =	vst.msk $0xffff, v4  }
0x4e: {  	[tilespmem:s20+$0x810 ss:$0x81] =	vst.msk $0xffff, v5;
	v3 =	vld [tilespmem:s21+$0x20]  }
0x4f: {  	v0 =	vld [tilespmem:s21+$0xFFFFFFC0];
	[tilespmem:s20+$0x1020 ss:$0x81] =	vst.msk $0xffff, v6;
	s21 =	sadd.s32 $0x80, s21  }
0x50: {  	s23 =	sadd.s32 $0x4, s23;
	v4 =	vld [tilespmem:s21+$0x30];
	[tilespmem:s20+$0x1830 ss:$0x81] =	vst.msk $0xffff, v7  }
.Ltmp4:
0x51: {  	_ = 	snop;
	(pc) =	sbr.rel .LBB1_4-.Ltmp4, $1  }
0x52: {  	_ =	sdelay $0x3  }
.LBB1_6:
0x53: {  	_ =	sfence.sel $0x180000  }
0x54: {  	s2 =	simm.s32 $0x1;
	[bflag:$0x0] =	sbarrier.arrive $0xFFFF  }
0x55: {  	s31 =	simm.s32 $0x2;
	[sflag:s2] =	ssyncpa.u1 $0x1  }
0x56: {  	[sflag:s31] =	ssyncpa.u1 $0x1  }
0x57: {  	p0 =	sne.s32 s0, $0x0;
	_ =	strace $0x9000004A  }
0x58: {  	s0 =	sadd.s32 @!p0 $0x100000, s1;
	[bflag:$0x2] =	sbarrier.arrive $0xFFFF  }
0x59: {  	[sflag:s0] =	ssyncadd.tile.s32 @!p0 $0x1;
	_ =	shalt  }
.Lfunc_end1:
_tile_overlayer_lowered:
.L_overlay_start_2:
0x5a: {  	(tag) =	ssettag $0x2  }
0x5b: {  	s0 =	rddreg [dreg:$0x0];
	s2 =	stileid.u32  }
0x5c: {  	s1 =	rddreg [dreg:$0x1];
	p0 =	sne.s32 s2, $0x0  }
0x5d: {  	s3 =	rddreg [dreg:$0x2];
	[bflag:$0x3] =	sbarrier.arrive $0xFFFF;
	s2 =	simm.s32 @!p0 $0x1C01  }
0x5e: {  	[timem:s3], [sflag:s2] =	dma.local @!p0 [hbm:s0], s1  }
0x5f: {  	s0 =	simm.s32 @!p0 $0x1  }
0x60: {  	_ =	swait.ge @!p0 [sflag:s0], s1  }
0x61: {  	s1 =	ssub.s32 @!p0 $0x0, s1;
	[sflag:s0] =	ssyncset.done @!p0 $0x0  }
0x62: {  	[sflag:s0] =	ssyncadd.s32 @!p0 s1  }
0x63: {  	[bflag:$0x3] =	sbarrier.arrive $0xFFFF  }
0x64: {  	_ =	shalt  }

// kernel: sparse-core-data-format-call.cloned.1.call-start
scs
called_computation.2_lowered:
.L_overlay_start_0:
0x0: {  	s2 =	sld [smem:$0x3FD9]  }
0x1: {  	s3 =	sld [smem:$0x3FFE];
	_ =	sdelay $0x1  }
0x2: {  	s1 =	srdreg.scid  }
0x3: {  	s0 =	sand.u32 $0x1, s1  }
0x4: {  	s18 =	sshll.u32 s0, $0xA;
	s2 =	sadd.s32 s3, s2  }
0x5: {  	s2 =	sadd.s32 s2, s18  }
0x6: {  	[smem:$0x3F9A] =	sst s2  }
0x7: {  	_ = 	snop  }
0x8: {  	(tm) =	ssettm $0x1  }
0x9: {  	s19 =	sld [smem:$0x3FFB];
	_ =	sdelay $0x3  }
0xa: {  	_ =	strace s19  }
0xb: {  	s2 =	sld [smem:$0x3FFC];
	_ =	sdelay $0x3  }
0xc: {  	_ =	strace s2  }
0xd: {  	s2 =	sld [smem:$0x3FFD];
	_ =	sdelay $0x3  }
0xe: {  	_ =	strace s2  }
0xf: {  	_ =	strace $0x8FFFFFFF  }
0x10: {  	s20 =	sld [smem:$0x3FDB];
	_ =	sdelay $0x1  }
0x11: {  	s21 =	simm.s32 $_scs_section_size  }
0x12: {  	s4 =	simm.s32 $_size__tile_overlayer_lowered;
	s5 =	simm.s32 $_tile_overlayer_lowered  }
0x13: {  	s6 =	simm.s32 $0x1BFF;
	s22 =	sshll.u32 s5, $0x1;
	s3 =	sadd.s32 s21, s20  }
0x14: {  	s23 =	simm.s32 $0x0;
	s4 =	sshll.u32 s4, $0x1;
	s5 =	sadd.s32 s22, s3  }
0x15: {  	[timem:s23], [sflag:s6] =	dma.local [hbm:s5], s4  }
0x16: {  	_ =	swait.ge [sflag:s6], s4  }
0x17: {  	s4 =	ssub.s32 $0x0, s4;
	[sflag:s6] =	ssyncset.done $0x0  }
0x18: {  	[sflag:s6] =	ssyncadd.s32 s4;
	_ =	sdelay $0x1  }
0x19: {  	s24 =	simm.s32 $0x1B8B  }
0x1a: {  	_ =	swait.ge [sflag:s24], $0x1  }
0x1b: {  	[sflag:s24] =	ssyncset.done $0x0  }
0x1c: {  	[sflag:s24] =	ssyncadd.s32 $0xFFFFFFFF  }
0x1d: {  	s4 =	sld [smem:$0x0]  }
0x1e: {  	s5 =	sand.u32 $0xFFFFFFFE, s1  }
0x1f: {  	p0 =	sne.s32 s1, s5  }
0x20: {  	s5 =	sshll.u32 @p0 s5, $0xE  }
0x21: {  	s5 =	sadd.s32 @p0 $0x11B8D, s5;
	s6 =	sshll.u32 @p0 s4, $0x11  }
0x22: {  	s5 =	sor.u32 @p0 s6, s5  }
0x23: {  	[sflag:s5] =	ssyncadd.remote.s32 @p0 $0x1;
	_ =	sdelay $0x1  }
0x24: {  	s5 =	simm.s32 @p0 $0x1B8D  }
0x25: {  	_ =	swait.eq @p0 [sflag:s5], $0x1  }
0x26: {  	[sflag:s5] =	ssyncadd.s32 @p0 $0xFFFFFFFF  }
0x27: {  	s6 =	sshll.u32 @!p0 s1, $0xE  }
0x28: {  	s6 =	sor.u32 @!p0 $0x4000, s6;
	s5 =	simm.s32 @!p0 $0x1B8D  }
0x29: {  	s4 =	sshll.u32 @!p0 s4, $0x11;
	s6 =	sadd.s32 @!p0 $0x11B8D, s6;
	_ =	swait.eq @!p0 [sflag:s5], $0x1  }
0x2a: {  	s4 =	sor.u32 @!p0 s4, s6;
	[sflag:s5] =	ssyncadd.s32 @!p0 $0xFFFFFFFF  }
0x2b: {  	s26 =	simm.s32 $0x1B8E;
	s25 =	sld [smem:$0x3FFE];
	[sflag:s4] =	ssyncadd.remote.s32 @!p0 $0x1  }
0x2c: {  	s27 =	simm.s32 $execute0_lowered;
	[smem:$0x3FD2] =	sst s26  }
0x2d: {  	s5 =	sshll.u32 s27, $0x1;
	_ =	strace $0x80000052;
	[dreg:$0x1] =	wrdreg $0xFFFFFFFF  }
0x2e: {  	s28 =	simm.s32 $_size_execute0_lowered;
	s3 =	sadd.s32 s3, s5;
	[dreg:$0x0] =	wrdreg $0x0  }
0x2f: {  	s5 =	sshll.u32 s28, $0x1;
	[dreg:$0x2] =	wrdreg s3  }
0x30: {  	[dreg:$0x3] =	wrdreg s5  }
0x31: {  	[dreg:$0x4] =	wrdreg $0xC0  }
0x32: {  	_ =	task [dreg:s23], $0x5FFFF  }
0x33: {  	[dreg:$0x1] =	wrdreg $0xFFFFFFFF  }
0x34: {  	[dreg:$0x0] =	wrdreg $0x60  }
0x35: {  	[dreg:$0x2] =	wrdreg s25  }
0x36: {  	[dreg:$0x3] =	wrdreg $0xB  }
0x37: {  	_ =	task.clear_ibuf [dreg:s23], $0x4FFFF;
	_ =	strace $0x90000052  }
0x38: {  	s29 =	simm.s32 $0xB;
	_ =	strace $0x80000054  }
0x39: {  	_ =	swait.ge [sflag:s29], $0x1  }
0x3a: {  	[sflag:s29] =	ssyncadd.s32 $0xFFFFFFFF  }
0x3b: {  	_ =	strace $0x90000054  }
0x3c: {  	_ =	sfence  }
0x3d: {  	s30 =	sld [smem:$0x0];
	_ =	sdelay $0x2  }
0x3e: {  	s31 =	sshll.u32 s1, $0xD;
	s1 =	sshrl.u32 s1, $0x2  }
0x3f: {  	s4 =	sand.u32 $0x4000, s31;
	s1 =	sadd.s32 s1, s30  }
0x40: {  	s0 =	sor.u32 s4, s0;
	s1 =	sshll.u32 s1, $0x11  }
0x41: {  	s0 =	sor.u32 s1, s0  }
0x42: {  	s0 =	sadd.s32 $0x8F2B, s0  }
0x43: {  	[sflag:s0] =	ssyncadd.remote.s32 $0x1  }
0x44: {  	_ =	sfence.sel $0xFFFF  }
0x45: {  	[dreg:$0x0] =	wrdreg $0xFFFFFFFF;
	(pc) =	sbr.abs _section_cstart, $3  }
0x46: {  	[dreg:$0x1] =	wrdreg $0xFFFFFFFF  }
0x47: {  	_ =	task.clear_ibuf [dreg:s23], $0x2FFFF;
	_ =	strace $0x9FFFFFFF  }
0x48: {  	(tm) =	ssettm $0x7FFFFFFF  }
0x49: {  	_ =	shalt  }
tec
execute0_lowered:
.L_overlay_start_1:
0x0: {  	(tag) =	ssettag $0x1  }
0x1: {  	s0 =	stileid.u32  }
0x2: {  	s1 =	srdreg.scid;
	s4 =	rddreg [dreg:$0x0];
	s8 =	simm.s32 $0x1  }
0x3: {  	s9 =	simm.s32 $0x2;
	s15 =	simm.s32 $0x0;
	s14 =	simm.s32 $0x0  }
0x4: {  	s16 =	simm.s32 $0x0;
	s2 =	sshll.u32 s0, $0x6;
	s3 =	sshll.u32 s1, $0xA  }
0x5: {  	s11 =	simm.s32 $0x0;
	s13 =	simm.s32 $0x0;
	s2 =	sor.u32 s2, s3  }
0x6: {  	s1 =	rddreg [dreg:$0x1];
	_ =	strace $0x80000053;
	s2 =	sand.u32 $0x700, s2  }
0x7: {  	s5 =	sand.u32 $0x3, s0;
	s3 =	sadd.s32 $0x24F600, s4;
	s7 =	ssub.s32 $0x21000, s2  }
.Ltmp0:
0x8: {  	s4 =	sadd.s32 $0x66F600, s4;
	s6 =	sand.u32 $0x700, s7;
	(pc) =	sbr.rel .LBB1_1-.Ltmp0, $4  }
0x9: {  	s12 =	smov.u32 s5;
	s10 =	smov.u32 s2;
	p0 =	sne.s32 s6, $0x0  }
0xa: {  	s7 =	sshrl.u32 s7, $0xB;
	s6 =	simm.s32 $0x1;
	s8 =	simm.s32 @!p0 $0x0  }
0xb: {  	[sflag:s6] =	ssyncpa.u1 $0x0;
	p0 =	por $0x0, $0x0;
	s7 =	sadd.s32 s8, s7  }
0xc: {  	[sflag:s9] =	ssyncpa.u1 $0x0;
	s9 =	simm.s32 $0x200;
	s8 =	sadd.s32 $0x1, s7  }
.LBB1_4:
0xd: {  	_ = 	snop  }
0xe: {  	[tilespmem:s21+$0x1860 ss:$0x41] =	vst.msk $0xffff, v8  }
0xf: {  	[tilespmem:s21+$0x1C70 ss:$0x41] =	vst.msk $0xffff, v7  }
0x10: {  	[tilespmem:s21+$0x2490 ss:$0x41] =	vst.msk $0xffff, v1  }
0x11: {  	s24 =	sor.u32 s27, s26;
	v47 =	vld.idx.msk [tilespmem:v0+s19+$0x470 ss:$0x1], $0xffff;
	[tilespmem:s21+$0x28A0 ss:$0x41] =	vst.msk $0xffff, v2  }
0x12: {  	[tilespmem:s21+$0x2CB0 ss:$0x41] =	vst.msk $0xffff, v3;
	v57 =	vld.idx.msk [tilespmem:v0+s24+$0x410 ss:$0x1], $0xffff  }
0x13: {  	[tilespmem:s21+$0x30C0 ss:$0x41] =	vst.msk $0xffff, v4;
	v58 =	vld.idx.msk [tilespmem:v0+s24+$0x420 ss:$0x1], $0xffff  }
0x14: {  	[tilespmem:s21+$0x34D0 ss:$0x41] =	vst.msk $0xffff, v5;
	v59 =	vld.idx.msk [tilespmem:v0+s24+$0x430 ss:$0x1], $0xffff  }
0x15: {  	s29 =	sshra.s32 s22, $0x2;
	[tilespmem:s21+$0x38E0 ss:$0x41] =	vst.msk $0xffff, v6;
	v60 =	vld.idx.msk [tilespmem:v0+s24+$0x440 ss:$0x1], $0xffff  }
0x16: {  	s25 =	sand.u32 $0x3B00, s24;
	s19 =	sadd.s32 s29, s20;
	v61 =	vld.idx.msk [tilespmem:v0+s24+$0x450 ss:$0x1], $0xffff;
	[tilespmem:s21+$0x3CF0 ss:$0x41] =	vst.msk $0xffff, v47  }
0x17: {  	s23 =	sand.u32 $0x80, s23;
	v62 =	vld.idx.msk [tilespmem:v0+s24+$0x460 ss:$0x1], $0xffff;
	s18 =	sadd.s32 s25, s18;
	[tilespmem:s19+$0x2490 ss:$0x41] =	vst.msk $0xffff, v57  }
0x18: {  	v63 =	vld.idx.msk [tilespmem:v0+s24+$0x470 ss:$0x1], $0xffff;
	s18 =	sadd.s32 s23, s18;
	[tilespmem:s19+$0x28A0 ss:$0x41] =	vst.msk $0xffff, v58  }
0x19: {  	v48 =	vld [tilespmem:s18+$0x400];
	[tilespmem:s19+$0x2CB0 ss:$0x41] =	vst.msk $0xffff, v59  }
0x1a: {  	v49 =	vld [tilespmem:s18+$0x0];
	[tilespmem:s19+$0x30C0 ss:$0x41] =	vst.msk $0xffff, v60  }
0x1b: {  	v50 =	vld [tilespmem:s18+$0x10];
	[tilespmem:s19+$0x34D0 ss:$0x41] =	vst.msk $0xffff, v61  }
0x1c: {  	v51 =	vld [tilespmem:s18+$0x20];
	[tilespmem:s19+$0x38E0 ss:$0x41] =	vst.msk $0xffff, v62  }
0x1d: {  	v52 =	vld [tilespmem:s18+$0x30];
	[tilespmem:s19+$0x3CF0 ss:$0x41] =	vst.msk $0xffff, v63  }
0x1e: {  	v53 =	vld [tilespmem:s18+$0x40];
	[tilespmem:s19+$0x2080 ss:$0x41] =	vst.msk $0xffff, v48  }
0x1f: {  	v54 =	vld [tilespmem:s18+$0x50];
	[tilespmem:s19+$0x0 ss:$0x41] =	vst.msk $0xffff, v49  }
0x20: {  	v55 =	vld [tilespmem:s18+$0x60];
	[tilespmem:s19+$0x410 ss:$0x41] =	vst.msk $0xffff, v50  }
0x21: {  	v56 =	vld [tilespmem:s18+$0x70];
	[tilespmem:s19+$0x820 ss:$0x41] =	vst.msk $0xffff, v51  }
0x22: {  	s16 =	sshll.u32 s16, $0x4;
	[tilespmem:s19+$0xC30 ss:$0x41] =	vst.msk $0xffff, v52  }
0x23: {  	s15 =	sshll.u32 s15, $0x6;
	s16 =	sand.u32 $0x30, s16;
	[tilespmem:s19+$0x1040 ss:$0x41] =	vst.msk $0xffff, v53  }
0x24: {  	s30 =	sshrl.u32 s14, $0x3;
	s31 =	sand.u32 $0x7, s14;
	s16 =	sadd.s32 s4, s16;
	[tilespmem:s19+$0x1450 ss:$0x41] =	vst.msk $0xffff, v54  }
0x25: {  	s14 =	sshll.u32 s31, $0x12;
	s15 =	sadd.s32 s15, s16;
	s18 =	sand.u32 $0xF, s30;
	[tilespmem:s19+$0x1860 ss:$0x41] =	vst.msk $0xffff, v55  }
0x26: {  	s14 =	sor.u32 $0x40, s14;
	s15 =	sadd.s32 s18, s15;
	[tilespmem:s19+$0x1C70 ss:$0x41] =	vst.msk $0xffff, v56  }
0x27: {  	[hbm4b:s15+s14] =	stream.strided.scatter [tilespmem:s17], [sflag:$0x2], $0x4000, s9, s14, $0x18;
	[tilespmem:$0x10200] =	vst v63  }
.LBB1_5:
0x28: {  	s17 =	sadd.s32 $0x800, s10  }
0x29: {  	s14 =	sadd.s32 $0x40, s11;
	s18 =	smov.u32 s11;
	p2 =	sgt.s32 s17, $0x20FFF  }
0x2a: {  	s18 =	smov.u32 @p2 s14  }
0x2b: {  	s20 =	smov.u32 s12;
	s14 =	sadd.s32 $0x4, s12;
	p3 =	sgt.s32 s18, $0x3F  }
0x2c: {  	s20 =	smov.u32 @p3 s14  }
0x2d: {  	s17 =	smov.u32 @p2 s2;
	p2 =	sgt.s32 s20, $0x3  }
0x2e: {  	p1 =	slt.u32 s13, $0x2;
	s20 =	smov.u32 @p2 s5;
	p2 =	sne.s32 s13, s8  }
.Ltmp1:
0x2f: {  	s19 =	simm.s32 @!p1 $0x2;
	(pc) =	sbr.rel @!p2 .LBB1_6-.Ltmp1, $4  }
0x30: {  	s15 =	smov.u32 s10;
	s16 =	smov.u32 s12;
	_ =	swait.ge @!p1 [sflag:s19], $0x4000  }
0x31: {  	p0 =	por !p0, !p0;
	[sflag:s19] =	ssyncset.done @!p1 $0x0;
	s10 =	smov.u32 s17  }
0x32: {  	s18 =	simm.s32 @p3 $0x0;
	s14 =	smov.u32 s11;
	[sflag:s19] =	ssyncadd.s32 @!p1 $0xFFFFC000  }
0x33: {  	s11 =	smov.u32 s18;
	s13 =	sadd.s32 $0x1, s13;
	s12 =	smov.u32 s20  }
.LBB1_1:
0x34: {  	p1 =	sge.u32 s13, s7  }
0x35: {  	s17 =	sshrl.u32 @!p1 s11, $0x3  }
0x36: {  	s18 =	sshll.u32 @!p1 s10, $0x3;
	s19 =	sshll.u32 @!p1 s11, $0x7;
	s17 =	smul.u32 @!p1 $0x108000, s17  }
0x37: {  	s20 =	sand.u32 @!p1 $0x7F, s10;
	s18 =	sand.u32 @!p1 $0xFFFFFC00, s18;
	s19 =	sand.u32 @!p1 $0x380, s19  }
0x38: {  	s17 =	sadd.s32 @!p1 s17, s18;
	s18 =	sor.u32 @!p1 s20, s19  }
0x39: {  	s18 =	sor.u32 @!p1 s17, s18  }
0x3a: {  	s19 =	smulhi.u32 @!p1 $0x3E0F83E1, s18  }
0x3b: {  	s17 =	smulhi.u32 @!p1 $0x3E0F83E1, s17  }
0x3c: {  	s19 =	sshrl.u32 @!p1 s19, $0xF  }
0x3d: {  	s31 =	sadd.s32 $0xFFFFFFFF, s13;
	s17 =	sshrl.u32 @!p1 s17, $0xF;
	s19 =	smul.u32 @!p1 $0x21000, s19  }
0x3e: {  	s21 =	smul.u32 @!p1 $0x108000, s12;
	s20 =	sxor.u32 @!p1 $0xFFFFFFFF, s13;
	s17 =	sand.u32 @!p1 $0x3F, s17  }
0x3f: {  	s20 =	sshll.u32 @!p1 s20, $0xE;
	s17 =	smul.u32 @!p1 $0x4200, s17;
	s18 =	ssub.s32 @!p1 s18, s19  }
0x40: {  	s19 =	sand.u32 @!p1 $0x4000, s20;
	s20 =	sadd.s32 @!p1 s3, s21;
	s21 =	sand.u32 @!p1 $0x7, s18  }
0x41: {  	s18 =	sshrl.u32 @!p1 s18, $0x3;
	s17 =	sadd.s32 @!p1 s17, s20;
	s20 =	sshll.u32 @!p1 s21, $0x12  }
0x42: {  	s17 =	sadd.s32 @!p1 s18, s17;
	s18 =	sor.u32 @!p1 $0x800, s20;
	s20 =	simm.s32 @!p1 $0x108000  }
0x43: {  	[tilespmem:s19], [sflag:$0x1] =	stream.strided.gather @!p1 [hbm4b:s17+s18], $0x4000, s20, s18, $0x38;
	[tilespmem:$0x10200] =	vst v63  }
0x44: {  	p1 =	sge.u32 s31, s7  }
.Ltmp2:
0x45: {  	_ = 	snop;
	(pc) =	sbr.rel @p1 .LBB1_5-.Ltmp2, $1  }
0x46: {  	_ =	sdelay $0x3  }
0x47: {  	s20 =	simm.s32 $0x0  }
0x48: {  	s19 =	sand.u32 $0x3800, s20;
	s21 =	sand.u32 $0x380, s20  }
0x49: {  	s17 =	sand.u32 $0x1, s13;
	s19 =	sor.u32 s21, s19  }
0x4a: {  	_ =	swait.ge [sflag:s6], $0x4000;
	s18 =	sshll.u32 s17, $0xE;
	s21 =	sand.u32 $0x3B00, s19  }
0x4b: {  	[sflag:s6] =	ssyncset.done $0x0;
	s20 =	sand.u32 $0x80, s20;
	s21 =	sadd.s32 s21, s18  }
0x4c: {  	[sflag:s6] =	ssyncadd.s32 $0xFFFFC000;
	s23 =	sadd.s32 s20, s21  }
0x4d: {  	v4 =	vld [tilespmem:s23+$0x400]  }
0x4e: {  	s22 =	simm.s32 $0x1;
	v5 =	vld [tilespmem:s23+$0x0]  }
0x4f: {  	s22 =	simm.s32 @!p0 $0x0;
	v6 =	vld [tilespmem:s23+$0x10]  }
0x50: {  	v0 =	vmov s18;
	s31 =	smul.u32 $0x10400, s22;
	v7 =	vld [tilespmem:s23+$0x20]  }
0x51: {  	v9 =	vld [tilespmem:s23+$0x30]  }
0x52: {  	s20 =	sshrl.u32 s31, $0x2;
	v10 =	vld [tilespmem:s23+$0x40]  }
0x53: {  	s20 =	sor.u32 $0x8000, s20;
	v11 =	vld [tilespmem:s23+$0x50]  }
0x54: {  	v8 =	vld [tilespmem:s23+$0x60];
	s21 =	sadd.s32 $0x0, s20  }
0x55: {  	v1 =	vld.idx.msk [tilespmem:v0+s19+$0x410 ss:$0x1], $0xffff;
	[tilespmem:s21+$0x2080 ss:$0x41] =	vst.msk $0xffff, v4  }
0x56: {  	v2 =	vld.idx.msk [tilespmem:v0+s19+$0x420 ss:$0x1], $0xffff;
	[tilespmem:s21+$0x0 ss:$0x41] =	vst.msk $0xffff, v5  }
0x57: {  	v3 =	vld.idx.msk [tilespmem:v0+s19+$0x430 ss:$0x1], $0xffff;
	[tilespmem:s21+$0x410 ss:$0x41] =	vst.msk $0xffff, v6  }
0x58: {  	s17 =	smul.u32 $0x10400, s17;
	[tilespmem:s21+$0x820 ss:$0x41] =	vst.msk $0xffff, v7;
	v7 =	vld [tilespmem:s23+$0x70]  }
0x59: {  	s24 =	simm.s32 $0x100;
	s25 =	simm.s32 $0x8;
	[tilespmem:s21+$0xC30 ss:$0x41] =	vst.msk $0xffff, v9;
	v4 =	vld.idx.msk [tilespmem:v0+s19+$0x440 ss:$0x1], $0xffff  }
0x5a: {  	s26 =	sand.u32 $0x3800, s24;
	s17 =	sshrl.u32 s17, $0x2;
	[tilespmem:s21+$0x1040 ss:$0x41] =	vst.msk $0xffff, v10;
	v5 =	vld.idx.msk [tilespmem:v0+s19+$0x450 ss:$0x1], $0xffff;
	s23 =	simm.s32 $0x80  }
0x5b: {  	s22 =	simm.s32 $0x4;
	s17 =	sor.u32 $0x8000, s17;
	[tilespmem:s21+$0x1450 ss:$0x41] =	vst.msk $0xffff, v11;
	v6 =	vld.idx.msk [tilespmem:v0+s19+$0x460 ss:$0x1], $0xffff;
	s27 =	sand.u32 $0x380, s23  }
.LBB1_3:
0x5c: {  	p1 =	sne.s32 s25, $0xFC;
	[tilespmem:s21+$0x1860 ss:$0x41] =	vst.msk $0xffff, v8;
	v8 =	vld.idx.msk [tilespmem:v0+s19+$0x470 ss:$0x1], $0xffff;
	s19 =	sor.u32 s27, s26  }
0x5d: {  	s26 =	sand.u32 $0x3B00, s19;
	v9 =	vld.idx.msk [tilespmem:v0+s19+$0x410 ss:$0x1], $0xffff;
	[tilespmem:s21+$0x1C70 ss:$0x41] =	vst.msk $0xffff, v7  }
0x5e: {  	s27 =	sand.u32 $0x80, s23;
	s26 =	sadd.s32 s26, s18;
	v7 =	vld.idx.msk [tilespmem:v0+s19+$0x420 ss:$0x1], $0xffff;
	[tilespmem:s21+$0x2490 ss:$0x41] =	vst.msk $0xffff, v1  }
0x5f: {  	s26 =	sadd.s32 s27, s26;
	v10 =	vld.idx.msk [tilespmem:v0+s19+$0x430 ss:$0x1], $0xffff;
	[tilespmem:s21+$0x28A0 ss:$0x41] =	vst.msk $0xffff, v2  }
0x60: {  	v11 =	vld [tilespmem:s26+$0x400];
	[tilespmem:s21+$0x2CB0 ss:$0x41] =	vst.msk $0xffff, v3  }
0x61: {  	v12 =	vld [tilespmem:s26+$0x0];
	[tilespmem:s21+$0x30C0 ss:$0x41] =	vst.msk $0xffff, v4  }
0x62: {  	v4 =	vld [tilespmem:s26+$0x10];
	[tilespmem:s21+$0x34D0 ss:$0x41] =	vst.msk $0xffff, v5  }
0x63: {  	s27 =	sshra.s32 s22, $0x2;
	s22 =	smov.u32 s25;
	v1 =	vmov v9;
	v5 =	vld [tilespmem:s26+$0x20];
	[tilespmem:s21+$0x38E0 ss:$0x41] =	vst.msk $0xffff, v6  }
0x64: {  	v2 =	vmov v7;
	v6 =	vld [tilespmem:s26+$0x30];
	[tilespmem:s21+$0x3CF0 ss:$0x41] =	vst.msk $0xffff, v8;
	s21 =	sadd.s32 s27, s20  }
0x65: {  	v3 =	vmov v10;
	v9 =	vld [tilespmem:s26+$0x40];
	[tilespmem:s21+$0x2080 ss:$0x41] =	vst.msk $0xffff, v11  }
0x66: {  	[tilespmem:s21+$0x0 ss:$0x41] =	vst.msk $0xffff, v12;
	v10 =	vld [tilespmem:s26+$0x50]  }
.Ltmp3:
0x67: {  	[tilespmem:s21+$0x410 ss:$0x41] =	vst.msk $0xffff, v4;
	v8 =	vld [tilespmem:s26+$0x60];
	(pc) =	sbr.rel @p1 .LBB1_3-.Ltmp3, $4  }
0x68: {  	[tilespmem:s21+$0x820 ss:$0x41] =	vst.msk $0xffff, v5;
	v7 =	vld [tilespmem:s26+$0x70]  }
0x69: {  	[tilespmem:s21+$0xC30 ss:$0x41] =	vst.msk $0xffff, v6;
	v4 =	vld.idx.msk [tilespmem:v0+s19+$0x440 ss:$0x1], $0xffff  }
0x6a: {  	s23 =	sadd.s32 $0x80, s23;
	s24 =	sadd.s32 $0x100, s24;
	[tilespmem:s21+$0x1040 ss:$0x41] =	vst.msk $0xffff, v9;
	v5 =	vld.idx.msk [tilespmem:v0+s19+$0x450 ss:$0x1], $0xffff  }
0x6b: {  	s25 =	sadd.s32 $0x4, s25;
	s27 =	sand.u32 $0x380, s23;
	s26 =	sand.u32 $0x3800, s24;
	[tilespmem:s21+$0x1450 ss:$0x41] =	vst.msk $0xffff, v10;
	v6 =	vld.idx.msk [tilespmem:v0+s19+$0x460 ss:$0x1], $0xffff  }
.Ltmp4:
0x6c: {  	_ = 	snop;
	(pc) =	sbr.rel .LBB1_4-.Ltmp4, $1  }
0x6d: {  	_ =	sdelay $0x3  }
.LBB1_6:
0x6e: {  	_ =	sfence.sel $0x180000  }
0x6f: {  	s2 =	simm.s32 $0x1;
	[bflag:$0x0] =	sbarrier.arrive $0xFFFF  }
0x70: {  	s31 =	simm.s32 $0x2;
	[sflag:s2] =	ssyncpa.u1 $0x1  }
0x71: {  	[sflag:s31] =	ssyncpa.u1 $0x1  }
0x72: {  	p0 =	sne.s32 s0, $0x0;
	_ =	strace $0x90000053  }
0x73: {  	s0 =	sadd.s32 @!p0 $0x100000, s1;
	[bflag:$0x2] =	sbarrier.arrive $0xFFFF  }
0x74: {  	[sflag:s0] =	ssyncadd.tile.s32 @!p0 $0x1;
	_ =	shalt  }
.Lfunc_end1:
_tile_overlayer_lowered:
.L_overlay_start_2:
0x75: {  	(tag) =	ssettag $0x2  }
0x76: {  	s0 =	rddreg [dreg:$0x0];
	s2 =	stileid.u32  }
0x77: {  	s1 =	rddreg [dreg:$0x1];
	p0 =	sne.s32 s2, $0x0  }
0x78: {  	s3 =	rddreg [dreg:$0x2];
	[bflag:$0x3] =	sbarrier.arrive $0xFFFF;
	s2 =	simm.s32 @!p0 $0x1C01  }
0x79: {  	[timem:s3], [sflag:s2] =	dma.local @!p0 [hbm:s0], s1  }
0x7a: {  	s0 =	simm.s32 @!p0 $0x1  }
0x7b: {  	_ =	swait.ge @!p0 [sflag:s0], s1  }
0x7c: {  	s1 =	ssub.s32 @!p0 $0x0, s1;
	[sflag:s0] =	ssyncset.done @!p0 $0x0  }
0x7d: {  	[sflag:s0] =	ssyncadd.s32 @!p0 s1  }
0x7e: {  	[bflag:$0x3] =	sbarrier.arrive $0xFFFF  }
0x7f: {  	_ =	shalt  }

</sc_bundles>
